<compile_context>
chip_gen: v7x
topology: tpu7x:2x2x1
jax: 0.10.2.dev20260603
libtpu: 0.0.44.dev20260713+nightly
codegen_flags: <defaults>
</compile_context>

<pallas_src>
import jax
import jax.numpy as jnp
from jax import lax
from jax.experimental import pallas as pl
from jax.experimental.pallas import tpu as pltpu
from jax.experimental.pallas import tpu_sc as plsc

N_NODES = 10000
N_EDGES = 160000
D = 256
H = 128
NC = 2
NS = 16
CHUNK = 128
E_PAD = 163840
NCHUNKS = E_PAD // CHUNK
CH_PER_SUB = NCHUNKS // NS
CH_PER_WKR = NCHUNKS // (NC * NS)
NBUF = 4
N_PAD = 10240
ROWS_PER_SUB = N_PAD // NS
TRASH = N_NODES
BM = 1000
GRID_M = N_NODES // BM


def _sc_mesh():
    return plsc.VectorSubcoreMesh(core_axis_name="c", subcore_axis_name="s")



def _deg_body(edges3, ones_hbm, zrows, out, ones_v, dst_b, acc,
              sg0, sg1, sg2, sg3):
    c = lax.axis_index("c")
    s = lax.axis_index("s")
    w = c * NS + s
    c0 = w * CH_PER_WKR
    pltpu.sync_copy(ones_hbm, ones_v)
    pltpu.sync_copy(edges3.at[1, pl.ds(c0, CH_PER_WKR), :], dst_b)
    pltpu.sync_copy(zrows, acc.at[pl.ds(s * ROWS_PER_SUB, ROWS_PER_SUB), :])
    plsc.subcore_barrier()
    sems = (sg0, sg1, sg2, sg3)

    def body(t, carry):
        for u in range(NBUF):
            j = t * NBUF + u
            pltpu.async_copy(ones_v, acc.at[dst_b.at[j]], sems[u], add=True)
        return carry

    lax.fori_loop(0, CH_PER_WKR // NBUF, body, 0)

    def drain(t, carry):
        for u in range(NBUF):
            j = t * NBUF + u
            pltpu.make_async_copy(ones_v, acc.at[dst_b.at[j]], sems[u]).wait()
        return carry

    lax.fori_loop(0, CH_PER_WKR // NBUF, drain, 0)
    plsc.subcore_barrier()
    pltpu.sync_copy(acc.at[pl.ds(s * ROWS_PER_SUB, ROWS_PER_SUB), :],
                    out.at[c, pl.ds(s * ROWS_PER_SUB, ROWS_PER_SUB), :])


def _sc_deg(edges3, ones128, z128):
    return pl.kernel(
        _deg_body,
        out_type=jax.ShapeDtypeStruct((NC, N_PAD, H), jnp.float32),
        mesh=_sc_mesh(),
        scratch_types=[
            pltpu.VMEM((CHUNK, H), jnp.float32),
            pltpu.VMEM((CH_PER_WKR, CHUNK), jnp.int32),
            pltpu.VMEM_SHARED((N_PAD, H), jnp.float32),
            pltpu.SemaphoreType.DMA,
            pltpu.SemaphoreType.DMA,
            pltpu.SemaphoreType.DMA,
            pltpu.SemaphoreType.DMA,
        ],
    )(edges3, ones128, z128)



def _scatter_body(g2d, edges_i, zrows, out, i00, i01, r0, r1, acc,
                  sg0, sg1, ss0, ss1):
    c = lax.axis_index("c")
    s = lax.axis_index("s")
    idx = (i00, i01)
    rows = (r0, r1)
    sem_g = (sg0, sg1)
    sem_s = (ss0, ss1)

    pltpu.sync_copy(zrows, acc.at[pl.ds(s * ROWS_PER_SUB, ROWS_PER_SUB), :])
    plsc.subcore_barrier()

    def stage(k, p, q):
        pltpu.sync_copy(edges_i.at[k], idx[p])

        @pl.when(c == 1)
        def _():
            for v in range(CHUNK // 16):
                sl = pl.ds(v * 16, 16)
                idx[p][0, sl] = idx[p][0, sl] + N_PAD

        pltpu.async_copy(g2d.at[idx[p].at[0]], rows[p], sem_g[p])

    def drain(p):
        pltpu.make_async_copy(g2d.at[idx[p].at[0]], rows[p], sem_g[p]).wait()
        pltpu.sync_copy(rows[p], acc.at[idx[p].at[1]], add=True)

    def body(q, carry):
        stage(s + NS * (2 * q), 0, q)
        stage(s + NS * (2 * q + 1), 1, q)
        drain(0)
        drain(1)
        return carry

    lax.fori_loop(0, CH_PER_SUB // 2, body, 0)

    plsc.subcore_barrier()
    pltpu.sync_copy(acc.at[pl.ds(s * ROWS_PER_SUB, ROWS_PER_SUB), :],
                    out.at[c, pl.ds(s * ROWS_PER_SUB, ROWS_PER_SUB), :])


def _sc_scatter(g2d, edges_i, z128):
    return pl.kernel(
        _scatter_body,
        out_type=jax.ShapeDtypeStruct((NC, N_PAD, H), jnp.float32),
        mesh=_sc_mesh(),
        scratch_types=[
            pltpu.VMEM((2, CHUNK), jnp.int32),
            pltpu.VMEM((2, CHUNK), jnp.int32),
            pltpu.VMEM((CHUNK, H), jnp.float32),
            pltpu.VMEM((CHUNK, H), jnp.float32),
            pltpu.VMEM_SHARED((N_PAD, H), jnp.float32),
            pltpu.SemaphoreType.DMA,
            pltpu.SemaphoreType.DMA,
            pltpu.SemaphoreType.DMA,
            pltpu.SemaphoreType.DMA,
        ],
    )(g2d, edges_i, z128)



def _dinv(dcnt_ref):
    deg = dcnt_ref[0][:, :1] + dcnt_ref[1][:, :1] + 1.0
    return lax.rsqrt(deg)


def _gelu(x):
    return 0.5 * x * (1.0 + lax.erf(x * 0.7071067811865476))


def _first_body(x_ref, w_ref, dcnt_ref, out_ref, dinv_ref):
    dinv = _dinv(dcnt_ref)
    dinv_ref[...] = dinv
    h = jnp.dot(x_ref[...], w_ref[...], preferred_element_type=jnp.float32)
    g = dinv * h
    out_ref[0] = g[:, :H]
    out_ref[1] = g[:, H:]


def _mid_body(acc_ref, g_ref, dinv_ref, b_ref, w_ref, out_ref):
    dinv = dinv_ref[...]
    pre = jnp.concatenate([acc_ref[0] + g_ref[0], acc_ref[1] + g_ref[1]], axis=1)
    a = _gelu(dinv * pre + b_ref[...])
    hn = jnp.dot(a, w_ref[...], preferred_element_type=jnp.float32)
    gn = dinv * hn
    out_ref[0] = gn[:, :H]
    out_ref[1] = gn[:, H:]


def _final_body(acc_ref, g_ref, dinv_ref, b_ref, out_ref):
    dinv = dinv_ref[...]
    pre = jnp.concatenate([acc_ref[0] + g_ref[0], acc_ref[1] + g_ref[1]], axis=1)
    out_ref[...] = dinv * pre + b_ref[...]


_DCNT_SPEC = pl.BlockSpec((NC, BM, H), lambda i: (0, i, 0))
_DINV_SPEC = pl.BlockSpec((BM, 1), lambda i: (i, 0))
_HALVES_SPEC = pl.BlockSpec((NC, BM, H), lambda i: (0, i, 0))
_W_SPEC = pl.BlockSpec((D, D), lambda i: (0, 0))
_B_SPEC = pl.BlockSpec((1, D), lambda i: (0, 0))


def _tc_first(x, W1, dcnt):
    return pl.pallas_call(
        _first_body,
        grid=(GRID_M,),
        in_specs=[pl.BlockSpec((BM, D), lambda i: (i, 0)), _W_SPEC, _DCNT_SPEC],
        out_specs=[_HALVES_SPEC, _DINV_SPEC],
        out_shape=[jax.ShapeDtypeStruct((NC, N_PAD, H), jnp.float32),
                   jax.ShapeDtypeStruct((N_PAD, 1), jnp.float32)],
    )(x, W1, dcnt)


def _tc_mid(acc, g, dinv, b, W):
    return pl.pallas_call(
        _mid_body,
        grid=(GRID_M,),
        in_specs=[_HALVES_SPEC, _HALVES_SPEC, _DINV_SPEC, _B_SPEC, _W_SPEC],
        out_specs=_HALVES_SPEC,
        out_shape=jax.ShapeDtypeStruct((NC, N_PAD, H), jnp.float32),
    )(acc, g, dinv, b, W)


def _tc_final(acc, g, dinv, b):
    return pl.pallas_call(
        _final_body,
        grid=(GRID_M,),
        in_specs=[_HALVES_SPEC, _HALVES_SPEC, _DINV_SPEC, _B_SPEC],
        out_specs=pl.BlockSpec((BM, D), lambda i: (i, 0)),
        out_shape=jax.ShapeDtypeStruct((N_NODES, D), jnp.float32),
    )(acc, g, dinv, b)



def kernel(x, edge_index, W1, b1, W2, b2, W3, b3):
    ones128 = jnp.ones((CHUNK, H), jnp.float32)
    z128 = jnp.zeros((ROWS_PER_SUB, H), jnp.float32)
    npad = E_PAD - N_EDGES
    spread = jnp.arange(npad, dtype=jnp.int32)
    pad = jnp.stack([
        spread % N_NODES,
        TRASH + spread % (N_PAD - N_NODES),
    ])
    edges3 = jnp.concatenate([edge_index, pad], axis=1).reshape(2, NCHUNKS, CHUNK)
    edges_i = edges3.transpose(1, 0, 2)
    dcnt = _sc_deg(edges3, ones128, z128)
    g1, dinv = _tc_first(x, W1, dcnt)
    acc1 = _sc_scatter(g1.reshape(NC * N_PAD, H), edges_i, z128)
    g2 = _tc_mid(acc1, g1, dinv, b1.reshape(1, D), W2)
    acc2 = _sc_scatter(g2.reshape(NC * N_PAD, H), edges_i, z128)
    g3 = _tc_mid(acc2, g2, dinv, b2.reshape(1, D), W3)
    acc3 = _sc_scatter(g3.reshape(NC * N_PAD, H), edges_i, z128)
    return _tc_final(acc3, g3, dinv, b3.reshape(1, D))

# --- scband reference (transcript-rebuilt; emitter-appended) ---
"""Pipeline reference for scband-gcnbackbone-87608742904006 (READ-ONLY COPY).

The authoritative reference and input builder live on the scoring server;
editing this copy changes nothing except your own understanding.
"""

import jax, jax.numpy as jnp
import numpy as np

N_NODES = 10000
N_EDGES = 160000
D_IN = 256
D_H = 256


def glorot(key, shape):
    fan_in, fan_out = shape
    lim = (6.0 / (fan_in + fan_out)) ** 0.5
    return jax.random.uniform(key, shape, jnp.float32, -lim, lim)


def setup_inputs(seed: int = 0) -> dict:
    key = jax.random.key(seed)
    ks = jax.random.split(key, 8)
    x = jax.random.normal(ks[0], (N_NODES, D_IN), dtype=jnp.float32)
    edge_index = jax.random.randint(ks[1], (2, N_EDGES), 0, N_NODES, dtype=jnp.int32)
    W1 = glorot(ks[2], (D_IN, D_H))
    b1 = jnp.zeros((D_H,), jnp.float32)
    W2 = glorot(ks[3], (D_H, D_H))
    b2 = jnp.zeros((D_H,), jnp.float32)
    W3 = glorot(ks[4], (D_H, D_H))
    b3 = jnp.zeros((D_H,), jnp.float32)
    return {"x": x, "edge_index": edge_index, "W1": W1, "b1": b1, "W2": W2, "b2": b2, "W3": W3, "b3": b3}


def _gcn_conv(x, src, dst, W, b):
    # GCNConv with symmetric normalization and self-loops (PyG semantics).
    deg = jax.ops.segment_sum(jnp.ones_like(dst, dtype=x.dtype), dst, num_segments=N_NODES)
    deg_inv_sqrt = jnp.where(deg > 0, 1.0 / jnp.sqrt(deg), 0.0)
    norm = deg_inv_sqrt[src] * deg_inv_sqrt[dst]
    h = x @ W
    msg = norm[:, None] * h[src]  # gather over src nodes
    out = jax.ops.segment_sum(msg, dst, num_segments=N_NODES)  # scatter-add over dst
    return out + b


def reference(x, edge_index, W1, b1, W2, b2, W3, b3):
    loop = jnp.arange(N_NODES, dtype=edge_index.dtype)
    src = jnp.concatenate([edge_index[0], loop])
    dst = jnp.concatenate([edge_index[1], loop])
    # layer 1 + gelu (+ dropout is identity in eval mode)
    h = _gcn_conv(x.astype(jnp.float32), src, dst, W1, b1)
    h = jax.nn.gelu(h, approximate=False)
    # layer 2 + gelu
    h = _gcn_conv(h.astype(jnp.float32), src, dst, W2, b2)
    h = jax.nn.gelu(h, approximate=False)
    # layer 3 (no activation)
    h = _gcn_conv(h, src, dst, W3, b3)
    return h

if __name__ == "__main__":
    import jax
    _d = setup_inputs()
    print(jax.jit(kernel)(*tuple(_d.values())))

</pallas_src>

<mosaic_0001>
#map = affine_map<(d0, d1) -> (0, 0, 0)>
#map1 = affine_map<(d0, d1) -> (0, 0)>
module attributes {stable_mosaic.version = 14 : i64} {
  func.func @_deg_body(%arg0: i32, %arg1: i32, %arg2: memref<2x1280x128xi32, #tpu.memory_space<hbm>>, %arg3: memref<128x128xf32, #tpu.memory_space<hbm>>, %arg4: memref<640x128xf32, #tpu.memory_space<hbm>>, %arg5: memref<2x10240x128xf32, #tpu.memory_space<hbm>>, %arg6: memref<128x128xf32, #tpu.memory_space<vmem>>, %arg7: memref<40x128xi32, #tpu.memory_space<vmem>>, %arg8: memref<10240x128xf32, #tpu.memory_space<vmem_shared>>, %arg9: memref<!tpu.dma_semaphore, #tpu.memory_space<semaphore_mem>>, %arg10: memref<!tpu.dma_semaphore, #tpu.memory_space<semaphore_mem>>, %arg11: memref<!tpu.dma_semaphore, #tpu.memory_space<semaphore_mem>>, %arg12: memref<!tpu.dma_semaphore, #tpu.memory_space<semaphore_mem>>) attributes {dimension_semantics = [#tpu.dimension_semantics<core_parallel>, #tpu.dimension_semantics<subcore_parallel>], iteration_bounds = array<i64: 2, 16>, scalar_prefetch = 0 : i64, scratch_operands = 7 : i64, tpu.core_type = #tpu.core_type<sc_vector_subcore>, window_params = [{transform_indices = #map}, {transform_indices = #map1}, {transform_indices = #map1}, {transform_indices = #map}]} {
    %mul3A = arith.constant 16 : i32
    %mul3A_0 = arith.muli %arg0, %mul3A : i32
    %add3A = arith.addi %mul3A_0, %arg1 : i32
    %mul3A_1 = arith.constant 40 : i32
    %mul3A_2 = arith.muli %add3A, %mul3A_1 : i32
    "tpu.region"() ({
      %run_scoped3A_21 = tpu.sem_alloc : memref<!tpu.dma_semaphore, #tpu.memory_space<semaphore_mem>>
      tpu.enqueue_dma source(%arg3 : memref<128x128xf32, #tpu.memory_space<hbm>>) target(%arg6 : memref<128x128xf32, #tpu.memory_space<vmem>>) target_semaphore(%run_scoped3A_21 : memref<!tpu.dma_semaphore, #tpu.memory_space<semaphore_mem>>)
      tpu.wait_dma2 semaphore(%run_scoped3A_21 : memref<!tpu.dma_semaphore, #tpu.memory_space<semaphore_mem>>) src(%arg3 : memref<128x128xf32, #tpu.memory_space<hbm>>) dst(%arg6 : memref<128x128xf32, #tpu.memory_space<vmem>>)
      tpu.yield
    }) : () -> ()
    %run_scoped3A = arith.constant 1 : i32
    "tpu.region"() ({
      %run_scoped3A_21 = tpu.sem_alloc : memref<!tpu.dma_semaphore, #tpu.memory_space<semaphore_mem>>
      %dma_start3A = arith.constant 0 : i32
      %dma_start3A_22 = tpu.memref_slice %arg2[%run_scoped3A, %mul3A_2, %dma_start3A] : memref<2x1280x128xi32, #tpu.memory_space<hbm>> -> memref<1x40x128xi32, #tpu.memory_space<hbm>>
      %dma_start3A_23 = tpu.memref_squeeze %dma_start3A_22 : memref<1x40x128xi32, #tpu.memory_space<hbm>> -> memref<40x128xi32, #tpu.memory_space<hbm>>
      %dma_start3A_24 = arith.constant 0 : i32
      %dma_start3A_25 = tpu.memref_slice %arg2[%run_scoped3A, %mul3A_2, %dma_start3A_24] : memref<2x1280x128xi32, #tpu.memory_space<hbm>> -> memref<1x40x128xi32, #tpu.memory_space<hbm>>
      %dma_start3A_26 = tpu.memref_squeeze %dma_start3A_25 : memref<1x40x128xi32, #tpu.memory_space<hbm>> -> memref<40x128xi32, #tpu.memory_space<hbm>>
      tpu.enqueue_dma source(%dma_start3A_26 : memref<40x128xi32, #tpu.memory_space<hbm>>) target(%arg7 : memref<40x128xi32, #tpu.memory_space<vmem>>) target_semaphore(%run_scoped3A_21 : memref<!tpu.dma_semaphore, #tpu.memory_space<semaphore_mem>>)
      %dma_wait3A = arith.constant 0 : i32
      %dma_wait3A_27 = tpu.memref_slice %arg2[%run_scoped3A, %mul3A_2, %dma_wait3A] : memref<2x1280x128xi32, #tpu.memory_space<hbm>> -> memref<1x40x128xi32, #tpu.memory_space<hbm>>
      %dma_wait3A_28 = tpu.memref_squeeze %dma_wait3A_27 : memref<1x40x128xi32, #tpu.memory_space<hbm>> -> memref<40x128xi32, #tpu.memory_space<hbm>>
      %dma_wait3A_29 = arith.constant 0 : i32
      %dma_wait3A_30 = tpu.memref_slice %arg2[%run_scoped3A, %mul3A_2, %dma_wait3A_29] : memref<2x1280x128xi32, #tpu.memory_space<hbm>> -> memref<1x40x128xi32, #tpu.memory_space<hbm>>
      %dma_wait3A_31 = tpu.memref_squeeze %dma_wait3A_30 : memref<1x40x128xi32, #tpu.memory_space<hbm>> -> memref<40x128xi32, #tpu.memory_space<hbm>>
      tpu.wait_dma2 semaphore(%run_scoped3A_21 : memref<!tpu.dma_semaphore, #tpu.memory_space<semaphore_mem>>) src(%dma_wait3A_31 : memref<40x128xi32, #tpu.memory_space<hbm>>) dst(%arg7 : memref<40x128xi32, #tpu.memory_space<vmem>>)
      tpu.yield
    }) : () -> ()
    %mul3A_3 = arith.constant 640 : i32
    %mul3A_4 = arith.muli %arg1, %mul3A_3 : i32
    "tpu.region"() ({
      %run_scoped3A_21 = tpu.sem_alloc : memref<!tpu.dma_semaphore, #tpu.memory_space<semaphore_mem>>
      %dma_start3A = arith.constant 0 : i32
      %dma_start3A_22 = tpu.memref_slice %arg8[%mul3A_4, %dma_start3A] : memref<10240x128xf32, #tpu.memory_space<vmem_shared>> -> memref<640x128xf32, #tpu.memory_space<vmem_shared>>
      tpu.enqueue_dma source(%arg4 : memref<640x128xf32, #tpu.memory_space<hbm>>) target(%dma_start3A_22 : memref<640x128xf32, #tpu.memory_space<vmem_shared>>) target_semaphore(%run_scoped3A_21 : memref<!tpu.dma_semaphore, #tpu.memory_space<semaphore_mem>>)
      %dma_wait3A = arith.constant 0 : i32
      %dma_wait3A_23 = tpu.memref_slice %arg8[%mul3A_4, %dma_wait3A] : memref<10240x128xf32, #tpu.memory_space<vmem_shared>> -> memref<640x128xf32, #tpu.memory_space<vmem_shared>>
      tpu.wait_dma2 semaphore(%run_scoped3A_21 : memref<!tpu.dma_semaphore, #tpu.memory_space<semaphore_mem>>) src(%arg4 : memref<640x128xf32, #tpu.memory_space<hbm>>) dst(%dma_wait3A_23 : memref<640x128xf32, #tpu.memory_space<vmem_shared>>)
      tpu.yield
    }) : () -> ()
    %barrier3A = arith.constant 0 : index
    tpu.barrier barrier_id(%barrier3A)
    %scan3A = arith.constant 0 : i32
    %scan3A_5 = arith.constant 0 : i32
    %scan3A_6 = arith.constant 10 : i32
    %scan3A_7 = arith.addi %scan3A_5, %scan3A_6 : i32
    %scan3A_8 = arith.constant 1 : i32
    scf.for %scan3A_21 = %scan3A_5 to %scan3A_7 step %scan3A_8  : i32 {
      %mul3A_22 = arith.constant 4 : i32
      %mul3A_23 = arith.muli %scan3A_21, %mul3A_22 : i32
      %add3A_24 = arith.constant 0 : i32
      %add3A_25 = arith.addi %mul3A_23, %add3A_24 : i32
      %dma_start3A = arith.constant 0 : i32
      %dma_start3A_26 = tpu.memref_slice %arg7[%add3A_25, %dma_start3A] : memref<40x128xi32, #tpu.memory_space<vmem>> -> memref<1x128xi32, #tpu.memory_space<vmem>>
      %dma_start3A_27 = tpu.memref_squeeze %dma_start3A_26 : memref<1x128xi32, #tpu.memory_space<vmem>> -> memref<128xi32, #tpu.memory_space<vmem>>
      %dma_start3A_28 = arith.constant 0 : i32
      %dma_start3A_29 = arith.constant 0 : i32
      %dma_start3A_30 = tpu.memref_slice %arg8[%dma_start3A_28, %dma_start3A_29] : memref<10240x128xf32, #tpu.memory_space<vmem_shared>> -> memref<10240x128xf32, #tpu.memory_space<vmem_shared>>
      tpu.enqueue_indirect_dma source(%arg6 : memref<128x128xf32, #tpu.memory_space<vmem>>) target(%dma_start3A_30 : memref<10240x128xf32, #tpu.memory_space<vmem_shared>>) offsets(%dma_start3A_27 : memref<128xi32, #tpu.memory_space<vmem>>) semaphore(%arg9 : memref<!tpu.dma_semaphore, #tpu.memory_space<semaphore_mem>>) {add = true}
      %mul3A_31 = arith.constant 4 : i32
      %mul3A_32 = arith.muli %scan3A_21, %mul3A_31 : i32
      %add3A_33 = arith.constant 1 : i32
      %add3A_34 = arith.addi %mul3A_32, %add3A_33 : i32
      %dma_start3A_35 = arith.constant 0 : i32
      %dma_start3A_36 = tpu.memref_slice %arg7[%add3A_34, %dma_start3A_35] : memref<40x128xi32, #tpu.memory_space<vmem>> -> memref<1x128xi32, #tpu.memory_space<vmem>>
      %dma_start3A_37 = tpu.memref_squeeze %dma_start3A_36 : memref<1x128xi32, #tpu.memory_space<vmem>> -> memref<128xi32, #tpu.memory_space<vmem>>
      %dma_start3A_38 = arith.constant 0 : i32
      %dma_start3A_39 = arith.constant 0 : i32
      %dma_start3A_40 = tpu.memref_slice %arg8[%dma_start3A_38, %dma_start3A_39] : memref<10240x128xf32, #tpu.memory_space<vmem_shared>> -> memref<10240x128xf32, #tpu.memory_space<vmem_shared>>
      tpu.enqueue_indirect_dma source(%arg6 : memref<128x128xf32, #tpu.memory_space<vmem>>) target(%dma_start3A_40 : memref<10240x128xf32, #tpu.memory_space<vmem_shared>>) offsets(%dma_start3A_37 : memref<128xi32, #tpu.memory_space<vmem>>) semaphore(%arg10 : memref<!tpu.dma_semaphore, #tpu.memory_space<semaphore_mem>>) {add = true}
      %mul3A_41 = arith.constant 4 : i32
      %mul3A_42 = arith.muli %scan3A_21, %mul3A_41 : i32
      %add3A_43 = arith.constant 2 : i32
      %add3A_44 = arith.addi %mul3A_42, %add3A_43 : i32
      %dma_start3A_45 = arith.constant 0 : i32
      %dma_start3A_46 = tpu.memref_slice %arg7[%add3A_44, %dma_start3A_45] : memref<40x128xi32, #tpu.memory_space<vmem>> -> memref<1x128xi32, #tpu.memory_space<vmem>>
      %dma_start3A_47 = tpu.memref_squeeze %dma_start3A_46 : memref<1x128xi32, #tpu.memory_space<vmem>> -> memref<128xi32, #tpu.memory_space<vmem>>
      %dma_start3A_48 = arith.constant 0 : i32
      %dma_start3A_49 = arith.constant 0 : i32
      %dma_start3A_50 = tpu.memref_slice %arg8[%dma_start3A_48, %dma_start3A_49] : memref<10240x128xf32, #tpu.memory_space<vmem_shared>> -> memref<10240x128xf32, #tpu.memory_space<vmem_shared>>
      tpu.enqueue_indirect_dma source(%arg6 : memref<128x128xf32, #tpu.memory_space<vmem>>) target(%dma_start3A_50 : memref<10240x128xf32, #tpu.memory_space<vmem_shared>>) offsets(%dma_start3A_47 : memref<128xi32, #tpu.memory_space<vmem>>) semaphore(%arg11 : memref<!tpu.dma_semaphore, #tpu.memory_space<semaphore_mem>>) {add = true}
      %mul3A_51 = arith.constant 4 : i32
      %mul3A_52 = arith.muli %scan3A_21, %mul3A_51 : i32
      %add3A_53 = arith.constant 3 : i32
      %add3A_54 = arith.addi %mul3A_52, %add3A_53 : i32
      %dma_start3A_55 = arith.constant 0 : i32
      %dma_start3A_56 = tpu.memref_slice %arg7[%add3A_54, %dma_start3A_55] : memref<40x128xi32, #tpu.memory_space<vmem>> -> memref<1x128xi32, #tpu.memory_space<vmem>>
      %dma_start3A_57 = tpu.memref_squeeze %dma_start3A_56 : memref<1x128xi32, #tpu.memory_space<vmem>> -> memref<128xi32, #tpu.memory_space<vmem>>
      %dma_start3A_58 = arith.constant 0 : i32
      %dma_start3A_59 = arith.constant 0 : i32
      %dma_start3A_60 = tpu.memref_slice %arg8[%dma_start3A_58, %dma_start3A_59] : memref<10240x128xf32, #tpu.memory_space<vmem_shared>> -> memref<10240x128xf32, #tpu.memory_space<vmem_shared>>
      tpu.enqueue_indirect_dma source(%arg6 : memref<128x128xf32, #tpu.memory_space<vmem>>) target(%dma_start3A_60 : memref<10240x128xf32, #tpu.memory_space<vmem_shared>>) offsets(%dma_start3A_57 : memref<128xi32, #tpu.memory_space<vmem>>) semaphore(%arg12 : memref<!tpu.dma_semaphore, #tpu.memory_space<semaphore_mem>>) {add = true}
    }
    %scan3A_9 = arith.constant 10 : i32
    %scan3A_10 = arith.constant 0 : i32
    %scan3A_11 = arith.constant 0 : i32
    %scan3A_12 = arith.constant 10 : i32
    %scan3A_13 = arith.addi %scan3A_11, %scan3A_12 : i32
    %scan3A_14 = arith.constant 1 : i32
    scf.for %scan3A_21 = %scan3A_11 to %scan3A_13 step %scan3A_14  : i32 {
      %mul3A_22 = arith.constant 4 : i32
      %mul3A_23 = arith.muli %scan3A_21, %mul3A_22 : i32
      %add3A_24 = arith.constant 0 : i32
      %add3A_25 = arith.addi %mul3A_23, %add3A_24 : i32
      %dma_wait3A = arith.constant 0 : i32
      %dma_wait3A_26 = tpu.memref_slice %arg7[%add3A_25, %dma_wait3A] : memref<40x128xi32, #tpu.memory_space<vmem>> -> memref<1x128xi32, #tpu.memory_space<vmem>>
      %dma_wait3A_27 = tpu.memref_squeeze %dma_wait3A_26 : memref<1x128xi32, #tpu.memory_space<vmem>> -> memref<128xi32, #tpu.memory_space<vmem>>
      %dma_wait3A_28 = arith.constant 0 : i32
      %dma_wait3A_29 = arith.constant 0 : i32
      %dma_wait3A_30 = tpu.memref_slice %arg8[%dma_wait3A_28, %dma_wait3A_29] : memref<10240x128xf32, #tpu.memory_space<vmem_shared>> -> memref<10240x128xf32, #tpu.memory_space<vmem_shared>>
      tpu.wait_indirect_dma semaphore(%arg9 : memref<!tpu.dma_semaphore, #tpu.memory_space<semaphore_mem>>) src(%arg6 : memref<128x128xf32, #tpu.memory_space<vmem>>) dst(%dma_wait3A_30 : memref<10240x128xf32, #tpu.memory_space<vmem_shared>>)
      %mul3A_31 = arith.constant 4 : i32
      %mul3A_32 = arith.muli %scan3A_21, %mul3A_31 : i32
      %add3A_33 = arith.constant 1 : i32
      %add3A_34 = arith.addi %mul3A_32, %add3A_33 : i32
      %dma_wait3A_35 = arith.constant 0 : i32
      %dma_wait3A_36 = tpu.memref_slice %arg7[%add3A_34, %dma_wait3A_35] : memref<40x128xi32, #tpu.memory_space<vmem>> -> memref<1x128xi32, #tpu.memory_space<vmem>>
      %dma_wait3A_37 = tpu.memref_squeeze %dma_wait3A_36 : memref<1x128xi32, #tpu.memory_space<vmem>> -> memref<128xi32, #tpu.memory_space<vmem>>
      %dma_wait3A_38 = arith.constant 0 : i32
      %dma_wait3A_39 = arith.constant 0 : i32
      %dma_wait3A_40 = tpu.memref_slice %arg8[%dma_wait3A_38, %dma_wait3A_39] : memref<10240x128xf32, #tpu.memory_space<vmem_shared>> -> memref<10240x128xf32, #tpu.memory_space<vmem_shared>>
      tpu.wait_indirect_dma semaphore(%arg10 : memref<!tpu.dma_semaphore, #tpu.memory_space<semaphore_mem>>) src(%arg6 : memref<128x128xf32, #tpu.memory_space<vmem>>) dst(%dma_wait3A_40 : memref<10240x128xf32, #tpu.memory_space<vmem_shared>>)
      %mul3A_41 = arith.constant 4 : i32
      %mul3A_42 = arith.muli %scan3A_21, %mul3A_41 : i32
      %add3A_43 = arith.constant 2 : i32
      %add3A_44 = arith.addi %mul3A_42, %add3A_43 : i32
      %dma_wait3A_45 = arith.constant 0 : i32
      %dma_wait3A_46 = tpu.memref_slice %arg7[%add3A_44, %dma_wait3A_45] : memref<40x128xi32, #tpu.memory_space<vmem>> -> memref<1x128xi32, #tpu.memory_space<vmem>>
      %dma_wait3A_47 = tpu.memref_squeeze %dma_wait3A_46 : memref<1x128xi32, #tpu.memory_space<vmem>> -> memref<128xi32, #tpu.memory_space<vmem>>
      %dma_wait3A_48 = arith.constant 0 : i32
      %dma_wait3A_49 = arith.constant 0 : i32
      %dma_wait3A_50 = tpu.memref_slice %arg8[%dma_wait3A_48, %dma_wait3A_49] : memref<10240x128xf32, #tpu.memory_space<vmem_shared>> -> memref<10240x128xf32, #tpu.memory_space<vmem_shared>>
      tpu.wait_indirect_dma semaphore(%arg11 : memref<!tpu.dma_semaphore, #tpu.memory_space<semaphore_mem>>) src(%arg6 : memref<128x128xf32, #tpu.memory_space<vmem>>) dst(%dma_wait3A_50 : memref<10240x128xf32, #tpu.memory_space<vmem_shared>>)
      %mul3A_51 = arith.constant 4 : i32
      %mul3A_52 = arith.muli %scan3A_21, %mul3A_51 : i32
      %add3A_53 = arith.constant 3 : i32
      %add3A_54 = arith.addi %mul3A_52, %add3A_53 : i32
      %dma_wait3A_55 = arith.constant 0 : i32
      %dma_wait3A_56 = tpu.memref_slice %arg7[%add3A_54, %dma_wait3A_55] : memref<40x128xi32, #tpu.memory_space<vmem>> -> memref<1x128xi32, #tpu.memory_space<vmem>>
      %dma_wait3A_57 = tpu.memref_squeeze %dma_wait3A_56 : memref<1x128xi32, #tpu.memory_space<vmem>> -> memref<128xi32, #tpu.memory_space<vmem>>
      %dma_wait3A_58 = arith.constant 0 : i32
      %dma_wait3A_59 = arith.constant 0 : i32
      %dma_wait3A_60 = tpu.memref_slice %arg8[%dma_wait3A_58, %dma_wait3A_59] : memref<10240x128xf32, #tpu.memory_space<vmem_shared>> -> memref<10240x128xf32, #tpu.memory_space<vmem_shared>>
      tpu.wait_indirect_dma semaphore(%arg12 : memref<!tpu.dma_semaphore, #tpu.memory_space<semaphore_mem>>) src(%arg6 : memref<128x128xf32, #tpu.memory_space<vmem>>) dst(%dma_wait3A_60 : memref<10240x128xf32, #tpu.memory_space<vmem_shared>>)
    }
    %scan3A_15 = arith.constant 10 : i32
    %barrier3A_16 = arith.constant 0 : index
    tpu.barrier barrier_id(%barrier3A_16)
    %mul3A_17 = arith.constant 640 : i32
    %mul3A_18 = arith.muli %arg1, %mul3A_17 : i32
    %mul3A_19 = arith.constant 640 : i32
    %mul3A_20 = arith.muli %arg1, %mul3A_19 : i32
    "tpu.region"() ({
      %run_scoped3A_21 = tpu.sem_alloc : memref<!tpu.dma_semaphore, #tpu.memory_space<semaphore_mem>>
      %dma_start3A = arith.constant 0 : i32
      %dma_start3A_22 = tpu.memref_slice %arg5[%arg0, %mul3A_20, %dma_start3A] : memref<2x10240x128xf32, #tpu.memory_space<hbm>> -> memref<1x640x128xf32, #tpu.memory_space<hbm>>
      %dma_start3A_23 = tpu.memref_squeeze %dma_start3A_22 : memref<1x640x128xf32, #tpu.memory_space<hbm>> -> memref<640x128xf32, #tpu.memory_space<hbm>>
      %dma_start3A_24 = arith.constant 0 : i32
      %dma_start3A_25 = tpu.memref_slice %arg8[%mul3A_18, %dma_start3A_24] : memref<10240x128xf32, #tpu.memory_space<vmem_shared>> -> memref<640x128xf32, #tpu.memory_space<vmem_shared>>
      tpu.enqueue_dma source(%dma_start3A_25 : memref<640x128xf32, #tpu.memory_space<vmem_shared>>) target(%dma_start3A_23 : memref<640x128xf32, #tpu.memory_space<hbm>>) target_semaphore(%run_scoped3A_21 : memref<!tpu.dma_semaphore, #tpu.memory_space<semaphore_mem>>)
      %dma_wait3A = arith.constant 0 : i32
      %dma_wait3A_26 = tpu.memref_slice %arg5[%arg0, %mul3A_20, %dma_wait3A] : memref<2x10240x128xf32, #tpu.memory_space<hbm>> -> memref<1x640x128xf32, #tpu.memory_space<hbm>>
      %dma_wait3A_27 = tpu.memref_squeeze %dma_wait3A_26 : memref<1x640x128xf32, #tpu.memory_space<hbm>> -> memref<640x128xf32, #tpu.memory_space<hbm>>
      %dma_wait3A_28 = arith.constant 0 : i32
      %dma_wait3A_29 = tpu.memref_slice %arg8[%mul3A_18, %dma_wait3A_28] : memref<10240x128xf32, #tpu.memory_space<vmem_shared>> -> memref<640x128xf32, #tpu.memory_space<vmem_shared>>
      tpu.wait_dma2 semaphore(%run_scoped3A_21 : memref<!tpu.dma_semaphore, #tpu.memory_space<semaphore_mem>>) src(%dma_wait3A_29 : memref<640x128xf32, #tpu.memory_space<vmem_shared>>) dst(%dma_wait3A_27 : memref<640x128xf32, #tpu.memory_space<hbm>>)
      tpu.yield
    }) : () -> ()
    return
  }
}

#map = affine_map<(d0, d1) -> (0, 0)>
#map1 = affine_map<(d0, d1) -> (0, 0, 0)>
module attributes {stable_mosaic.version = 14 : i64} {
  func.func @_scatter_body(%arg0: i32, %arg1: i32, %arg2: memref<20480x128xf32, #tpu.memory_space<hbm>>, %arg3: memref<1280x2x128xi32, #tpu.memory_space<hbm>>, %arg4: memref<640x128xf32, #tpu.memory_space<hbm>>, %arg5: memref<2x10240x128xf32, #tpu.memory_space<hbm>>, %arg6: memref<2x128xi32, #tpu.memory_space<vmem>>, %arg7: memref<2x128xi32, #tpu.memory_space<vmem>>, %arg8: memref<128x128xf32, #tpu.memory_space<vmem>>, %arg9: memref<128x128xf32, #tpu.memory_space<vmem>>, %arg10: memref<10240x128xf32, #tpu.memory_space<vmem_shared>>, %arg11: memref<!tpu.dma_semaphore, #tpu.memory_space<semaphore_mem>>, %arg12: memref<!tpu.dma_semaphore, #tpu.memory_space<semaphore_mem>>, %arg13: memref<!tpu.dma_semaphore, #tpu.memory_space<semaphore_mem>>, %arg14: memref<!tpu.dma_semaphore, #tpu.memory_space<semaphore_mem>>) attributes {dimension_semantics = [#tpu.dimension_semantics<core_parallel>, #tpu.dimension_semantics<subcore_parallel>], iteration_bounds = array<i64: 2, 16>, scalar_prefetch = 0 : i64, scratch_operands = 9 : i64, tpu.core_type = #tpu.core_type<sc_vector_subcore>, window_params = [{transform_indices = #map}, {transform_indices = #map1}, {transform_indices = #map}, {transform_indices = #map1}]} {
    %mul3A = arith.constant 640 : i32
    %mul3A_0 = arith.muli %arg1, %mul3A : i32
    "tpu.region"() ({
      %run_scoped3A = tpu.sem_alloc : memref<!tpu.dma_semaphore, #tpu.memory_space<semaphore_mem>>
      %dma_start3A = arith.constant 0 : i32
      %dma_start3A_11 = tpu.memref_slice %arg10[%mul3A_0, %dma_start3A] : memref<10240x128xf32, #tpu.memory_space<vmem_shared>> -> memref<640x128xf32, #tpu.memory_space<vmem_shared>>
      tpu.enqueue_dma source(%arg4 : memref<640x128xf32, #tpu.memory_space<hbm>>) target(%dma_start3A_11 : memref<640x128xf32, #tpu.memory_space<vmem_shared>>) target_semaphore(%run_scoped3A : memref<!tpu.dma_semaphore, #tpu.memory_space<semaphore_mem>>)
      %dma_wait3A = arith.constant 0 : i32
      %dma_wait3A_12 = tpu.memref_slice %arg10[%mul3A_0, %dma_wait3A] : memref<10240x128xf32, #tpu.memory_space<vmem_shared>> -> memref<640x128xf32, #tpu.memory_space<vmem_shared>>
      tpu.wait_dma2 semaphore(%run_scoped3A : memref<!tpu.dma_semaphore, #tpu.memory_space<semaphore_mem>>) src(%arg4 : memref<640x128xf32, #tpu.memory_space<hbm>>) dst(%dma_wait3A_12 : memref<640x128xf32, #tpu.memory_space<vmem_shared>>)
      tpu.yield
    }) : () -> ()
    %barrier3A = arith.constant 0 : index
    tpu.barrier barrier_id(%barrier3A)
    %scan3A = arith.constant 0 : i32
    %scan3A_1 = arith.constant 0 : i32
    %scan3A_2 = arith.constant 40 : i32
    %scan3A_3 = arith.addi %scan3A_1, %scan3A_2 : i32
    %scan3A_4 = arith.constant 1 : i32
    scf.for %scan3A_11 = %scan3A_1 to %scan3A_3 step %scan3A_4  : i32 {
      %mul3A_12 = arith.constant 2 : i32
      %mul3A_13 = arith.muli %mul3A_12, %scan3A_11 : i32
      %mul3A_14 = arith.constant 16 : i32
      %mul3A_15 = arith.muli %mul3A_14, %mul3A_13 : i32
      %add3A = arith.addi %arg1, %mul3A_15 : i32
      "tpu.region"() ({
        %run_scoped3A_57 = tpu.sem_alloc : memref<!tpu.dma_semaphore, #tpu.memory_space<semaphore_mem>>
        %dma_start3A_58 = arith.constant 0 : i32
        %dma_start3A_59 = arith.constant 0 : i32
        %dma_start3A_60 = tpu.memref_slice %arg3[%add3A, %dma_start3A_58, %dma_start3A_59] : memref<1280x2x128xi32, #tpu.memory_space<hbm>> -> memref<1x2x128xi32, #tpu.memory_space<hbm>>
        %dma_start3A_61 = tpu.memref_squeeze %dma_start3A_60 : memref<1x2x128xi32, #tpu.memory_space<hbm>> -> memref<2x128xi32, #tpu.memory_space<hbm>>
        %dma_start3A_62 = arith.constant 0 : i32
        %dma_start3A_63 = arith.constant 0 : i32
        %dma_start3A_64 = tpu.memref_slice %arg3[%add3A, %dma_start3A_62, %dma_start3A_63] : memref<1280x2x128xi32, #tpu.memory_space<hbm>> -> memref<1x2x128xi32, #tpu.memory_space<hbm>>
        %dma_start3A_65 = tpu.memref_squeeze %dma_start3A_64 : memref<1x2x128xi32, #tpu.memory_space<hbm>> -> memref<2x128xi32, #tpu.memory_space<hbm>>
        tpu.enqueue_dma source(%dma_start3A_65 : memref<2x128xi32, #tpu.memory_space<hbm>>) target(%arg6 : memref<2x128xi32, #tpu.memory_space<vmem>>) target_semaphore(%run_scoped3A_57 : memref<!tpu.dma_semaphore, #tpu.memory_space<semaphore_mem>>)
        %dma_wait3A_66 = arith.constant 0 : i32
        %dma_wait3A_67 = arith.constant 0 : i32
        %dma_wait3A_68 = tpu.memref_slice %arg3[%add3A, %dma_wait3A_66, %dma_wait3A_67] : memref<1280x2x128xi32, #tpu.memory_space<hbm>> -> memref<1x2x128xi32, #tpu.memory_space<hbm>>
        %dma_wait3A_69 = tpu.memref_squeeze %dma_wait3A_68 : memref<1x2x128xi32, #tpu.memory_space<hbm>> -> memref<2x128xi32, #tpu.memory_space<hbm>>
        %dma_wait3A_70 = arith.constant 0 : i32
        %dma_wait3A_71 = arith.constant 0 : i32
        %dma_wait3A_72 = tpu.memref_slice %arg3[%add3A, %dma_wait3A_70, %dma_wait3A_71] : memref<1280x2x128xi32, #tpu.memory_space<hbm>> -> memref<1x2x128xi32, #tpu.memory_space<hbm>>
        %dma_wait3A_73 = tpu.memref_squeeze %dma_wait3A_72 : memref<1x2x128xi32, #tpu.memory_space<hbm>> -> memref<2x128xi32, #tpu.memory_space<hbm>>
        tpu.wait_dma2 semaphore(%run_scoped3A_57 : memref<!tpu.dma_semaphore, #tpu.memory_space<semaphore_mem>>) src(%dma_wait3A_73 : memref<2x128xi32, #tpu.memory_space<hbm>>) dst(%arg6 : memref<2x128xi32, #tpu.memory_space<vmem>>)
        tpu.yield
      }) : () -> ()
      %eq3A = arith.constant 1 : i32
      %eq3A_16 = arith.cmpi eq, %arg0, %eq3A : i32
      %convert_element_type3A = arith.extui %eq3A_16 : i1 to i32
      %cond3A = arith.constant 0 : i32
      %cond3A_17 = arith.cmpi ne, %convert_element_type3A, %cond3A : i32
      scf.if %cond3A_17 {
        %get3A = arith.constant 0 : i32
        %get3A_57 = arith.index_cast %get3A : i32 to index
        %get3A_58 = arith.constant 0 : index
        %get3A_59 = tpu.vector_load %arg6[%get3A_57, %get3A_58] {strides = array<i32>} : memref<2x128xi32, #tpu.memory_space<vmem>>, vector<1x16xi32>,
        %get3A_60 = vector.shape_cast %get3A_59 : vector<1x16xi32> to vector<16xi32>
        %add3A_61 = arith.constant 10240 : i32
        %add3A_62 = vector.broadcast %add3A_61 : i32 to vector<16xi32>
        %add3A_63 = arith.addi %get3A_60, %add3A_62 : vector<16xi32>
        %swap3A = arith.constant 0 : i32
        %swap3A_64 = arith.index_cast %swap3A : i32 to index
        %swap3A_65 = arith.constant 0 : index
        %swap3A_66 = tpu.vector_load %arg6[%swap3A_64, %swap3A_65] {strides = array<i32>} : memref<2x128xi32, #tpu.memory_space<vmem>>, vector<1x16xi32>,
        %swap3A_67 = vector.shape_cast %swap3A_66 : vector<1x16xi32> to vector<16xi32>
        %swap3A_68 = vector.shape_cast %add3A_63 : vector<16xi32> to vector<1x16xi32>
        tpu.vector_store %arg6[%swap3A_64, %swap3A_65], %swap3A_68 {strides = array<i32>} : memref<2x128xi32, #tpu.memory_space<vmem>>, vector<1x16xi32>,
        %get3A_69 = arith.constant 0 : i32
        %get3A_70 = arith.index_cast %get3A_69 : i32 to index
        %get3A_71 = arith.constant 16 : index
        %get3A_72 = tpu.vector_load %arg6[%get3A_70, %get3A_71] {strides = array<i32>} : memref<2x128xi32, #tpu.memory_space<vmem>>, vector<1x16xi32>,
        %get3A_73 = vector.shape_cast %get3A_72 : vector<1x16xi32> to vector<16xi32>
        %add3A_74 = arith.constant 10240 : i32
        %add3A_75 = vector.broadcast %add3A_74 : i32 to vector<16xi32>
        %add3A_76 = arith.addi %get3A_73, %add3A_75 : vector<16xi32>
        %swap3A_77 = arith.constant 0 : i32
        %swap3A_78 = arith.index_cast %swap3A_77 : i32 to index
        %swap3A_79 = arith.constant 16 : index
        %swap3A_80 = tpu.vector_load %arg6[%swap3A_78, %swap3A_79] {strides = array<i32>} : memref<2x128xi32, #tpu.memory_space<vmem>>, vector<1x16xi32>,
        %swap3A_81 = vector.shape_cast %swap3A_80 : vector<1x16xi32> to vector<16xi32>
        %swap3A_82 = vector.shape_cast %add3A_76 : vector<16xi32> to vector<1x16xi32>
        tpu.vector_store %arg6[%swap3A_78, %swap3A_79], %swap3A_82 {strides = array<i32>} : memref<2x128xi32, #tpu.memory_space<vmem>>, vector<1x16xi32>,
        %get3A_83 = arith.constant 0 : i32
        %get3A_84 = arith.index_cast %get3A_83 : i32 to index
        %get3A_85 = arith.constant 32 : index
        %get3A_86 = tpu.vector_load %arg6[%get3A_84, %get3A_85] {strides = array<i32>} : memref<2x128xi32, #tpu.memory_space<vmem>>, vector<1x16xi32>,
        %get3A_87 = vector.shape_cast %get3A_86 : vector<1x16xi32> to vector<16xi32>
        %add3A_88 = arith.constant 10240 : i32
        %add3A_89 = vector.broadcast %add3A_88 : i32 to vector<16xi32>
        %add3A_90 = arith.addi %get3A_87, %add3A_89 : vector<16xi32>
        %swap3A_91 = arith.constant 0 : i32
        %swap3A_92 = arith.index_cast %swap3A_91 : i32 to index
        %swap3A_93 = arith.constant 32 : index
        %swap3A_94 = tpu.vector_load %arg6[%swap3A_92, %swap3A_93] {strides = array<i32>} : memref<2x128xi32, #tpu.memory_space<vmem>>, vector<1x16xi32>,
        %swap3A_95 = vector.shape_cast %swap3A_94 : vector<1x16xi32> to vector<16xi32>
        %swap3A_96 = vector.shape_cast %add3A_90 : vector<16xi32> to vector<1x16xi32>
        tpu.vector_store %arg6[%swap3A_92, %swap3A_93], %swap3A_96 {strides = array<i32>} : memref<2x128xi32, #tpu.memory_space<vmem>>, vector<1x16xi32>,
        %get3A_97 = arith.constant 0 : i32
        %get3A_98 = arith.index_cast %get3A_97 : i32 to index
        %get3A_99 = arith.constant 48 : index
        %get3A_100 = tpu.vector_load %arg6[%get3A_98, %get3A_99] {strides = array<i32>} : memref<2x128xi32, #tpu.memory_space<vmem>>, vector<1x16xi32>,
        %get3A_101 = vector.shape_cast %get3A_100 : vector<1x16xi32> to vector<16xi32>
        %add3A_102 = arith.constant 10240 : i32
        %add3A_103 = vector.broadcast %add3A_102 : i32 to vector<16xi32>
        %add3A_104 = arith.addi %get3A_101, %add3A_103 : vector<16xi32>
        %swap3A_105 = arith.constant 0 : i32
        %swap3A_106 = arith.index_cast %swap3A_105 : i32 to index
        %swap3A_107 = arith.constant 48 : index
        %swap3A_108 = tpu.vector_load %arg6[%swap3A_106, %swap3A_107] {strides = array<i32>} : memref<2x128xi32, #tpu.memory_space<vmem>>, vector<1x16xi32>,
        %swap3A_109 = vector.shape_cast %swap3A_108 : vector<1x16xi32> to vector<16xi32>
        %swap3A_110 = vector.shape_cast %add3A_104 : vector<16xi32> to vector<1x16xi32>
        tpu.vector_store %arg6[%swap3A_106, %swap3A_107], %swap3A_110 {strides = array<i32>} : memref<2x128xi32, #tpu.memory_space<vmem>>, vector<1x16xi32>,
        %get3A_111 = arith.constant 0 : i32
        %get3A_112 = arith.index_cast %get3A_111 : i32 to index
        %get3A_113 = arith.constant 64 : index
        %get3A_114 = tpu.vector_load %arg6[%get3A_112, %get3A_113] {strides = array<i32>} : memref<2x128xi32, #tpu.memory_space<vmem>>, vector<1x16xi32>,
        %get3A_115 = vector.shape_cast %get3A_114 : vector<1x16xi32> to vector<16xi32>
        %add3A_116 = arith.constant 10240 : i32
        %add3A_117 = vector.broadcast %add3A_116 : i32 to vector<16xi32>
        %add3A_118 = arith.addi %get3A_115, %add3A_117 : vector<16xi32>
        %swap3A_119 = arith.constant 0 : i32
        %swap3A_120 = arith.index_cast %swap3A_119 : i32 to index
        %swap3A_121 = arith.constant 64 : index
        %swap3A_122 = tpu.vector_load %arg6[%swap3A_120, %swap3A_121] {strides = array<i32>} : memref<2x128xi32, #tpu.memory_space<vmem>>, vector<1x16xi32>,
        %swap3A_123 = vector.shape_cast %swap3A_122 : vector<1x16xi32> to vector<16xi32>
        %swap3A_124 = vector.shape_cast %add3A_118 : vector<16xi32> to vector<1x16xi32>
        tpu.vector_store %arg6[%swap3A_120, %swap3A_121], %swap3A_124 {strides = array<i32>} : memref<2x128xi32, #tpu.memory_space<vmem>>, vector<1x16xi32>,
        %get3A_125 = arith.constant 0 : i32
        %get3A_126 = arith.index_cast %get3A_125 : i32 to index
        %get3A_127 = arith.constant 80 : index
        %get3A_128 = tpu.vector_load %arg6[%get3A_126, %get3A_127] {strides = array<i32>} : memref<2x128xi32, #tpu.memory_space<vmem>>, vector<1x16xi32>,
        %get3A_129 = vector.shape_cast %get3A_128 : vector<1x16xi32> to vector<16xi32>
        %add3A_130 = arith.constant 10240 : i32
        %add3A_131 = vector.broadcast %add3A_130 : i32 to vector<16xi32>
        %add3A_132 = arith.addi %get3A_129, %add3A_131 : vector<16xi32>
        %swap3A_133 = arith.constant 0 : i32
        %swap3A_134 = arith.index_cast %swap3A_133 : i32 to index
        %swap3A_135 = arith.constant 80 : index
        %swap3A_136 = tpu.vector_load %arg6[%swap3A_134, %swap3A_135] {strides = array<i32>} : memref<2x128xi32, #tpu.memory_space<vmem>>, vector<1x16xi32>,
        %swap3A_137 = vector.shape_cast %swap3A_136 : vector<1x16xi32> to vector<16xi32>
        %swap3A_138 = vector.shape_cast %add3A_132 : vector<16xi32> to vector<1x16xi32>
        tpu.vector_store %arg6[%swap3A_134, %swap3A_135], %swap3A_138 {strides = array<i32>} : memref<2x128xi32, #tpu.memory_space<vmem>>, vector<1x16xi32>,
        %get3A_139 = arith.constant 0 : i32
        %get3A_140 = arith.index_cast %get3A_139 : i32 to index
        %get3A_141 = arith.constant 96 : index
        %get3A_142 = tpu.vector_load %arg6[%get3A_140, %get3A_141] {strides = array<i32>} : memref<2x128xi32, #tpu.memory_space<vmem>>, vector<1x16xi32>,
        %get3A_143 = vector.shape_cast %get3A_142 : vector<1x16xi32> to vector<16xi32>
        %add3A_144 = arith.constant 10240 : i32
        %add3A_145 = vector.broadcast %add3A_144 : i32 to vector<16xi32>
        %add3A_146 = arith.addi %get3A_143, %add3A_145 : vector<16xi32>
        %swap3A_147 = arith.constant 0 : i32
        %swap3A_148 = arith.index_cast %swap3A_147 : i32 to index
        %swap3A_149 = arith.constant 96 : index
        %swap3A_150 = tpu.vector_load %arg6[%swap3A_148, %swap3A_149] {strides = array<i32>} : memref<2x128xi32, #tpu.memory_space<vmem>>, vector<1x16xi32>,
        %swap3A_151 = vector.shape_cast %swap3A_150 : vector<1x16xi32> to vector<16xi32>
        %swap3A_152 = vector.shape_cast %add3A_146 : vector<16xi32> to vector<1x16xi32>
        tpu.vector_store %arg6[%swap3A_148, %swap3A_149], %swap3A_152 {strides = array<i32>} : memref<2x128xi32, #tpu.memory_space<vmem>>, vector<1x16xi32>,
        %get3A_153 = arith.constant 0 : i32
        %get3A_154 = arith.index_cast %get3A_153 : i32 to index
        %get3A_155 = arith.constant 112 : index
        %get3A_156 = tpu.vector_load %arg6[%get3A_154, %get3A_155] {strides = array<i32>} : memref<2x128xi32, #tpu.memory_space<vmem>>, vector<1x16xi32>,
        %get3A_157 = vector.shape_cast %get3A_156 : vector<1x16xi32> to vector<16xi32>
        %add3A_158 = arith.constant 10240 : i32
        %add3A_159 = vector.broadcast %add3A_158 : i32 to vector<16xi32>
        %add3A_160 = arith.addi %get3A_157, %add3A_159 : vector<16xi32>
        %swap3A_161 = arith.constant 0 : i32
        %swap3A_162 = arith.index_cast %swap3A_161 : i32 to index
        %swap3A_163 = arith.constant 112 : index
        %swap3A_164 = tpu.vector_load %arg6[%swap3A_162, %swap3A_163] {strides = array<i32>} : memref<2x128xi32, #tpu.memory_space<vmem>>, vector<1x16xi32>,
        %swap3A_165 = vector.shape_cast %swap3A_164 : vector<1x16xi32> to vector<16xi32>
        %swap3A_166 = vector.shape_cast %add3A_160 : vector<16xi32> to vector<1x16xi32>
        tpu.vector_store %arg6[%swap3A_162, %swap3A_163], %swap3A_166 {strides = array<i32>} : memref<2x128xi32, #tpu.memory_space<vmem>>, vector<1x16xi32>,
      } else {
      }
      %dma_start3A = arith.constant 0 : i32
      %dma_start3A_18 = arith.constant 0 : i32
      %dma_start3A_19 = tpu.memref_slice %arg6[%dma_start3A, %dma_start3A_18] : memref<2x128xi32, #tpu.memory_space<vmem>> -> memref<1x128xi32, #tpu.memory_space<vmem>>
      %dma_start3A_20 = tpu.memref_squeeze %dma_start3A_19 : memref<1x128xi32, #tpu.memory_space<vmem>> -> memref<128xi32, #tpu.memory_space<vmem>>
      %dma_start3A_21 = arith.constant 0 : i32
      %dma_start3A_22 = arith.constant 0 : i32
      %dma_start3A_23 = tpu.memref_slice %arg2[%dma_start3A_21, %dma_start3A_22] : memref<20480x128xf32, #tpu.memory_space<hbm>> -> memref<20480x128xf32, #tpu.memory_space<hbm>>
      tpu.enqueue_indirect_dma source(%dma_start3A_23 : memref<20480x128xf32, #tpu.memory_space<hbm>>) target(%arg8 : memref<128x128xf32, #tpu.memory_space<vmem>>) offsets(%dma_start3A_20 : memref<128xi32, #tpu.memory_space<vmem>>) semaphore(%arg11 : memref<!tpu.dma_semaphore, #tpu.memory_space<semaphore_mem>>)
      %mul3A_24 = arith.constant 2 : i32
      %mul3A_25 = arith.muli %mul3A_24, %scan3A_11 : i32
      %add3A_26 = arith.constant 1 : i32
      %add3A_27 = arith.addi %mul3A_25, %add3A_26 : i32
      %mul3A_28 = arith.constant 16 : i32
      %mul3A_29 = arith.muli %mul3A_28, %add3A_27 : i32
      %add3A_30 = arith.addi %arg1, %mul3A_29 : i32
      "tpu.region"() ({
        %run_scoped3A_57 = tpu.sem_alloc : memref<!tpu.dma_semaphore, #tpu.memory_space<semaphore_mem>>
        %dma_start3A_58 = arith.constant 0 : i32
        %dma_start3A_59 = arith.constant 0 : i32
        %dma_start3A_60 = tpu.memref_slice %arg3[%add3A_30, %dma_start3A_58, %dma_start3A_59] : memref<1280x2x128xi32, #tpu.memory_space<hbm>> -> memref<1x2x128xi32, #tpu.memory_space<hbm>>
        %dma_start3A_61 = tpu.memref_squeeze %dma_start3A_60 : memref<1x2x128xi32, #tpu.memory_space<hbm>> -> memref<2x128xi32, #tpu.memory_space<hbm>>
        %dma_start3A_62 = arith.constant 0 : i32
        %dma_start3A_63 = arith.constant 0 : i32
        %dma_start3A_64 = tpu.memref_slice %arg3[%add3A_30, %dma_start3A_62, %dma_start3A_63] : memref<1280x2x128xi32, #tpu.memory_space<hbm>> -> memref<1x2x128xi32, #tpu.memory_space<hbm>>
        %dma_start3A_65 = tpu.memref_squeeze %dma_start3A_64 : memref<1x2x128xi32, #tpu.memory_space<hbm>> -> memref<2x128xi32, #tpu.memory_space<hbm>>
        tpu.enqueue_dma source(%dma_start3A_65 : memref<2x128xi32, #tpu.memory_space<hbm>>) target(%arg7 : memref<2x128xi32, #tpu.memory_space<vmem>>) target_semaphore(%run_scoped3A_57 : memref<!tpu.dma_semaphore, #tpu.memory_space<semaphore_mem>>)
        %dma_wait3A_66 = arith.constant 0 : i32
        %dma_wait3A_67 = arith.constant 0 : i32
        %dma_wait3A_68 = tpu.memref_slice %arg3[%add3A_30, %dma_wait3A_66, %dma_wait3A_67] : memref<1280x2x128xi32, #tpu.memory_space<hbm>> -> memref<1x2x128xi32, #tpu.memory_space<hbm>>
        %dma_wait3A_69 = tpu.memref_squeeze %dma_wait3A_68 : memref<1x2x128xi32, #tpu.memory_space<hbm>> -> memref<2x128xi32, #tpu.memory_space<hbm>>
        %dma_wait3A_70 = arith.constant 0 : i32
        %dma_wait3A_71 = arith.constant 0 : i32
        %dma_wait3A_72 = tpu.memref_slice %arg3[%add3A_30, %dma_wait3A_70, %dma_wait3A_71] : memref<1280x2x128xi32, #tpu.memory_space<hbm>> -> memref<1x2x128xi32, #tpu.memory_space<hbm>>
        %dma_wait3A_73 = tpu.memref_squeeze %dma_wait3A_72 : memref<1x2x128xi32, #tpu.memory_space<hbm>> -> memref<2x128xi32, #tpu.memory_space<hbm>>
        tpu.wait_dma2 semaphore(%run_scoped3A_57 : memref<!tpu.dma_semaphore, #tpu.memory_space<semaphore_mem>>) src(%dma_wait3A_73 : memref<2x128xi32, #tpu.memory_space<hbm>>) dst(%arg7 : memref<2x128xi32, #tpu.memory_space<vmem>>)
        tpu.yield
      }) : () -> ()
      %eq3A_31 = arith.constant 1 : i32
      %eq3A_32 = arith.cmpi eq, %arg0, %eq3A_31 : i32
      %convert_element_type3A_33 = arith.extui %eq3A_32 : i1 to i32
      %cond3A_34 = arith.constant 0 : i32
      %cond3A_35 = arith.cmpi ne, %convert_element_type3A_33, %cond3A_34 : i32
      scf.if %cond3A_35 {
        %get3A = arith.constant 0 : i32
        %get3A_57 = arith.index_cast %get3A : i32 to index
        %get3A_58 = arith.constant 0 : index
        %get3A_59 = tpu.vector_load %arg7[%get3A_57, %get3A_58] {strides = array<i32>} : memref<2x128xi32, #tpu.memory_space<vmem>>, vector<1x16xi32>,
        %get3A_60 = vector.shape_cast %get3A_59 : vector<1x16xi32> to vector<16xi32>
        %add3A_61 = arith.constant 10240 : i32
        %add3A_62 = vector.broadcast %add3A_61 : i32 to vector<16xi32>
        %add3A_63 = arith.addi %get3A_60, %add3A_62 : vector<16xi32>
        %swap3A = arith.constant 0 : i32
        %swap3A_64 = arith.index_cast %swap3A : i32 to index
        %swap3A_65 = arith.constant 0 : index
        %swap3A_66 = tpu.vector_load %arg7[%swap3A_64, %swap3A_65] {strides = array<i32>} : memref<2x128xi32, #tpu.memory_space<vmem>>, vector<1x16xi32>,
        %swap3A_67 = vector.shape_cast %swap3A_66 : vector<1x16xi32> to vector<16xi32>
        %swap3A_68 = vector.shape_cast %add3A_63 : vector<16xi32> to vector<1x16xi32>
        tpu.vector_store %arg7[%swap3A_64, %swap3A_65], %swap3A_68 {strides = array<i32>} : memref<2x128xi32, #tpu.memory_space<vmem>>, vector<1x16xi32>,
        %get3A_69 = arith.constant 0 : i32
        %get3A_70 = arith.index_cast %get3A_69 : i32 to index
        %get3A_71 = arith.constant 16 : index
        %get3A_72 = tpu.vector_load %arg7[%get3A_70, %get3A_71] {strides = array<i32>} : memref<2x128xi32, #tpu.memory_space<vmem>>, vector<1x16xi32>,
        %get3A_73 = vector.shape_cast %get3A_72 : vector<1x16xi32> to vector<16xi32>
        %add3A_74 = arith.constant 10240 : i32
        %add3A_75 = vector.broadcast %add3A_74 : i32 to vector<16xi32>
        %add3A_76 = arith.addi %get3A_73, %add3A_75 : vector<16xi32>
        %swap3A_77 = arith.constant 0 : i32
        %swap3A_78 = arith.index_cast %swap3A_77 : i32 to index
        %swap3A_79 = arith.constant 16 : index
        %swap3A_80 = tpu.vector_load %arg7[%swap3A_78, %swap3A_79] {strides = array<i32>} : memref<2x128xi32, #tpu.memory_space<vmem>>, vector<1x16xi32>,
        %swap3A_81 = vector.shape_cast %swap3A_80 : vector<1x16xi32> to vector<16xi32>
        %swap3A_82 = vector.shape_cast %add3A_76 : vector<16xi32> to vector<1x16xi32>
        tpu.vector_store %arg7[%swap3A_78, %swap3A_79], %swap3A_82 {strides = array<i32>} : memref<2x128xi32, #tpu.memory_space<vmem>>, vector<1x16xi32>,
        %get3A_83 = arith.constant 0 : i32
        %get3A_84 = arith.index_cast %get3A_83 : i32 to index
        %get3A_85 = arith.constant 32 : index
        %get3A_86 = tpu.vector_load %arg7[%get3A_84, %get3A_85] {strides = array<i32>} : memref<2x128xi32, #tpu.memory_space<vmem>>, vector<1x16xi32>,
        %get3A_87 = vector.shape_cast %get3A_86 : vector<1x16xi32> to vector<16xi32>
        %add3A_88 = arith.constant 10240 : i32
        %add3A_89 = vector.broadcast %add3A_88 : i32 to vector<16xi32>
        %add3A_90 = arith.addi %get3A_87, %add3A_89 : vector<16xi32>
        %swap3A_91 = arith.constant 0 : i32
        %swap3A_92 = arith.index_cast %swap3A_91 : i32 to index
        %swap3A_93 = arith.constant 32 : index
        %swap3A_94 = tpu.vector_load %arg7[%swap3A_92, %swap3A_93] {strides = array<i32>} : memref<2x128xi32, #tpu.memory_space<vmem>>, vector<1x16xi32>,
        %swap3A_95 = vector.shape_cast %swap3A_94 : vector<1x16xi32> to vector<16xi32>
        %swap3A_96 = vector.shape_cast %add3A_90 : vector<16xi32> to vector<1x16xi32>
        tpu.vector_store %arg7[%swap3A_92, %swap3A_93], %swap3A_96 {strides = array<i32>} : memref<2x128xi32, #tpu.memory_space<vmem>>, vector<1x16xi32>,
        %get3A_97 = arith.constant 0 : i32
        %get3A_98 = arith.index_cast %get3A_97 : i32 to index
        %get3A_99 = arith.constant 48 : index
        %get3A_100 = tpu.vector_load %arg7[%get3A_98, %get3A_99] {strides = array<i32>} : memref<2x128xi32, #tpu.memory_space<vmem>>, vector<1x16xi32>,
        %get3A_101 = vector.shape_cast %get3A_100 : vector<1x16xi32> to vector<16xi32>
        %add3A_102 = arith.constant 10240 : i32
        %add3A_103 = vector.broadcast %add3A_102 : i32 to vector<16xi32>
        %add3A_104 = arith.addi %get3A_101, %add3A_103 : vector<16xi32>
        %swap3A_105 = arith.constant 0 : i32
        %swap3A_106 = arith.index_cast %swap3A_105 : i32 to index
        %swap3A_107 = arith.constant 48 : index
        %swap3A_108 = tpu.vector_load %arg7[%swap3A_106, %swap3A_107] {strides = array<i32>} : memref<2x128xi32, #tpu.memory_space<vmem>>, vector<1x16xi32>,
        %swap3A_109 = vector.shape_cast %swap3A_108 : vector<1x16xi32> to vector<16xi32>
        %swap3A_110 = vector.shape_cast %add3A_104 : vector<16xi32> to vector<1x16xi32>
        tpu.vector_store %arg7[%swap3A_106, %swap3A_107], %swap3A_110 {strides = array<i32>} : memref<2x128xi32, #tpu.memory_space<vmem>>, vector<1x16xi32>,
        %get3A_111 = arith.constant 0 : i32
        %get3A_112 = arith.index_cast %get3A_111 : i32 to index
        %get3A_113 = arith.constant 64 : index
        %get3A_114 = tpu.vector_load %arg7[%get3A_112, %get3A_113] {strides = array<i32>} : memref<2x128xi32, #tpu.memory_space<vmem>>, vector<1x16xi32>,
        %get3A_115 = vector.shape_cast %get3A_114 : vector<1x16xi32> to vector<16xi32>
        %add3A_116 = arith.constant 10240 : i32
        %add3A_117 = vector.broadcast %add3A_116 : i32 to vector<16xi32>
        %add3A_118 = arith.addi %get3A_115, %add3A_117 : vector<16xi32>
        %swap3A_119 = arith.constant 0 : i32
        %swap3A_120 = arith.index_cast %swap3A_119 : i32 to index
        %swap3A_121 = arith.constant 64 : index
        %swap3A_122 = tpu.vector_load %arg7[%swap3A_120, %swap3A_121] {strides = array<i32>} : memref<2x128xi32, #tpu.memory_space<vmem>>, vector<1x16xi32>,
        %swap3A_123 = vector.shape_cast %swap3A_122 : vector<1x16xi32> to vector<16xi32>
        %swap3A_124 = vector.shape_cast %add3A_118 : vector<16xi32> to vector<1x16xi32>
        tpu.vector_store %arg7[%swap3A_120, %swap3A_121], %swap3A_124 {strides = array<i32>} : memref<2x128xi32, #tpu.memory_space<vmem>>, vector<1x16xi32>,
        %get3A_125 = arith.constant 0 : i32
        %get3A_126 = arith.index_cast %get3A_125 : i32 to index
        %get3A_127 = arith.constant 80 : index
        %get3A_128 = tpu.vector_load %arg7[%get3A_126, %get3A_127] {strides = array<i32>} : memref<2x128xi32, #tpu.memory_space<vmem>>, vector<1x16xi32>,
        %get3A_129 = vector.shape_cast %get3A_128 : vector<1x16xi32> to vector<16xi32>
        %add3A_130 = arith.constant 10240 : i32
        %add3A_131 = vector.broadcast %add3A_130 : i32 to vector<16xi32>
        %add3A_132 = arith.addi %get3A_129, %add3A_131 : vector<16xi32>
        %swap3A_133 = arith.constant 0 : i32
        %swap3A_134 = arith.index_cast %swap3A_133 : i32 to index
        %swap3A_135 = arith.constant 80 : index
        %swap3A_136 = tpu.vector_load %arg7[%swap3A_134, %swap3A_135] {strides = array<i32>} : memref<2x128xi32, #tpu.memory_space<vmem>>, vector<1x16xi32>,
        %swap3A_137 = vector.shape_cast %swap3A_136 : vector<1x16xi32> to vector<16xi32>
        %swap3A_138 = vector.shape_cast %add3A_132 : vector<16xi32> to vector<1x16xi32>
        tpu.vector_store %arg7[%swap3A_134, %swap3A_135], %swap3A_138 {strides = array<i32>} : memref<2x128xi32, #tpu.memory_space<vmem>>, vector<1x16xi32>,
        %get3A_139 = arith.constant 0 : i32
        %get3A_140 = arith.index_cast %get3A_139 : i32 to index
        %get3A_141 = arith.constant 96 : index
        %get3A_142 = tpu.vector_load %arg7[%get3A_140, %get3A_141] {strides = array<i32>} : memref<2x128xi32, #tpu.memory_space<vmem>>, vector<1x16xi32>,
        %get3A_143 = vector.shape_cast %get3A_142 : vector<1x16xi32> to vector<16xi32>
        %add3A_144 = arith.constant 10240 : i32
        %add3A_145 = vector.broadcast %add3A_144 : i32 to vector<16xi32>
        %add3A_146 = arith.addi %get3A_143, %add3A_145 : vector<16xi32>
        %swap3A_147 = arith.constant 0 : i32
        %swap3A_148 = arith.index_cast %swap3A_147 : i32 to index
        %swap3A_149 = arith.constant 96 : index
        %swap3A_150 = tpu.vector_load %arg7[%swap3A_148, %swap3A_149] {strides = array<i32>} : memref<2x128xi32, #tpu.memory_space<vmem>>, vector<1x16xi32>,
        %swap3A_151 = vector.shape_cast %swap3A_150 : vector<1x16xi32> to vector<16xi32>
        %swap3A_152 = vector.shape_cast %add3A_146 : vector<16xi32> to vector<1x16xi32>
        tpu.vector_store %arg7[%swap3A_148, %swap3A_149], %swap3A_152 {strides = array<i32>} : memref<2x128xi32, #tpu.memory_space<vmem>>, vector<1x16xi32>,
        %get3A_153 = arith.constant 0 : i32
        %get3A_154 = arith.index_cast %get3A_153 : i32 to index
        %get3A_155 = arith.constant 112 : index
        %get3A_156 = tpu.vector_load %arg7[%get3A_154, %get3A_155] {strides = array<i32>} : memref<2x128xi32, #tpu.memory_space<vmem>>, vector<1x16xi32>,
        %get3A_157 = vector.shape_cast %get3A_156 : vector<1x16xi32> to vector<16xi32>
        %add3A_158 = arith.constant 10240 : i32
        %add3A_159 = vector.broadcast %add3A_158 : i32 to vector<16xi32>
        %add3A_160 = arith.addi %get3A_157, %add3A_159 : vector<16xi32>
        %swap3A_161 = arith.constant 0 : i32
        %swap3A_162 = arith.index_cast %swap3A_161 : i32 to index
        %swap3A_163 = arith.constant 112 : index
        %swap3A_164 = tpu.vector_load %arg7[%swap3A_162, %swap3A_163] {strides = array<i32>} : memref<2x128xi32, #tpu.memory_space<vmem>>, vector<1x16xi32>,
        %swap3A_165 = vector.shape_cast %swap3A_164 : vector<1x16xi32> to vector<16xi32>
        %swap3A_166 = vector.shape_cast %add3A_160 : vector<16xi32> to vector<1x16xi32>
        tpu.vector_store %arg7[%swap3A_162, %swap3A_163], %swap3A_166 {strides = array<i32>} : memref<2x128xi32, #tpu.memory_space<vmem>>, vector<1x16xi32>,
      } else {
      }
      %dma_start3A_36 = arith.constant 0 : i32
      %dma_start3A_37 = arith.constant 0 : i32
      %dma_start3A_38 = tpu.memref_slice %arg7[%dma_start3A_36, %dma_start3A_37] : memref<2x128xi32, #tpu.memory_space<vmem>> -> memref<1x128xi32, #tpu.memory_space<vmem>>
      %dma_start3A_39 = tpu.memref_squeeze %dma_start3A_38 : memref<1x128xi32, #tpu.memory_space<vmem>> -> memref<128xi32, #tpu.memory_space<vmem>>
      %dma_start3A_40 = arith.constant 0 : i32
      %dma_start3A_41 = arith.constant 0 : i32
      %dma_start3A_42 = tpu.memref_slice %arg2[%dma_start3A_40, %dma_start3A_41] : memref<20480x128xf32, #tpu.memory_space<hbm>> -> memref<20480x128xf32, #tpu.memory_space<hbm>>
      tpu.enqueue_indirect_dma source(%dma_start3A_42 : memref<20480x128xf32, #tpu.memory_space<hbm>>) target(%arg9 : memref<128x128xf32, #tpu.memory_space<vmem>>) offsets(%dma_start3A_39 : memref<128xi32, #tpu.memory_space<vmem>>) semaphore(%arg12 : memref<!tpu.dma_semaphore, #tpu.memory_space<semaphore_mem>>)
      %dma_wait3A = arith.constant 0 : i32
      %dma_wait3A_43 = arith.constant 0 : i32
      %dma_wait3A_44 = tpu.memref_slice %arg6[%dma_wait3A, %dma_wait3A_43] : memref<2x128xi32, #tpu.memory_space<vmem>> -> memref<1x128xi32, #tpu.memory_space<vmem>>
      %dma_wait3A_45 = tpu.memref_squeeze %dma_wait3A_44 : memref<1x128xi32, #tpu.memory_space<vmem>> -> memref<128xi32, #tpu.memory_space<vmem>>
      %dma_wait3A_46 = arith.constant 0 : i32
      %dma_wait3A_47 = arith.constant 0 : i32
      %dma_wait3A_48 = tpu.memref_slice %arg2[%dma_wait3A_46, %dma_wait3A_47] : memref<20480x128xf32, #tpu.memory_space<hbm>> -> memref<20480x128xf32, #tpu.memory_space<hbm>>
      tpu.wait_indirect_dma semaphore(%arg11 : memref<!tpu.dma_semaphore, #tpu.memory_space<semaphore_mem>>) src(%dma_wait3A_48 : memref<20480x128xf32, #tpu.memory_space<hbm>>) dst(%arg8 : memref<128x128xf32, #tpu.memory_space<vmem>>)
      %run_scoped3A = arith.constant 1 : i32
      "tpu.region"() ({
        %run_scoped3A_57 = tpu.sem_alloc : memref<!tpu.dma_semaphore, #tpu.memory_space<semaphore_mem>>
        %dma_start3A_58 = arith.constant 0 : i32
        %dma_start3A_59 = tpu.memref_slice %arg6[%run_scoped3A, %dma_start3A_58] : memref<2x128xi32, #tpu.memory_space<vmem>> -> memref<1x128xi32, #tpu.memory_space<vmem>>
        %dma_start3A_60 = tpu.memref_squeeze %dma_start3A_59 : memref<1x128xi32, #tpu.memory_space<vmem>> -> memref<128xi32, #tpu.memory_space<vmem>>
        %dma_start3A_61 = arith.constant 0 : i32
        %dma_start3A_62 = arith.constant 0 : i32
        %dma_start3A_63 = tpu.memref_slice %arg10[%dma_start3A_61, %dma_start3A_62] : memref<10240x128xf32, #tpu.memory_space<vmem_shared>> -> memref<10240x128xf32, #tpu.memory_space<vmem_shared>>
        tpu.enqueue_indirect_dma source(%arg8 : memref<128x128xf32, #tpu.memory_space<vmem>>) target(%dma_start3A_63 : memref<10240x128xf32, #tpu.memory_space<vmem_shared>>) offsets(%dma_start3A_60 : memref<128xi32, #tpu.memory_space<vmem>>) semaphore(%run_scoped3A_57 : memref<!tpu.dma_semaphore, #tpu.memory_space<semaphore_mem>>) {add = true}
        %dma_wait3A_64 = arith.constant 0 : i32
        %dma_wait3A_65 = tpu.memref_slice %arg6[%run_scoped3A, %dma_wait3A_64] : memref<2x128xi32, #tpu.memory_space<vmem>> -> memref<1x128xi32, #tpu.memory_space<vmem>>
        %dma_wait3A_66 = tpu.memref_squeeze %dma_wait3A_65 : memref<1x128xi32, #tpu.memory_space<vmem>> -> memref<128xi32, #tpu.memory_space<vmem>>
        %dma_wait3A_67 = arith.constant 0 : i32
        %dma_wait3A_68 = arith.constant 0 : i32
        %dma_wait3A_69 = tpu.memref_slice %arg10[%dma_wait3A_67, %dma_wait3A_68] : memref<10240x128xf32, #tpu.memory_space<vmem_shared>> -> memref<10240x128xf32, #tpu.memory_space<vmem_shared>>
        tpu.wait_indirect_dma semaphore(%run_scoped3A_57 : memref<!tpu.dma_semaphore, #tpu.memory_space<semaphore_mem>>) src(%arg8 : memref<128x128xf32, #tpu.memory_space<vmem>>) dst(%dma_wait3A_69 : memref<10240x128xf32, #tpu.memory_space<vmem_shared>>)
        tpu.yield
      }) : () -> ()
      %dma_wait3A_49 = arith.constant 0 : i32
      %dma_wait3A_50 = arith.constant 0 : i32
      %dma_wait3A_51 = tpu.memref_slice %arg7[%dma_wait3A_49, %dma_wait3A_50] : memref<2x128xi32, #tpu.memory_space<vmem>> -> memref<1x128xi32, #tpu.memory_space<vmem>>
      %dma_wait3A_52 = tpu.memref_squeeze %dma_wait3A_51 : memref<1x128xi32, #tpu.memory_space<vmem>> -> memref<128xi32, #tpu.memory_space<vmem>>
      %dma_wait3A_53 = arith.constant 0 : i32
      %dma_wait3A_54 = arith.constant 0 : i32
      %dma_wait3A_55 = tpu.memref_slice %arg2[%dma_wait3A_53, %dma_wait3A_54] : memref<20480x128xf32, #tpu.memory_space<hbm>> -> memref<20480x128xf32, #tpu.memory_space<hbm>>
      tpu.wait_indirect_dma semaphore(%arg12 : memref<!tpu.dma_semaphore, #tpu.memory_space<semaphore_mem>>) src(%dma_wait3A_55 : memref<20480x128xf32, #tpu.memory_space<hbm>>) dst(%arg9 : memref<128x128xf32, #tpu.memory_space<vmem>>)
      %run_scoped3A_56 = arith.constant 1 : i32
      "tpu.region"() ({
        %run_scoped3A_57 = tpu.sem_alloc : memref<!tpu.dma_semaphore, #tpu.memory_space<semaphore_mem>>
        %dma_start3A_58 = arith.constant 0 : i32
        %dma_start3A_59 = tpu.memref_slice %arg7[%run_scoped3A_56, %dma_start3A_58] : memref<2x128xi32, #tpu.memory_space<vmem>> -> memref<1x128xi32, #tpu.memory_space<vmem>>
        %dma_start3A_60 = tpu.memref_squeeze %dma_start3A_59 : memref<1x128xi32, #tpu.memory_space<vmem>> -> memref<128xi32, #tpu.memory_space<vmem>>
        %dma_start3A_61 = arith.constant 0 : i32
        %dma_start3A_62 = arith.constant 0 : i32
        %dma_start3A_63 = tpu.memref_slice %arg10[%dma_start3A_61, %dma_start3A_62] : memref<10240x128xf32, #tpu.memory_space<vmem_shared>> -> memref<10240x128xf32, #tpu.memory_space<vmem_shared>>
        tpu.enqueue_indirect_dma source(%arg9 : memref<128x128xf32, #tpu.memory_space<vmem>>) target(%dma_start3A_63 : memref<10240x128xf32, #tpu.memory_space<vmem_shared>>) offsets(%dma_start3A_60 : memref<128xi32, #tpu.memory_space<vmem>>) semaphore(%run_scoped3A_57 : memref<!tpu.dma_semaphore, #tpu.memory_space<semaphore_mem>>) {add = true}
        %dma_wait3A_64 = arith.constant 0 : i32
        %dma_wait3A_65 = tpu.memref_slice %arg7[%run_scoped3A_56, %dma_wait3A_64] : memref<2x128xi32, #tpu.memory_space<vmem>> -> memref<1x128xi32, #tpu.memory_space<vmem>>
        %dma_wait3A_66 = tpu.memref_squeeze %dma_wait3A_65 : memref<1x128xi32, #tpu.memory_space<vmem>> -> memref<128xi32, #tpu.memory_space<vmem>>
        %dma_wait3A_67 = arith.constant 0 : i32
        %dma_wait3A_68 = arith.constant 0 : i32
        %dma_wait3A_69 = tpu.memref_slice %arg10[%dma_wait3A_67, %dma_wait3A_68] : memref<10240x128xf32, #tpu.memory_space<vmem_shared>> -> memref<10240x128xf32, #tpu.memory_space<vmem_shared>>
        tpu.wait_indirect_dma semaphore(%run_scoped3A_57 : memref<!tpu.dma_semaphore, #tpu.memory_space<semaphore_mem>>) src(%arg9 : memref<128x128xf32, #tpu.memory_space<vmem>>) dst(%dma_wait3A_69 : memref<10240x128xf32, #tpu.memory_space<vmem_shared>>)
        tpu.yield
      }) : () -> ()
    }
    %scan3A_5 = arith.constant 40 : i32
    %barrier3A_6 = arith.constant 0 : index
    tpu.barrier barrier_id(%barrier3A_6)
    %mul3A_7 = arith.constant 640 : i32
    %mul3A_8 = arith.muli %arg1, %mul3A_7 : i32
    %mul3A_9 = arith.constant 640 : i32
    %mul3A_10 = arith.muli %arg1, %mul3A_9 : i32
    "tpu.region"() ({
      %run_scoped3A = tpu.sem_alloc : memref<!tpu.dma_semaphore, #tpu.memory_space<semaphore_mem>>
      %dma_start3A = arith.constant 0 : i32
      %dma_start3A_11 = tpu.memref_slice %arg5[%arg0, %mul3A_10, %dma_start3A] : memref<2x10240x128xf32, #tpu.memory_space<hbm>> -> memref<1x640x128xf32, #tpu.memory_space<hbm>>
      %dma_start3A_12 = tpu.memref_squeeze %dma_start3A_11 : memref<1x640x128xf32, #tpu.memory_space<hbm>> -> memref<640x128xf32, #tpu.memory_space<hbm>>
      %dma_start3A_13 = arith.constant 0 : i32
      %dma_start3A_14 = tpu.memref_slice %arg10[%mul3A_8, %dma_start3A_13] : memref<10240x128xf32, #tpu.memory_space<vmem_shared>> -> memref<640x128xf32, #tpu.memory_space<vmem_shared>>
      tpu.enqueue_dma source(%dma_start3A_14 : memref<640x128xf32, #tpu.memory_space<vmem_shared>>) target(%dma_start3A_12 : memref<640x128xf32, #tpu.memory_space<hbm>>) target_semaphore(%run_scoped3A : memref<!tpu.dma_semaphore, #tpu.memory_space<semaphore_mem>>)
      %dma_wait3A = arith.constant 0 : i32
      %dma_wait3A_15 = tpu.memref_slice %arg5[%arg0, %mul3A_10, %dma_wait3A] : memref<2x10240x128xf32, #tpu.memory_space<hbm>> -> memref<1x640x128xf32, #tpu.memory_space<hbm>>
      %dma_wait3A_16 = tpu.memref_squeeze %dma_wait3A_15 : memref<1x640x128xf32, #tpu.memory_space<hbm>> -> memref<640x128xf32, #tpu.memory_space<hbm>>
      %dma_wait3A_17 = arith.constant 0 : i32
      %dma_wait3A_18 = tpu.memref_slice %arg10[%mul3A_8, %dma_wait3A_17] : memref<10240x128xf32, #tpu.memory_space<vmem_shared>> -> memref<640x128xf32, #tpu.memory_space<vmem_shared>>
      tpu.wait_dma2 semaphore(%run_scoped3A : memref<!tpu.dma_semaphore, #tpu.memory_space<semaphore_mem>>) src(%dma_wait3A_18 : memref<640x128xf32, #tpu.memory_space<vmem_shared>>) dst(%dma_wait3A_16 : memref<640x128xf32, #tpu.memory_space<hbm>>)
      tpu.yield
    }) : () -> ()
    return
  }
}

#map = affine_map<(d0, d1) -> (0, 0)>
#map1 = affine_map<(d0, d1) -> (0, 0, 0)>
module attributes {stable_mosaic.version = 14 : i64} {
  func.func @_scatter_body(%arg0: i32, %arg1: i32, %arg2: memref<20480x128xf32, #tpu.memory_space<hbm>>, %arg3: memref<1280x2x128xi32, #tpu.memory_space<hbm>>, %arg4: memref<640x128xf32, #tpu.memory_space<hbm>>, %arg5: memref<2x10240x128xf32, #tpu.memory_space<hbm>>, %arg6: memref<2x128xi32, #tpu.memory_space<vmem>>, %arg7: memref<2x128xi32, #tpu.memory_space<vmem>>, %arg8: memref<128x128xf32, #tpu.memory_space<vmem>>, %arg9: memref<128x128xf32, #tpu.memory_space<vmem>>, %arg10: memref<10240x128xf32, #tpu.memory_space<vmem_shared>>, %arg11: memref<!tpu.dma_semaphore, #tpu.memory_space<semaphore_mem>>, %arg12: memref<!tpu.dma_semaphore, #tpu.memory_space<semaphore_mem>>, %arg13: memref<!tpu.dma_semaphore, #tpu.memory_space<semaphore_mem>>, %arg14: memref<!tpu.dma_semaphore, #tpu.memory_space<semaphore_mem>>) attributes {dimension_semantics = [#tpu.dimension_semantics<core_parallel>, #tpu.dimension_semantics<subcore_parallel>], iteration_bounds = array<i64: 2, 16>, scalar_prefetch = 0 : i64, scratch_operands = 9 : i64, tpu.core_type = #tpu.core_type<sc_vector_subcore>, window_params = [{transform_indices = #map}, {transform_indices = #map1}, {transform_indices = #map}, {transform_indices = #map1}]} {
    %mul3A = arith.constant 640 : i32
    %mul3A_0 = arith.muli %arg1, %mul3A : i32
    "tpu.region"() ({
      %run_scoped3A = tpu.sem_alloc : memref<!tpu.dma_semaphore, #tpu.memory_space<semaphore_mem>>
      %dma_start3A = arith.constant 0 : i32
      %dma_start3A_11 = tpu.memref_slice %arg10[%mul3A_0, %dma_start3A] : memref<10240x128xf32, #tpu.memory_space<vmem_shared>> -> memref<640x128xf32, #tpu.memory_space<vmem_shared>>
      tpu.enqueue_dma source(%arg4 : memref<640x128xf32, #tpu.memory_space<hbm>>) target(%dma_start3A_11 : memref<640x128xf32, #tpu.memory_space<vmem_shared>>) target_semaphore(%run_scoped3A : memref<!tpu.dma_semaphore, #tpu.memory_space<semaphore_mem>>)
      %dma_wait3A = arith.constant 0 : i32
      %dma_wait3A_12 = tpu.memref_slice %arg10[%mul3A_0, %dma_wait3A] : memref<10240x128xf32, #tpu.memory_space<vmem_shared>> -> memref<640x128xf32, #tpu.memory_space<vmem_shared>>
      tpu.wait_dma2 semaphore(%run_scoped3A : memref<!tpu.dma_semaphore, #tpu.memory_space<semaphore_mem>>) src(%arg4 : memref<640x128xf32, #tpu.memory_space<hbm>>) dst(%dma_wait3A_12 : memref<640x128xf32, #tpu.memory_space<vmem_shared>>)
      tpu.yield
    }) : () -> ()
    %barrier3A = arith.constant 0 : index
    tpu.barrier barrier_id(%barrier3A)
    %scan3A = arith.constant 0 : i32
    %scan3A_1 = arith.constant 0 : i32
    %scan3A_2 = arith.constant 40 : i32
    %scan3A_3 = arith.addi %scan3A_1, %scan3A_2 : i32
    %scan3A_4 = arith.constant 1 : i32
    scf.for %scan3A_11 = %scan3A_1 to %scan3A_3 step %scan3A_4  : i32 {
      %mul3A_12 = arith.constant 2 : i32
      %mul3A_13 = arith.muli %mul3A_12, %scan3A_11 : i32
      %mul3A_14 = arith.constant 16 : i32
      %mul3A_15 = arith.muli %mul3A_14, %mul3A_13 : i32
      %add3A = arith.addi %arg1, %mul3A_15 : i32
      "tpu.region"() ({
        %run_scoped3A_57 = tpu.sem_alloc : memref<!tpu.dma_semaphore, #tpu.memory_space<semaphore_mem>>
        %dma_start3A_58 = arith.constant 0 : i32
        %dma_start3A_59 = arith.constant 0 : i32
        %dma_start3A_60 = tpu.memref_slice %arg3[%add3A, %dma_start3A_58, %dma_start3A_59] : memref<1280x2x128xi32, #tpu.memory_space<hbm>> -> memref<1x2x128xi32, #tpu.memory_space<hbm>>
        %dma_start3A_61 = tpu.memref_squeeze %dma_start3A_60 : memref<1x2x128xi32, #tpu.memory_space<hbm>> -> memref<2x128xi32, #tpu.memory_space<hbm>>
        %dma_start3A_62 = arith.constant 0 : i32
        %dma_start3A_63 = arith.constant 0 : i32
        %dma_start3A_64 = tpu.memref_slice %arg3[%add3A, %dma_start3A_62, %dma_start3A_63] : memref<1280x2x128xi32, #tpu.memory_space<hbm>> -> memref<1x2x128xi32, #tpu.memory_space<hbm>>
        %dma_start3A_65 = tpu.memref_squeeze %dma_start3A_64 : memref<1x2x128xi32, #tpu.memory_space<hbm>> -> memref<2x128xi32, #tpu.memory_space<hbm>>
        tpu.enqueue_dma source(%dma_start3A_65 : memref<2x128xi32, #tpu.memory_space<hbm>>) target(%arg6 : memref<2x128xi32, #tpu.memory_space<vmem>>) target_semaphore(%run_scoped3A_57 : memref<!tpu.dma_semaphore, #tpu.memory_space<semaphore_mem>>)
        %dma_wait3A_66 = arith.constant 0 : i32
        %dma_wait3A_67 = arith.constant 0 : i32
        %dma_wait3A_68 = tpu.memref_slice %arg3[%add3A, %dma_wait3A_66, %dma_wait3A_67] : memref<1280x2x128xi32, #tpu.memory_space<hbm>> -> memref<1x2x128xi32, #tpu.memory_space<hbm>>
        %dma_wait3A_69 = tpu.memref_squeeze %dma_wait3A_68 : memref<1x2x128xi32, #tpu.memory_space<hbm>> -> memref<2x128xi32, #tpu.memory_space<hbm>>
        %dma_wait3A_70 = arith.constant 0 : i32
        %dma_wait3A_71 = arith.constant 0 : i32
        %dma_wait3A_72 = tpu.memref_slice %arg3[%add3A, %dma_wait3A_70, %dma_wait3A_71] : memref<1280x2x128xi32, #tpu.memory_space<hbm>> -> memref<1x2x128xi32, #tpu.memory_space<hbm>>
        %dma_wait3A_73 = tpu.memref_squeeze %dma_wait3A_72 : memref<1x2x128xi32, #tpu.memory_space<hbm>> -> memref<2x128xi32, #tpu.memory_space<hbm>>
        tpu.wait_dma2 semaphore(%run_scoped3A_57 : memref<!tpu.dma_semaphore, #tpu.memory_space<semaphore_mem>>) src(%dma_wait3A_73 : memref<2x128xi32, #tpu.memory_space<hbm>>) dst(%arg6 : memref<2x128xi32, #tpu.memory_space<vmem>>)
        tpu.yield
      }) : () -> ()
      %eq3A = arith.constant 1 : i32
      %eq3A_16 = arith.cmpi eq, %arg0, %eq3A : i32
      %convert_element_type3A = arith.extui %eq3A_16 : i1 to i32
      %cond3A = arith.constant 0 : i32
      %cond3A_17 = arith.cmpi ne, %convert_element_type3A, %cond3A : i32
      scf.if %cond3A_17 {
        %get3A = arith.constant 0 : i32
        %get3A_57 = arith.index_cast %get3A : i32 to index
        %get3A_58 = arith.constant 0 : index
        %get3A_59 = tpu.vector_load %arg6[%get3A_57, %get3A_58] {strides = array<i32>} : memref<2x128xi32, #tpu.memory_space<vmem>>, vector<1x16xi32>,
        %get3A_60 = vector.shape_cast %get3A_59 : vector<1x16xi32> to vector<16xi32>
        %add3A_61 = arith.constant 10240 : i32
        %add3A_62 = vector.broadcast %add3A_61 : i32 to vector<16xi32>
        %add3A_63 = arith.addi %get3A_60, %add3A_62 : vector<16xi32>
        %swap3A = arith.constant 0 : i32
        %swap3A_64 = arith.index_cast %swap3A : i32 to index
        %swap3A_65 = arith.constant 0 : index
        %swap3A_66 = tpu.vector_load %arg6[%swap3A_64, %swap3A_65] {strides = array<i32>} : memref<2x128xi32, #tpu.memory_space<vmem>>, vector<1x16xi32>,
        %swap3A_67 = vector.shape_cast %swap3A_66 : vector<1x16xi32> to vector<16xi32>
        %swap3A_68 = vector.shape_cast %add3A_63 : vector<16xi32> to vector<1x16xi32>
        tpu.vector_store %arg6[%swap3A_64, %swap3A_65], %swap3A_68 {strides = array<i32>} : memref<2x128xi32, #tpu.memory_space<vmem>>, vector<1x16xi32>,
        %get3A_69 = arith.constant 0 : i32
        %get3A_70 = arith.index_cast %get3A_69 : i32 to index
        %get3A_71 = arith.constant 16 : index
        %get3A_72 = tpu.vector_load %arg6[%get3A_70, %get3A_71] {strides = array<i32>} : memref<2x128xi32, #tpu.memory_space<vmem>>, vector<1x16xi32>,
        %get3A_73 = vector.shape_cast %get3A_72 : vector<1x16xi32> to vector<16xi32>
        %add3A_74 = arith.constant 10240 : i32
        %add3A_75 = vector.broadcast %add3A_74 : i32 to vector<16xi32>
        %add3A_76 = arith.addi %get3A_73, %add3A_75 : vector<16xi32>
        %swap3A_77 = arith.constant 0 : i32
        %swap3A_78 = arith.index_cast %swap3A_77 : i32 to index
        %swap3A_79 = arith.constant 16 : index
        %swap3A_80 = tpu.vector_load %arg6[%swap3A_78, %swap3A_79] {strides = array<i32>} : memref<2x128xi32, #tpu.memory_space<vmem>>, vector<1x16xi32>,
        %swap3A_81 = vector.shape_cast %swap3A_80 : vector<1x16xi32> to vector<16xi32>
        %swap3A_82 = vector.shape_cast %add3A_76 : vector<16xi32> to vector<1x16xi32>
        tpu.vector_store %arg6[%swap3A_78, %swap3A_79], %swap3A_82 {strides = array<i32>} : memref<2x128xi32, #tpu.memory_space<vmem>>, vector<1x16xi32>,
        %get3A_83 = arith.constant 0 : i32
        %get3A_84 = arith.index_cast %get3A_83 : i32 to index
        %get3A_85 = arith.constant 32 : index
        %get3A_86 = tpu.vector_load %arg6[%get3A_84, %get3A_85] {strides = array<i32>} : memref<2x128xi32, #tpu.memory_space<vmem>>, vector<1x16xi32>,
        %get3A_87 = vector.shape_cast %get3A_86 : vector<1x16xi32> to vector<16xi32>
        %add3A_88 = arith.constant 10240 : i32
        %add3A_89 = vector.broadcast %add3A_88 : i32 to vector<16xi32>
        %add3A_90 = arith.addi %get3A_87, %add3A_89 : vector<16xi32>
        %swap3A_91 = arith.constant 0 : i32
        %swap3A_92 = arith.index_cast %swap3A_91 : i32 to index
        %swap3A_93 = arith.constant 32 : index
        %swap3A_94 = tpu.vector_load %arg6[%swap3A_92, %swap3A_93] {strides = array<i32>} : memref<2x128xi32, #tpu.memory_space<vmem>>, vector<1x16xi32>,
        %swap3A_95 = vector.shape_cast %swap3A_94 : vector<1x16xi32> to vector<16xi32>
        %swap3A_96 = vector.shape_cast %add3A_90 : vector<16xi32> to vector<1x16xi32>
        tpu.vector_store %arg6[%swap3A_92, %swap3A_93], %swap3A_96 {strides = array<i32>} : memref<2x128xi32, #tpu.memory_space<vmem>>, vector<1x16xi32>,
        %get3A_97 = arith.constant 0 : i32
        %get3A_98 = arith.index_cast %get3A_97 : i32 to index
        %get3A_99 = arith.constant 48 : index
        %get3A_100 = tpu.vector_load %arg6[%get3A_98, %get3A_99] {strides = array<i32>} : memref<2x128xi32, #tpu.memory_space<vmem>>, vector<1x16xi32>,
        %get3A_101 = vector.shape_cast %get3A_100 : vector<1x16xi32> to vector<16xi32>
        %add3A_102 = arith.constant 10240 : i32
        %add3A_103 = vector.broadcast %add3A_102 : i32 to vector<16xi32>
        %add3A_104 = arith.addi %get3A_101, %add3A_103 : vector<16xi32>
        %swap3A_105 = arith.constant 0 : i32
        %swap3A_106 = arith.index_cast %swap3A_105 : i32 to index
        %swap3A_107 = arith.constant 48 : index
        %swap3A_108 = tpu.vector_load %arg6[%swap3A_106, %swap3A_107] {strides = array<i32>} : memref<2x128xi32, #tpu.memory_space<vmem>>, vector<1x16xi32>,
        %swap3A_109 = vector.shape_cast %swap3A_108 : vector<1x16xi32> to vector<16xi32>
        %swap3A_110 = vector.shape_cast %add3A_104 : vector<16xi32> to vector<1x16xi32>
        tpu.vector_store %arg6[%swap3A_106, %swap3A_107], %swap3A_110 {strides = array<i32>} : memref<2x128xi32, #tpu.memory_space<vmem>>, vector<1x16xi32>,
        %get3A_111 = arith.constant 0 : i32
        %get3A_112 = arith.index_cast %get3A_111 : i32 to index
        %get3A_113 = arith.constant 64 : index
        %get3A_114 = tpu.vector_load %arg6[%get3A_112, %get3A_113] {strides = array<i32>} : memref<2x128xi32, #tpu.memory_space<vmem>>, vector<1x16xi32>,
        %get3A_115 = vector.shape_cast %get3A_114 : vector<1x16xi32> to vector<16xi32>
        %add3A_116 = arith.constant 10240 : i32
        %add3A_117 = vector.broadcast %add3A_116 : i32 to vector<16xi32>
        %add3A_118 = arith.addi %get3A_115, %add3A_117 : vector<16xi32>
        %swap3A_119 = arith.constant 0 : i32
        %swap3A_120 = arith.index_cast %swap3A_119 : i32 to index
        %swap3A_121 = arith.constant 64 : index
        %swap3A_122 = tpu.vector_load %arg6[%swap3A_120, %swap3A_121] {strides = array<i32>} : memref<2x128xi32, #tpu.memory_space<vmem>>, vector<1x16xi32>,
        %swap3A_123 = vector.shape_cast %swap3A_122 : vector<1x16xi32> to vector<16xi32>
        %swap3A_124 = vector.shape_cast %add3A_118 : vector<16xi32> to vector<1x16xi32>
        tpu.vector_store %arg6[%swap3A_120, %swap3A_121], %swap3A_124 {strides = array<i32>} : memref<2x128xi32, #tpu.memory_space<vmem>>, vector<1x16xi32>,
        %get3A_125 = arith.constant 0 : i32
        %get3A_126 = arith.index_cast %get3A_125 : i32 to index
        %get3A_127 = arith.constant 80 : index
        %get3A_128 = tpu.vector_load %arg6[%get3A_126, %get3A_127] {strides = array<i32>} : memref<2x128xi32, #tpu.memory_space<vmem>>, vector<1x16xi32>,
        %get3A_129 = vector.shape_cast %get3A_128 : vector<1x16xi32> to vector<16xi32>
        %add3A_130 = arith.constant 10240 : i32
        %add3A_131 = vector.broadcast %add3A_130 : i32 to vector<16xi32>
        %add3A_132 = arith.addi %get3A_129, %add3A_131 : vector<16xi32>
        %swap3A_133 = arith.constant 0 : i32
        %swap3A_134 = arith.index_cast %swap3A_133 : i32 to index
        %swap3A_135 = arith.constant 80 : index
        %swap3A_136 = tpu.vector_load %arg6[%swap3A_134, %swap3A_135] {strides = array<i32>} : memref<2x128xi32, #tpu.memory_space<vmem>>, vector<1x16xi32>,
        %swap3A_137 = vector.shape_cast %swap3A_136 : vector<1x16xi32> to vector<16xi32>
        %swap3A_138 = vector.shape_cast %add3A_132 : vector<16xi32> to vector<1x16xi32>
        tpu.vector_store %arg6[%swap3A_134, %swap3A_135], %swap3A_138 {strides = array<i32>} : memref<2x128xi32, #tpu.memory_space<vmem>>, vector<1x16xi32>,
        %get3A_139 = arith.constant 0 : i32
        %get3A_140 = arith.index_cast %get3A_139 : i32 to index
        %get3A_141 = arith.constant 96 : index
        %get3A_142 = tpu.vector_load %arg6[%get3A_140, %get3A_141] {strides = array<i32>} : memref<2x128xi32, #tpu.memory_space<vmem>>, vector<1x16xi32>,
        %get3A_143 = vector.shape_cast %get3A_142 : vector<1x16xi32> to vector<16xi32>
        %add3A_144 = arith.constant 10240 : i32
        %add3A_145 = vector.broadcast %add3A_144 : i32 to vector<16xi32>
        %add3A_146 = arith.addi %get3A_143, %add3A_145 : vector<16xi32>
        %swap3A_147 = arith.constant 0 : i32
        %swap3A_148 = arith.index_cast %swap3A_147 : i32 to index
        %swap3A_149 = arith.constant 96 : index
        %swap3A_150 = tpu.vector_load %arg6[%swap3A_148, %swap3A_149] {strides = array<i32>} : memref<2x128xi32, #tpu.memory_space<vmem>>, vector<1x16xi32>,
        %swap3A_151 = vector.shape_cast %swap3A_150 : vector<1x16xi32> to vector<16xi32>
        %swap3A_152 = vector.shape_cast %add3A_146 : vector<16xi32> to vector<1x16xi32>
        tpu.vector_store %arg6[%swap3A_148, %swap3A_149], %swap3A_152 {strides = array<i32>} : memref<2x128xi32, #tpu.memory_space<vmem>>, vector<1x16xi32>,
        %get3A_153 = arith.constant 0 : i32
        %get3A_154 = arith.index_cast %get3A_153 : i32 to index
        %get3A_155 = arith.constant 112 : index
        %get3A_156 = tpu.vector_load %arg6[%get3A_154, %get3A_155] {strides = array<i32>} : memref<2x128xi32, #tpu.memory_space<vmem>>, vector<1x16xi32>,
        %get3A_157 = vector.shape_cast %get3A_156 : vector<1x16xi32> to vector<16xi32>
        %add3A_158 = arith.constant 10240 : i32
        %add3A_159 = vector.broadcast %add3A_158 : i32 to vector<16xi32>
        %add3A_160 = arith.addi %get3A_157, %add3A_159 : vector<16xi32>
        %swap3A_161 = arith.constant 0 : i32
        %swap3A_162 = arith.index_cast %swap3A_161 : i32 to index
        %swap3A_163 = arith.constant 112 : index
        %swap3A_164 = tpu.vector_load %arg6[%swap3A_162, %swap3A_163] {strides = array<i32>} : memref<2x128xi32, #tpu.memory_space<vmem>>, vector<1x16xi32>,
        %swap3A_165 = vector.shape_cast %swap3A_164 : vector<1x16xi32> to vector<16xi32>
        %swap3A_166 = vector.shape_cast %add3A_160 : vector<16xi32> to vector<1x16xi32>
        tpu.vector_store %arg6[%swap3A_162, %swap3A_163], %swap3A_166 {strides = array<i32>} : memref<2x128xi32, #tpu.memory_space<vmem>>, vector<1x16xi32>,
      } else {
      }
      %dma_start3A = arith.constant 0 : i32
      %dma_start3A_18 = arith.constant 0 : i32
      %dma_start3A_19 = tpu.memref_slice %arg6[%dma_start3A, %dma_start3A_18] : memref<2x128xi32, #tpu.memory_space<vmem>> -> memref<1x128xi32, #tpu.memory_space<vmem>>
      %dma_start3A_20 = tpu.memref_squeeze %dma_start3A_19 : memref<1x128xi32, #tpu.memory_space<vmem>> -> memref<128xi32, #tpu.memory_space<vmem>>
      %dma_start3A_21 = arith.constant 0 : i32
      %dma_start3A_22 = arith.constant 0 : i32
      %dma_start3A_23 = tpu.memref_slice %arg2[%dma_start3A_21, %dma_start3A_22] : memref<20480x128xf32, #tpu.memory_space<hbm>> -> memref<20480x128xf32, #tpu.memory_space<hbm>>
      tpu.enqueue_indirect_dma source(%dma_start3A_23 : memref<20480x128xf32, #tpu.memory_space<hbm>>) target(%arg8 : memref<128x128xf32, #tpu.memory_space<vmem>>) offsets(%dma_start3A_20 : memref<128xi32, #tpu.memory_space<vmem>>) semaphore(%arg11 : memref<!tpu.dma_semaphore, #tpu.memory_space<semaphore_mem>>)
      %mul3A_24 = arith.constant 2 : i32
      %mul3A_25 = arith.muli %mul3A_24, %scan3A_11 : i32
      %add3A_26 = arith.constant 1 : i32
      %add3A_27 = arith.addi %mul3A_25, %add3A_26 : i32
      %mul3A_28 = arith.constant 16 : i32
      %mul3A_29 = arith.muli %mul3A_28, %add3A_27 : i32
      %add3A_30 = arith.addi %arg1, %mul3A_29 : i32
      "tpu.region"() ({
        %run_scoped3A_57 = tpu.sem_alloc : memref<!tpu.dma_semaphore, #tpu.memory_space<semaphore_mem>>
        %dma_start3A_58 = arith.constant 0 : i32
        %dma_start3A_59 = arith.constant 0 : i32
        %dma_start3A_60 = tpu.memref_slice %arg3[%add3A_30, %dma_start3A_58, %dma_start3A_59] : memref<1280x2x128xi32, #tpu.memory_space<hbm>> -> memref<1x2x128xi32, #tpu.memory_space<hbm>>
        %dma_start3A_61 = tpu.memref_squeeze %dma_start3A_60 : memref<1x2x128xi32, #tpu.memory_space<hbm>> -> memref<2x128xi32, #tpu.memory_space<hbm>>
        %dma_start3A_62 = arith.constant 0 : i32
        %dma_start3A_63 = arith.constant 0 : i32
        %dma_start3A_64 = tpu.memref_slice %arg3[%add3A_30, %dma_start3A_62, %dma_start3A_63] : memref<1280x2x128xi32, #tpu.memory_space<hbm>> -> memref<1x2x128xi32, #tpu.memory_space<hbm>>
        %dma_start3A_65 = tpu.memref_squeeze %dma_start3A_64 : memref<1x2x128xi32, #tpu.memory_space<hbm>> -> memref<2x128xi32, #tpu.memory_space<hbm>>
        tpu.enqueue_dma source(%dma_start3A_65 : memref<2x128xi32, #tpu.memory_space<hbm>>) target(%arg7 : memref<2x128xi32, #tpu.memory_space<vmem>>) target_semaphore(%run_scoped3A_57 : memref<!tpu.dma_semaphore, #tpu.memory_space<semaphore_mem>>)
        %dma_wait3A_66 = arith.constant 0 : i32
        %dma_wait3A_67 = arith.constant 0 : i32
        %dma_wait3A_68 = tpu.memref_slice %arg3[%add3A_30, %dma_wait3A_66, %dma_wait3A_67] : memref<1280x2x128xi32, #tpu.memory_space<hbm>> -> memref<1x2x128xi32, #tpu.memory_space<hbm>>
        %dma_wait3A_69 = tpu.memref_squeeze %dma_wait3A_68 : memref<1x2x128xi32, #tpu.memory_space<hbm>> -> memref<2x128xi32, #tpu.memory_space<hbm>>
        %dma_wait3A_70 = arith.constant 0 : i32
        %dma_wait3A_71 = arith.constant 0 : i32
        %dma_wait3A_72 = tpu.memref_slice %arg3[%add3A_30, %dma_wait3A_70, %dma_wait3A_71] : memref<1280x2x128xi32, #tpu.memory_space<hbm>> -> memref<1x2x128xi32, #tpu.memory_space<hbm>>
        %dma_wait3A_73 = tpu.memref_squeeze %dma_wait3A_72 : memref<1x2x128xi32, #tpu.memory_space<hbm>> -> memref<2x128xi32, #tpu.memory_space<hbm>>
        tpu.wait_dma2 semaphore(%run_scoped3A_57 : memref<!tpu.dma_semaphore, #tpu.memory_space<semaphore_mem>>) src(%dma_wait3A_73 : memref<2x128xi32, #tpu.memory_space<hbm>>) dst(%arg7 : memref<2x128xi32, #tpu.memory_space<vmem>>)
        tpu.yield
      }) : () -> ()
      %eq3A_31 = arith.constant 1 : i32
      %eq3A_32 = arith.cmpi eq, %arg0, %eq3A_31 : i32
      %convert_element_type3A_33 = arith.extui %eq3A_32 : i1 to i32
      %cond3A_34 = arith.constant 0 : i32
      %cond3A_35 = arith.cmpi ne, %convert_element_type3A_33, %cond3A_34 : i32
      scf.if %cond3A_35 {
        %get3A = arith.constant 0 : i32
        %get3A_57 = arith.index_cast %get3A : i32 to index
        %get3A_58 = arith.constant 0 : index
        %get3A_59 = tpu.vector_load %arg7[%get3A_57, %get3A_58] {strides = array<i32>} : memref<2x128xi32, #tpu.memory_space<vmem>>, vector<1x16xi32>,
        %get3A_60 = vector.shape_cast %get3A_59 : vector<1x16xi32> to vector<16xi32>
        %add3A_61 = arith.constant 10240 : i32
        %add3A_62 = vector.broadcast %add3A_61 : i32 to vector<16xi32>
        %add3A_63 = arith.addi %get3A_60, %add3A_62 : vector<16xi32>
        %swap3A = arith.constant 0 : i32
        %swap3A_64 = arith.index_cast %swap3A : i32 to index
        %swap3A_65 = arith.constant 0 : index
        %swap3A_66 = tpu.vector_load %arg7[%swap3A_64, %swap3A_65] {strides = array<i32>} : memref<2x128xi32, #tpu.memory_space<vmem>>, vector<1x16xi32>,
        %swap3A_67 = vector.shape_cast %swap3A_66 : vector<1x16xi32> to vector<16xi32>
        %swap3A_68 = vector.shape_cast %add3A_63 : vector<16xi32> to vector<1x16xi32>
        tpu.vector_store %arg7[%swap3A_64, %swap3A_65], %swap3A_68 {strides = array<i32>} : memref<2x128xi32, #tpu.memory_space<vmem>>, vector<1x16xi32>,
        %get3A_69 = arith.constant 0 : i32
        %get3A_70 = arith.index_cast %get3A_69 : i32 to index
        %get3A_71 = arith.constant 16 : index
        %get3A_72 = tpu.vector_load %arg7[%get3A_70, %get3A_71] {strides = array<i32>} : memref<2x128xi32, #tpu.memory_space<vmem>>, vector<1x16xi32>,
        %get3A_73 = vector.shape_cast %get3A_72 : vector<1x16xi32> to vector<16xi32>
        %add3A_74 = arith.constant 10240 : i32
        %add3A_75 = vector.broadcast %add3A_74 : i32 to vector<16xi32>
        %add3A_76 = arith.addi %get3A_73, %add3A_75 : vector<16xi32>
        %swap3A_77 = arith.constant 0 : i32
        %swap3A_78 = arith.index_cast %swap3A_77 : i32 to index
        %swap3A_79 = arith.constant 16 : index
        %swap3A_80 = tpu.vector_load %arg7[%swap3A_78, %swap3A_79] {strides = array<i32>} : memref<2x128xi32, #tpu.memory_space<vmem>>, vector<1x16xi32>,
        %swap3A_81 = vector.shape_cast %swap3A_80 : vector<1x16xi32> to vector<16xi32>
        %swap3A_82 = vector.shape_cast %add3A_76 : vector<16xi32> to vector<1x16xi32>
        tpu.vector_store %arg7[%swap3A_78, %swap3A_79], %swap3A_82 {strides = array<i32>} : memref<2x128xi32, #tpu.memory_space<vmem>>, vector<1x16xi32>,
        %get3A_83 = arith.constant 0 : i32
        %get3A_84 = arith.index_cast %get3A_83 : i32 to index
        %get3A_85 = arith.constant 32 : index
        %get3A_86 = tpu.vector_load %arg7[%get3A_84, %get3A_85] {strides = array<i32>} : memref<2x128xi32, #tpu.memory_space<vmem>>, vector<1x16xi32>,
        %get3A_87 = vector.shape_cast %get3A_86 : vector<1x16xi32> to vector<16xi32>
        %add3A_88 = arith.constant 10240 : i32
        %add3A_89 = vector.broadcast %add3A_88 : i32 to vector<16xi32>
        %add3A_90 = arith.addi %get3A_87, %add3A_89 : vector<16xi32>
        %swap3A_91 = arith.constant 0 : i32
        %swap3A_92 = arith.index_cast %swap3A_91 : i32 to index
        %swap3A_93 = arith.constant 32 : index
        %swap3A_94 = tpu.vector_load %arg7[%swap3A_92, %swap3A_93] {strides = array<i32>} : memref<2x128xi32, #tpu.memory_space<vmem>>, vector<1x16xi32>,
        %swap3A_95 = vector.shape_cast %swap3A_94 : vector<1x16xi32> to vector<16xi32>
        %swap3A_96 = vector.shape_cast %add3A_90 : vector<16xi32> to vector<1x16xi32>
        tpu.vector_store %arg7[%swap3A_92, %swap3A_93], %swap3A_96 {strides = array<i32>} : memref<2x128xi32, #tpu.memory_space<vmem>>, vector<1x16xi32>,
        %get3A_97 = arith.constant 0 : i32
        %get3A_98 = arith.index_cast %get3A_97 : i32 to index
        %get3A_99 = arith.constant 48 : index
        %get3A_100 = tpu.vector_load %arg7[%get3A_98, %get3A_99] {strides = array<i32>} : memref<2x128xi32, #tpu.memory_space<vmem>>, vector<1x16xi32>,
        %get3A_101 = vector.shape_cast %get3A_100 : vector<1x16xi32> to vector<16xi32>
        %add3A_102 = arith.constant 10240 : i32
        %add3A_103 = vector.broadcast %add3A_102 : i32 to vector<16xi32>
        %add3A_104 = arith.addi %get3A_101, %add3A_103 : vector<16xi32>
        %swap3A_105 = arith.constant 0 : i32
        %swap3A_106 = arith.index_cast %swap3A_105 : i32 to index
        %swap3A_107 = arith.constant 48 : index
        %swap3A_108 = tpu.vector_load %arg7[%swap3A_106, %swap3A_107] {strides = array<i32>} : memref<2x128xi32, #tpu.memory_space<vmem>>, vector<1x16xi32>,
        %swap3A_109 = vector.shape_cast %swap3A_108 : vector<1x16xi32> to vector<16xi32>
        %swap3A_110 = vector.shape_cast %add3A_104 : vector<16xi32> to vector<1x16xi32>
        tpu.vector_store %arg7[%swap3A_106, %swap3A_107], %swap3A_110 {strides = array<i32>} : memref<2x128xi32, #tpu.memory_space<vmem>>, vector<1x16xi32>,
        %get3A_111 = arith.constant 0 : i32
        %get3A_112 = arith.index_cast %get3A_111 : i32 to index
        %get3A_113 = arith.constant 64 : index
        %get3A_114 = tpu.vector_load %arg7[%get3A_112, %get3A_113] {strides = array<i32>} : memref<2x128xi32, #tpu.memory_space<vmem>>, vector<1x16xi32>,
        %get3A_115 = vector.shape_cast %get3A_114 : vector<1x16xi32> to vector<16xi32>
        %add3A_116 = arith.constant 10240 : i32
        %add3A_117 = vector.broadcast %add3A_116 : i32 to vector<16xi32>
        %add3A_118 = arith.addi %get3A_115, %add3A_117 : vector<16xi32>
        %swap3A_119 = arith.constant 0 : i32
        %swap3A_120 = arith.index_cast %swap3A_119 : i32 to index
        %swap3A_121 = arith.constant 64 : index
        %swap3A_122 = tpu.vector_load %arg7[%swap3A_120, %swap3A_121] {strides = array<i32>} : memref<2x128xi32, #tpu.memory_space<vmem>>, vector<1x16xi32>,
        %swap3A_123 = vector.shape_cast %swap3A_122 : vector<1x16xi32> to vector<16xi32>
        %swap3A_124 = vector.shape_cast %add3A_118 : vector<16xi32> to vector<1x16xi32>
        tpu.vector_store %arg7[%swap3A_120, %swap3A_121], %swap3A_124 {strides = array<i32>} : memref<2x128xi32, #tpu.memory_space<vmem>>, vector<1x16xi32>,
        %get3A_125 = arith.constant 0 : i32
        %get3A_126 = arith.index_cast %get3A_125 : i32 to index
        %get3A_127 = arith.constant 80 : index
        %get3A_128 = tpu.vector_load %arg7[%get3A_126, %get3A_127] {strides = array<i32>} : memref<2x128xi32, #tpu.memory_space<vmem>>, vector<1x16xi32>,
        %get3A_129 = vector.shape_cast %get3A_128 : vector<1x16xi32> to vector<16xi32>
        %add3A_130 = arith.constant 10240 : i32
        %add3A_131 = vector.broadcast %add3A_130 : i32 to vector<16xi32>
        %add3A_132 = arith.addi %get3A_129, %add3A_131 : vector<16xi32>
        %swap3A_133 = arith.constant 0 : i32
        %swap3A_134 = arith.index_cast %swap3A_133 : i32 to index
        %swap3A_135 = arith.constant 80 : index
        %swap3A_136 = tpu.vector_load %arg7[%swap3A_134, %swap3A_135] {strides = array<i32>} : memref<2x128xi32, #tpu.memory_space<vmem>>, vector<1x16xi32>,
        %swap3A_137 = vector.shape_cast %swap3A_136 : vector<1x16xi32> to vector<16xi32>
        %swap3A_138 = vector.shape_cast %add3A_132 : vector<16xi32> to vector<1x16xi32>
        tpu.vector_store %arg7[%swap3A_134, %swap3A_135], %swap3A_138 {strides = array<i32>} : memref<2x128xi32, #tpu.memory_space<vmem>>, vector<1x16xi32>,
        %get3A_139 = arith.constant 0 : i32
        %get3A_140 = arith.index_cast %get3A_139 : i32 to index
        %get3A_141 = arith.constant 96 : index
        %get3A_142 = tpu.vector_load %arg7[%get3A_140, %get3A_141] {strides = array<i32>} : memref<2x128xi32, #tpu.memory_space<vmem>>, vector<1x16xi32>,
        %get3A_143 = vector.shape_cast %get3A_142 : vector<1x16xi32> to vector<16xi32>
        %add3A_144 = arith.constant 10240 : i32
        %add3A_145 = vector.broadcast %add3A_144 : i32 to vector<16xi32>
        %add3A_146 = arith.addi %get3A_143, %add3A_145 : vector<16xi32>
        %swap3A_147 = arith.constant 0 : i32
        %swap3A_148 = arith.index_cast %swap3A_147 : i32 to index
        %swap3A_149 = arith.constant 96 : index
        %swap3A_150 = tpu.vector_load %arg7[%swap3A_148, %swap3A_149] {strides = array<i32>} : memref<2x128xi32, #tpu.memory_space<vmem>>, vector<1x16xi32>,
        %swap3A_151 = vector.shape_cast %swap3A_150 : vector<1x16xi32> to vector<16xi32>
        %swap3A_152 = vector.shape_cast %add3A_146 : vector<16xi32> to vector<1x16xi32>
        tpu.vector_store %arg7[%swap3A_148, %swap3A_149], %swap3A_152 {strides = array<i32>} : memref<2x128xi32, #tpu.memory_space<vmem>>, vector<1x16xi32>,
        %get3A_153 = arith.constant 0 : i32
        %get3A_154 = arith.index_cast %get3A_153 : i32 to index
        %get3A_155 = arith.constant 112 : index
        %get3A_156 = tpu.vector_load %arg7[%get3A_154, %get3A_155] {strides = array<i32>} : memref<2x128xi32, #tpu.memory_space<vmem>>, vector<1x16xi32>,
        %get3A_157 = vector.shape_cast %get3A_156 : vector<1x16xi32> to vector<16xi32>
        %add3A_158 = arith.constant 10240 : i32
        %add3A_159 = vector.broadcast %add3A_158 : i32 to vector<16xi32>
        %add3A_160 = arith.addi %get3A_157, %add3A_159 : vector<16xi32>
        %swap3A_161 = arith.constant 0 : i32
        %swap3A_162 = arith.index_cast %swap3A_161 : i32 to index
        %swap3A_163 = arith.constant 112 : index
        %swap3A_164 = tpu.vector_load %arg7[%swap3A_162, %swap3A_163] {strides = array<i32>} : memref<2x128xi32, #tpu.memory_space<vmem>>, vector<1x16xi32>,
        %swap3A_165 = vector.shape_cast %swap3A_164 : vector<1x16xi32> to vector<16xi32>
        %swap3A_166 = vector.shape_cast %add3A_160 : vector<16xi32> to vector<1x16xi32>
        tpu.vector_store %arg7[%swap3A_162, %swap3A_163], %swap3A_166 {strides = array<i32>} : memref<2x128xi32, #tpu.memory_space<vmem>>, vector<1x16xi32>,
      } else {
      }
      %dma_start3A_36 = arith.constant 0 : i32
      %dma_start3A_37 = arith.constant 0 : i32
      %dma_start3A_38 = tpu.memref_slice %arg7[%dma_start3A_36, %dma_start3A_37] : memref<2x128xi32, #tpu.memory_space<vmem>> -> memref<1x128xi32, #tpu.memory_space<vmem>>
      %dma_start3A_39 = tpu.memref_squeeze %dma_start3A_38 : memref<1x128xi32, #tpu.memory_space<vmem>> -> memref<128xi32, #tpu.memory_space<vmem>>
      %dma_start3A_40 = arith.constant 0 : i32
      %dma_start3A_41 = arith.constant 0 : i32
      %dma_start3A_42 = tpu.memref_slice %arg2[%dma_start3A_40, %dma_start3A_41] : memref<20480x128xf32, #tpu.memory_space<hbm>> -> memref<20480x128xf32, #tpu.memory_space<hbm>>
      tpu.enqueue_indirect_dma source(%dma_start3A_42 : memref<20480x128xf32, #tpu.memory_space<hbm>>) target(%arg9 : memref<128x128xf32, #tpu.memory_space<vmem>>) offsets(%dma_start3A_39 : memref<128xi32, #tpu.memory_space<vmem>>) semaphore(%arg12 : memref<!tpu.dma_semaphore, #tpu.memory_space<semaphore_mem>>)
      %dma_wait3A = arith.constant 0 : i32
      %dma_wait3A_43 = arith.constant 0 : i32
      %dma_wait3A_44 = tpu.memref_slice %arg6[%dma_wait3A, %dma_wait3A_43] : memref<2x128xi32, #tpu.memory_space<vmem>> -> memref<1x128xi32, #tpu.memory_space<vmem>>
      %dma_wait3A_45 = tpu.memref_squeeze %dma_wait3A_44 : memref<1x128xi32, #tpu.memory_space<vmem>> -> memref<128xi32, #tpu.memory_space<vmem>>
      %dma_wait3A_46 = arith.constant 0 : i32
      %dma_wait3A_47 = arith.constant 0 : i32
      %dma_wait3A_48 = tpu.memref_slice %arg2[%dma_wait3A_46, %dma_wait3A_47] : memref<20480x128xf32, #tpu.memory_space<hbm>> -> memref<20480x128xf32, #tpu.memory_space<hbm>>
      tpu.wait_indirect_dma semaphore(%arg11 : memref<!tpu.dma_semaphore, #tpu.memory_space<semaphore_mem>>) src(%dma_wait3A_48 : memref<20480x128xf32, #tpu.memory_space<hbm>>) dst(%arg8 : memref<128x128xf32, #tpu.memory_space<vmem>>)
      %run_scoped3A = arith.constant 1 : i32
      "tpu.region"() ({
        %run_scoped3A_57 = tpu.sem_alloc : memref<!tpu.dma_semaphore, #tpu.memory_space<semaphore_mem>>
        %dma_start3A_58 = arith.constant 0 : i32
        %dma_start3A_59 = tpu.memref_slice %arg6[%run_scoped3A, %dma_start3A_58] : memref<2x128xi32, #tpu.memory_space<vmem>> -> memref<1x128xi32, #tpu.memory_space<vmem>>
        %dma_start3A_60 = tpu.memref_squeeze %dma_start3A_59 : memref<1x128xi32, #tpu.memory_space<vmem>> -> memref<128xi32, #tpu.memory_space<vmem>>
        %dma_start3A_61 = arith.constant 0 : i32
        %dma_start3A_62 = arith.constant 0 : i32
        %dma_start3A_63 = tpu.memref_slice %arg10[%dma_start3A_61, %dma_start3A_62] : memref<10240x128xf32, #tpu.memory_space<vmem_shared>> -> memref<10240x128xf32, #tpu.memory_space<vmem_shared>>
        tpu.enqueue_indirect_dma source(%arg8 : memref<128x128xf32, #tpu.memory_space<vmem>>) target(%dma_start3A_63 : memref<10240x128xf32, #tpu.memory_space<vmem_shared>>) offsets(%dma_start3A_60 : memref<128xi32, #tpu.memory_space<vmem>>) semaphore(%run_scoped3A_57 : memref<!tpu.dma_semaphore, #tpu.memory_space<semaphore_mem>>) {add = true}
        %dma_wait3A_64 = arith.constant 0 : i32
        %dma_wait3A_65 = tpu.memref_slice %arg6[%run_scoped3A, %dma_wait3A_64] : memref<2x128xi32, #tpu.memory_space<vmem>> -> memref<1x128xi32, #tpu.memory_space<vmem>>
        %dma_wait3A_66 = tpu.memref_squeeze %dma_wait3A_65 : memref<1x128xi32, #tpu.memory_space<vmem>> -> memref<128xi32, #tpu.memory_space<vmem>>
        %dma_wait3A_67 = arith.constant 0 : i32
        %dma_wait3A_68 = arith.constant 0 : i32
        %dma_wait3A_69 = tpu.memref_slice %arg10[%dma_wait3A_67, %dma_wait3A_68] : memref<10240x128xf32, #tpu.memory_space<vmem_shared>> -> memref<10240x128xf32, #tpu.memory_space<vmem_shared>>
        tpu.wait_indirect_dma semaphore(%run_scoped3A_57 : memref<!tpu.dma_semaphore, #tpu.memory_space<semaphore_mem>>) src(%arg8 : memref<128x128xf32, #tpu.memory_space<vmem>>) dst(%dma_wait3A_69 : memref<10240x128xf32, #tpu.memory_space<vmem_shared>>)
        tpu.yield
      }) : () -> ()
      %dma_wait3A_49 = arith.constant 0 : i32
      %dma_wait3A_50 = arith.constant 0 : i32
      %dma_wait3A_51 = tpu.memref_slice %arg7[%dma_wait3A_49, %dma_wait3A_50] : memref<2x128xi32, #tpu.memory_space<vmem>> -> memref<1x128xi32, #tpu.memory_space<vmem>>
      %dma_wait3A_52 = tpu.memref_squeeze %dma_wait3A_51 : memref<1x128xi32, #tpu.memory_space<vmem>> -> memref<128xi32, #tpu.memory_space<vmem>>
      %dma_wait3A_53 = arith.constant 0 : i32
      %dma_wait3A_54 = arith.constant 0 : i32
      %dma_wait3A_55 = tpu.memref_slice %arg2[%dma_wait3A_53, %dma_wait3A_54] : memref<20480x128xf32, #tpu.memory_space<hbm>> -> memref<20480x128xf32, #tpu.memory_space<hbm>>
      tpu.wait_indirect_dma semaphore(%arg12 : memref<!tpu.dma_semaphore, #tpu.memory_space<semaphore_mem>>) src(%dma_wait3A_55 : memref<20480x128xf32, #tpu.memory_space<hbm>>) dst(%arg9 : memref<128x128xf32, #tpu.memory_space<vmem>>)
      %run_scoped3A_56 = arith.constant 1 : i32
      "tpu.region"() ({
        %run_scoped3A_57 = tpu.sem_alloc : memref<!tpu.dma_semaphore, #tpu.memory_space<semaphore_mem>>
        %dma_start3A_58 = arith.constant 0 : i32
        %dma_start3A_59 = tpu.memref_slice %arg7[%run_scoped3A_56, %dma_start3A_58] : memref<2x128xi32, #tpu.memory_space<vmem>> -> memref<1x128xi32, #tpu.memory_space<vmem>>
        %dma_start3A_60 = tpu.memref_squeeze %dma_start3A_59 : memref<1x128xi32, #tpu.memory_space<vmem>> -> memref<128xi32, #tpu.memory_space<vmem>>
        %dma_start3A_61 = arith.constant 0 : i32
        %dma_start3A_62 = arith.constant 0 : i32
        %dma_start3A_63 = tpu.memref_slice %arg10[%dma_start3A_61, %dma_start3A_62] : memref<10240x128xf32, #tpu.memory_space<vmem_shared>> -> memref<10240x128xf32, #tpu.memory_space<vmem_shared>>
        tpu.enqueue_indirect_dma source(%arg9 : memref<128x128xf32, #tpu.memory_space<vmem>>) target(%dma_start3A_63 : memref<10240x128xf32, #tpu.memory_space<vmem_shared>>) offsets(%dma_start3A_60 : memref<128xi32, #tpu.memory_space<vmem>>) semaphore(%run_scoped3A_57 : memref<!tpu.dma_semaphore, #tpu.memory_space<semaphore_mem>>) {add = true}
        %dma_wait3A_64 = arith.constant 0 : i32
        %dma_wait3A_65 = tpu.memref_slice %arg7[%run_scoped3A_56, %dma_wait3A_64] : memref<2x128xi32, #tpu.memory_space<vmem>> -> memref<1x128xi32, #tpu.memory_space<vmem>>
        %dma_wait3A_66 = tpu.memref_squeeze %dma_wait3A_65 : memref<1x128xi32, #tpu.memory_space<vmem>> -> memref<128xi32, #tpu.memory_space<vmem>>
        %dma_wait3A_67 = arith.constant 0 : i32
        %dma_wait3A_68 = arith.constant 0 : i32
        %dma_wait3A_69 = tpu.memref_slice %arg10[%dma_wait3A_67, %dma_wait3A_68] : memref<10240x128xf32, #tpu.memory_space<vmem_shared>> -> memref<10240x128xf32, #tpu.memory_space<vmem_shared>>
        tpu.wait_indirect_dma semaphore(%run_scoped3A_57 : memref<!tpu.dma_semaphore, #tpu.memory_space<semaphore_mem>>) src(%arg9 : memref<128x128xf32, #tpu.memory_space<vmem>>) dst(%dma_wait3A_69 : memref<10240x128xf32, #tpu.memory_space<vmem_shared>>)
        tpu.yield
      }) : () -> ()
    }
    %scan3A_5 = arith.constant 40 : i32
    %barrier3A_6 = arith.constant 0 : index
    tpu.barrier barrier_id(%barrier3A_6)
    %mul3A_7 = arith.constant 640 : i32
    %mul3A_8 = arith.muli %arg1, %mul3A_7 : i32
    %mul3A_9 = arith.constant 640 : i32
    %mul3A_10 = arith.muli %arg1, %mul3A_9 : i32
    "tpu.region"() ({
      %run_scoped3A = tpu.sem_alloc : memref<!tpu.dma_semaphore, #tpu.memory_space<semaphore_mem>>
      %dma_start3A = arith.constant 0 : i32
      %dma_start3A_11 = tpu.memref_slice %arg5[%arg0, %mul3A_10, %dma_start3A] : memref<2x10240x128xf32, #tpu.memory_space<hbm>> -> memref<1x640x128xf32, #tpu.memory_space<hbm>>
      %dma_start3A_12 = tpu.memref_squeeze %dma_start3A_11 : memref<1x640x128xf32, #tpu.memory_space<hbm>> -> memref<640x128xf32, #tpu.memory_space<hbm>>
      %dma_start3A_13 = arith.constant 0 : i32
      %dma_start3A_14 = tpu.memref_slice %arg10[%mul3A_8, %dma_start3A_13] : memref<10240x128xf32, #tpu.memory_space<vmem_shared>> -> memref<640x128xf32, #tpu.memory_space<vmem_shared>>
      tpu.enqueue_dma source(%dma_start3A_14 : memref<640x128xf32, #tpu.memory_space<vmem_shared>>) target(%dma_start3A_12 : memref<640x128xf32, #tpu.memory_space<hbm>>) target_semaphore(%run_scoped3A : memref<!tpu.dma_semaphore, #tpu.memory_space<semaphore_mem>>)
      %dma_wait3A = arith.constant 0 : i32
      %dma_wait3A_15 = tpu.memref_slice %arg5[%arg0, %mul3A_10, %dma_wait3A] : memref<2x10240x128xf32, #tpu.memory_space<hbm>> -> memref<1x640x128xf32, #tpu.memory_space<hbm>>
      %dma_wait3A_16 = tpu.memref_squeeze %dma_wait3A_15 : memref<1x640x128xf32, #tpu.memory_space<hbm>> -> memref<640x128xf32, #tpu.memory_space<hbm>>
      %dma_wait3A_17 = arith.constant 0 : i32
      %dma_wait3A_18 = tpu.memref_slice %arg10[%mul3A_8, %dma_wait3A_17] : memref<10240x128xf32, #tpu.memory_space<vmem_shared>> -> memref<640x128xf32, #tpu.memory_space<vmem_shared>>
      tpu.wait_dma2 semaphore(%run_scoped3A : memref<!tpu.dma_semaphore, #tpu.memory_space<semaphore_mem>>) src(%dma_wait3A_18 : memref<640x128xf32, #tpu.memory_space<vmem_shared>>) dst(%dma_wait3A_16 : memref<640x128xf32, #tpu.memory_space<hbm>>)
      tpu.yield
    }) : () -> ()
    return
  }
}

#map = affine_map<(d0, d1) -> (0, 0)>
#map1 = affine_map<(d0, d1) -> (0, 0, 0)>
module attributes {stable_mosaic.version = 14 : i64} {
  func.func @_scatter_body(%arg0: i32, %arg1: i32, %arg2: memref<20480x128xf32, #tpu.memory_space<hbm>>, %arg3: memref<1280x2x128xi32, #tpu.memory_space<hbm>>, %arg4: memref<640x128xf32, #tpu.memory_space<hbm>>, %arg5: memref<2x10240x128xf32, #tpu.memory_space<hbm>>, %arg6: memref<2x128xi32, #tpu.memory_space<vmem>>, %arg7: memref<2x128xi32, #tpu.memory_space<vmem>>, %arg8: memref<128x128xf32, #tpu.memory_space<vmem>>, %arg9: memref<128x128xf32, #tpu.memory_space<vmem>>, %arg10: memref<10240x128xf32, #tpu.memory_space<vmem_shared>>, %arg11: memref<!tpu.dma_semaphore, #tpu.memory_space<semaphore_mem>>, %arg12: memref<!tpu.dma_semaphore, #tpu.memory_space<semaphore_mem>>, %arg13: memref<!tpu.dma_semaphore, #tpu.memory_space<semaphore_mem>>, %arg14: memref<!tpu.dma_semaphore, #tpu.memory_space<semaphore_mem>>) attributes {dimension_semantics = [#tpu.dimension_semantics<core_parallel>, #tpu.dimension_semantics<subcore_parallel>], iteration_bounds = array<i64: 2, 16>, scalar_prefetch = 0 : i64, scratch_operands = 9 : i64, tpu.core_type = #tpu.core_type<sc_vector_subcore>, window_params = [{transform_indices = #map}, {transform_indices = #map1}, {transform_indices = #map}, {transform_indices = #map1}]} {
    %mul3A = arith.constant 640 : i32
    %mul3A_0 = arith.muli %arg1, %mul3A : i32
    "tpu.region"() ({
      %run_scoped3A = tpu.sem_alloc : memref<!tpu.dma_semaphore, #tpu.memory_space<semaphore_mem>>
      %dma_start3A = arith.constant 0 : i32
      %dma_start3A_11 = tpu.memref_slice %arg10[%mul3A_0, %dma_start3A] : memref<10240x128xf32, #tpu.memory_space<vmem_shared>> -> memref<640x128xf32, #tpu.memory_space<vmem_shared>>
      tpu.enqueue_dma source(%arg4 : memref<640x128xf32, #tpu.memory_space<hbm>>) target(%dma_start3A_11 : memref<640x128xf32, #tpu.memory_space<vmem_shared>>) target_semaphore(%run_scoped3A : memref<!tpu.dma_semaphore, #tpu.memory_space<semaphore_mem>>)
      %dma_wait3A = arith.constant 0 : i32
      %dma_wait3A_12 = tpu.memref_slice %arg10[%mul3A_0, %dma_wait3A] : memref<10240x128xf32, #tpu.memory_space<vmem_shared>> -> memref<640x128xf32, #tpu.memory_space<vmem_shared>>
      tpu.wait_dma2 semaphore(%run_scoped3A : memref<!tpu.dma_semaphore, #tpu.memory_space<semaphore_mem>>) src(%arg4 : memref<640x128xf32, #tpu.memory_space<hbm>>) dst(%dma_wait3A_12 : memref<640x128xf32, #tpu.memory_space<vmem_shared>>)
      tpu.yield
    }) : () -> ()
    %barrier3A = arith.constant 0 : index
    tpu.barrier barrier_id(%barrier3A)
    %scan3A = arith.constant 0 : i32
    %scan3A_1 = arith.constant 0 : i32
    %scan3A_2 = arith.constant 40 : i32
    %scan3A_3 = arith.addi %scan3A_1, %scan3A_2 : i32
    %scan3A_4 = arith.constant 1 : i32
    scf.for %scan3A_11 = %scan3A_1 to %scan3A_3 step %scan3A_4  : i32 {
      %mul3A_12 = arith.constant 2 : i32
      %mul3A_13 = arith.muli %mul3A_12, %scan3A_11 : i32
      %mul3A_14 = arith.constant 16 : i32
      %mul3A_15 = arith.muli %mul3A_14, %mul3A_13 : i32
      %add3A = arith.addi %arg1, %mul3A_15 : i32
      "tpu.region"() ({
        %run_scoped3A_57 = tpu.sem_alloc : memref<!tpu.dma_semaphore, #tpu.memory_space<semaphore_mem>>
        %dma_start3A_58 = arith.constant 0 : i32
        %dma_start3A_59 = arith.constant 0 : i32
        %dma_start3A_60 = tpu.memref_slice %arg3[%add3A, %dma_start3A_58, %dma_start3A_59] : memref<1280x2x128xi32, #tpu.memory_space<hbm>> -> memref<1x2x128xi32, #tpu.memory_space<hbm>>
        %dma_start3A_61 = tpu.memref_squeeze %dma_start3A_60 : memref<1x2x128xi32, #tpu.memory_space<hbm>> -> memref<2x128xi32, #tpu.memory_space<hbm>>
        %dma_start3A_62 = arith.constant 0 : i32
        %dma_start3A_63 = arith.constant 0 : i32
        %dma_start3A_64 = tpu.memref_slice %arg3[%add3A, %dma_start3A_62, %dma_start3A_63] : memref<1280x2x128xi32, #tpu.memory_space<hbm>> -> memref<1x2x128xi32, #tpu.memory_space<hbm>>
        %dma_start3A_65 = tpu.memref_squeeze %dma_start3A_64 : memref<1x2x128xi32, #tpu.memory_space<hbm>> -> memref<2x128xi32, #tpu.memory_space<hbm>>
        tpu.enqueue_dma source(%dma_start3A_65 : memref<2x128xi32, #tpu.memory_space<hbm>>) target(%arg6 : memref<2x128xi32, #tpu.memory_space<vmem>>) target_semaphore(%run_scoped3A_57 : memref<!tpu.dma_semaphore, #tpu.memory_space<semaphore_mem>>)
        %dma_wait3A_66 = arith.constant 0 : i32
        %dma_wait3A_67 = arith.constant 0 : i32
        %dma_wait3A_68 = tpu.memref_slice %arg3[%add3A, %dma_wait3A_66, %dma_wait3A_67] : memref<1280x2x128xi32, #tpu.memory_space<hbm>> -> memref<1x2x128xi32, #tpu.memory_space<hbm>>
        %dma_wait3A_69 = tpu.memref_squeeze %dma_wait3A_68 : memref<1x2x128xi32, #tpu.memory_space<hbm>> -> memref<2x128xi32, #tpu.memory_space<hbm>>
        %dma_wait3A_70 = arith.constant 0 : i32
        %dma_wait3A_71 = arith.constant 0 : i32
        %dma_wait3A_72 = tpu.memref_slice %arg3[%add3A, %dma_wait3A_70, %dma_wait3A_71] : memref<1280x2x128xi32, #tpu.memory_space<hbm>> -> memref<1x2x128xi32, #tpu.memory_space<hbm>>
        %dma_wait3A_73 = tpu.memref_squeeze %dma_wait3A_72 : memref<1x2x128xi32, #tpu.memory_space<hbm>> -> memref<2x128xi32, #tpu.memory_space<hbm>>
        tpu.wait_dma2 semaphore(%run_scoped3A_57 : memref<!tpu.dma_semaphore, #tpu.memory_space<semaphore_mem>>) src(%dma_wait3A_73 : memref<2x128xi32, #tpu.memory_space<hbm>>) dst(%arg6 : memref<2x128xi32, #tpu.memory_space<vmem>>)
        tpu.yield
      }) : () -> ()
      %eq3A = arith.constant 1 : i32
      %eq3A_16 = arith.cmpi eq, %arg0, %eq3A : i32
      %convert_element_type3A = arith.extui %eq3A_16 : i1 to i32
      %cond3A = arith.constant 0 : i32
      %cond3A_17 = arith.cmpi ne, %convert_element_type3A, %cond3A : i32
      scf.if %cond3A_17 {
        %get3A = arith.constant 0 : i32
        %get3A_57 = arith.index_cast %get3A : i32 to index
        %get3A_58 = arith.constant 0 : index
        %get3A_59 = tpu.vector_load %arg6[%get3A_57, %get3A_58] {strides = array<i32>} : memref<2x128xi32, #tpu.memory_space<vmem>>, vector<1x16xi32>,
        %get3A_60 = vector.shape_cast %get3A_59 : vector<1x16xi32> to vector<16xi32>
        %add3A_61 = arith.constant 10240 : i32
        %add3A_62 = vector.broadcast %add3A_61 : i32 to vector<16xi32>
        %add3A_63 = arith.addi %get3A_60, %add3A_62 : vector<16xi32>
        %swap3A = arith.constant 0 : i32
        %swap3A_64 = arith.index_cast %swap3A : i32 to index
        %swap3A_65 = arith.constant 0 : index
        %swap3A_66 = tpu.vector_load %arg6[%swap3A_64, %swap3A_65] {strides = array<i32>} : memref<2x128xi32, #tpu.memory_space<vmem>>, vector<1x16xi32>,
        %swap3A_67 = vector.shape_cast %swap3A_66 : vector<1x16xi32> to vector<16xi32>
        %swap3A_68 = vector.shape_cast %add3A_63 : vector<16xi32> to vector<1x16xi32>
        tpu.vector_store %arg6[%swap3A_64, %swap3A_65], %swap3A_68 {strides = array<i32>} : memref<2x128xi32, #tpu.memory_space<vmem>>, vector<1x16xi32>,
        %get3A_69 = arith.constant 0 : i32
        %get3A_70 = arith.index_cast %get3A_69 : i32 to index
        %get3A_71 = arith.constant 16 : index
        %get3A_72 = tpu.vector_load %arg6[%get3A_70, %get3A_71] {strides = array<i32>} : memref<2x128xi32, #tpu.memory_space<vmem>>, vector<1x16xi32>,
        %get3A_73 = vector.shape_cast %get3A_72 : vector<1x16xi32> to vector<16xi32>
        %add3A_74 = arith.constant 10240 : i32
        %add3A_75 = vector.broadcast %add3A_74 : i32 to vector<16xi32>
        %add3A_76 = arith.addi %get3A_73, %add3A_75 : vector<16xi32>
        %swap3A_77 = arith.constant 0 : i32
        %swap3A_78 = arith.index_cast %swap3A_77 : i32 to index
        %swap3A_79 = arith.constant 16 : index
        %swap3A_80 = tpu.vector_load %arg6[%swap3A_78, %swap3A_79] {strides = array<i32>} : memref<2x128xi32, #tpu.memory_space<vmem>>, vector<1x16xi32>,
        %swap3A_81 = vector.shape_cast %swap3A_80 : vector<1x16xi32> to vector<16xi32>
        %swap3A_82 = vector.shape_cast %add3A_76 : vector<16xi32> to vector<1x16xi32>
        tpu.vector_store %arg6[%swap3A_78, %swap3A_79], %swap3A_82 {strides = array<i32>} : memref<2x128xi32, #tpu.memory_space<vmem>>, vector<1x16xi32>,
        %get3A_83 = arith.constant 0 : i32
        %get3A_84 = arith.index_cast %get3A_83 : i32 to index
        %get3A_85 = arith.constant 32 : index
        %get3A_86 = tpu.vector_load %arg6[%get3A_84, %get3A_85] {strides = array<i32>} : memref<2x128xi32, #tpu.memory_space<vmem>>, vector<1x16xi32>,
        %get3A_87 = vector.shape_cast %get3A_86 : vector<1x16xi32> to vector<16xi32>
        %add3A_88 = arith.constant 10240 : i32
        %add3A_89 = vector.broadcast %add3A_88 : i32 to vector<16xi32>
        %add3A_90 = arith.addi %get3A_87, %add3A_89 : vector<16xi32>
        %swap3A_91 = arith.constant 0 : i32
        %swap3A_92 = arith.index_cast %swap3A_91 : i32 to index
        %swap3A_93 = arith.constant 32 : index
        %swap3A_94 = tpu.vector_load %arg6[%swap3A_92, %swap3A_93] {strides = array<i32>} : memref<2x128xi32, #tpu.memory_space<vmem>>, vector<1x16xi32>,
        %swap3A_95 = vector.shape_cast %swap3A_94 : vector<1x16xi32> to vector<16xi32>
        %swap3A_96 = vector.shape_cast %add3A_90 : vector<16xi32> to vector<1x16xi32>
        tpu.vector_store %arg6[%swap3A_92, %swap3A_93], %swap3A_96 {strides = array<i32>} : memref<2x128xi32, #tpu.memory_space<vmem>>, vector<1x16xi32>,
        %get3A_97 = arith.constant 0 : i32
        %get3A_98 = arith.index_cast %get3A_97 : i32 to index
        %get3A_99 = arith.constant 48 : index
        %get3A_100 = tpu.vector_load %arg6[%get3A_98, %get3A_99] {strides = array<i32>} : memref<2x128xi32, #tpu.memory_space<vmem>>, vector<1x16xi32>,
        %get3A_101 = vector.shape_cast %get3A_100 : vector<1x16xi32> to vector<16xi32>
        %add3A_102 = arith.constant 10240 : i32
        %add3A_103 = vector.broadcast %add3A_102 : i32 to vector<16xi32>
        %add3A_104 = arith.addi %get3A_101, %add3A_103 : vector<16xi32>
        %swap3A_105 = arith.constant 0 : i32
        %swap3A_106 = arith.index_cast %swap3A_105 : i32 to index
        %swap3A_107 = arith.constant 48 : index
        %swap3A_108 = tpu.vector_load %arg6[%swap3A_106, %swap3A_107] {strides = array<i32>} : memref<2x128xi32, #tpu.memory_space<vmem>>, vector<1x16xi32>,
        %swap3A_109 = vector.shape_cast %swap3A_108 : vector<1x16xi32> to vector<16xi32>
        %swap3A_110 = vector.shape_cast %add3A_104 : vector<16xi32> to vector<1x16xi32>
        tpu.vector_store %arg6[%swap3A_106, %swap3A_107], %swap3A_110 {strides = array<i32>} : memref<2x128xi32, #tpu.memory_space<vmem>>, vector<1x16xi32>,
        %get3A_111 = arith.constant 0 : i32
        %get3A_112 = arith.index_cast %get3A_111 : i32 to index
        %get3A_113 = arith.constant 64 : index
        %get3A_114 = tpu.vector_load %arg6[%get3A_112, %get3A_113] {strides = array<i32>} : memref<2x128xi32, #tpu.memory_space<vmem>>, vector<1x16xi32>,
        %get3A_115 = vector.shape_cast %get3A_114 : vector<1x16xi32> to vector<16xi32>
        %add3A_116 = arith.constant 10240 : i32
        %add3A_117 = vector.broadcast %add3A_116 : i32 to vector<16xi32>
        %add3A_118 = arith.addi %get3A_115, %add3A_117 : vector<16xi32>
        %swap3A_119 = arith.constant 0 : i32
        %swap3A_120 = arith.index_cast %swap3A_119 : i32 to index
        %swap3A_121 = arith.constant 64 : index
        %swap3A_122 = tpu.vector_load %arg6[%swap3A_120, %swap3A_121] {strides = array<i32>} : memref<2x128xi32, #tpu.memory_space<vmem>>, vector<1x16xi32>,
        %swap3A_123 = vector.shape_cast %swap3A_122 : vector<1x16xi32> to vector<16xi32>
        %swap3A_124 = vector.shape_cast %add3A_118 : vector<16xi32> to vector<1x16xi32>
        tpu.vector_store %arg6[%swap3A_120, %swap3A_121], %swap3A_124 {strides = array<i32>} : memref<2x128xi32, #tpu.memory_space<vmem>>, vector<1x16xi32>,
        %get3A_125 = arith.constant 0 : i32
        %get3A_126 = arith.index_cast %get3A_125 : i32 to index
        %get3A_127 = arith.constant 80 : index
        %get3A_128 = tpu.vector_load %arg6[%get3A_126, %get3A_127] {strides = array<i32>} : memref<2x128xi32, #tpu.memory_space<vmem>>, vector<1x16xi32>,
        %get3A_129 = vector.shape_cast %get3A_128 : vector<1x16xi32> to vector<16xi32>
        %add3A_130 = arith.constant 10240 : i32
        %add3A_131 = vector.broadcast %add3A_130 : i32 to vector<16xi32>
        %add3A_132 = arith.addi %get3A_129, %add3A_131 : vector<16xi32>
        %swap3A_133 = arith.constant 0 : i32
        %swap3A_134 = arith.index_cast %swap3A_133 : i32 to index
        %swap3A_135 = arith.constant 80 : index
        %swap3A_136 = tpu.vector_load %arg6[%swap3A_134, %swap3A_135] {strides = array<i32>} : memref<2x128xi32, #tpu.memory_space<vmem>>, vector<1x16xi32>,
        %swap3A_137 = vector.shape_cast %swap3A_136 : vector<1x16xi32> to vector<16xi32>
        %swap3A_138 = vector.shape_cast %add3A_132 : vector<16xi32> to vector<1x16xi32>
        tpu.vector_store %arg6[%swap3A_134, %swap3A_135], %swap3A_138 {strides = array<i32>} : memref<2x128xi32, #tpu.memory_space<vmem>>, vector<1x16xi32>,
        %get3A_139 = arith.constant 0 : i32
        %get3A_140 = arith.index_cast %get3A_139 : i32 to index
        %get3A_141 = arith.constant 96 : index
        %get3A_142 = tpu.vector_load %arg6[%get3A_140, %get3A_141] {strides = array<i32>} : memref<2x128xi32, #tpu.memory_space<vmem>>, vector<1x16xi32>,
        %get3A_143 = vector.shape_cast %get3A_142 : vector<1x16xi32> to vector<16xi32>
        %add3A_144 = arith.constant 10240 : i32
        %add3A_145 = vector.broadcast %add3A_144 : i32 to vector<16xi32>
        %add3A_146 = arith.addi %get3A_143, %add3A_145 : vector<16xi32>
        %swap3A_147 = arith.constant 0 : i32
        %swap3A_148 = arith.index_cast %swap3A_147 : i32 to index
        %swap3A_149 = arith.constant 96 : index
        %swap3A_150 = tpu.vector_load %arg6[%swap3A_148, %swap3A_149] {strides = array<i32>} : memref<2x128xi32, #tpu.memory_space<vmem>>, vector<1x16xi32>,
        %swap3A_151 = vector.shape_cast %swap3A_150 : vector<1x16xi32> to vector<16xi32>
        %swap3A_152 = vector.shape_cast %add3A_146 : vector<16xi32> to vector<1x16xi32>
        tpu.vector_store %arg6[%swap3A_148, %swap3A_149], %swap3A_152 {strides = array<i32>} : memref<2x128xi32, #tpu.memory_space<vmem>>, vector<1x16xi32>,
        %get3A_153 = arith.constant 0 : i32
        %get3A_154 = arith.index_cast %get3A_153 : i32 to index
        %get3A_155 = arith.constant 112 : index
        %get3A_156 = tpu.vector_load %arg6[%get3A_154, %get3A_155] {strides = array<i32>} : memref<2x128xi32, #tpu.memory_space<vmem>>, vector<1x16xi32>,
        %get3A_157 = vector.shape_cast %get3A_156 : vector<1x16xi32> to vector<16xi32>
        %add3A_158 = arith.constant 10240 : i32
        %add3A_159 = vector.broadcast %add3A_158 : i32 to vector<16xi32>
        %add3A_160 = arith.addi %get3A_157, %add3A_159 : vector<16xi32>
        %swap3A_161 = arith.constant 0 : i32
        %swap3A_162 = arith.index_cast %swap3A_161 : i32 to index
        %swap3A_163 = arith.constant 112 : index
        %swap3A_164 = tpu.vector_load %arg6[%swap3A_162, %swap3A_163] {strides = array<i32>} : memref<2x128xi32, #tpu.memory_space<vmem>>, vector<1x16xi32>,
        %swap3A_165 = vector.shape_cast %swap3A_164 : vector<1x16xi32> to vector<16xi32>
        %swap3A_166 = vector.shape_cast %add3A_160 : vector<16xi32> to vector<1x16xi32>
        tpu.vector_store %arg6[%swap3A_162, %swap3A_163], %swap3A_166 {strides = array<i32>} : memref<2x128xi32, #tpu.memory_space<vmem>>, vector<1x16xi32>,
      } else {
      }
      %dma_start3A = arith.constant 0 : i32
      %dma_start3A_18 = arith.constant 0 : i32
      %dma_start3A_19 = tpu.memref_slice %arg6[%dma_start3A, %dma_start3A_18] : memref<2x128xi32, #tpu.memory_space<vmem>> -> memref<1x128xi32, #tpu.memory_space<vmem>>
      %dma_start3A_20 = tpu.memref_squeeze %dma_start3A_19 : memref<1x128xi32, #tpu.memory_space<vmem>> -> memref<128xi32, #tpu.memory_space<vmem>>
      %dma_start3A_21 = arith.constant 0 : i32
      %dma_start3A_22 = arith.constant 0 : i32
      %dma_start3A_23 = tpu.memref_slice %arg2[%dma_start3A_21, %dma_start3A_22] : memref<20480x128xf32, #tpu.memory_space<hbm>> -> memref<20480x128xf32, #tpu.memory_space<hbm>>
      tpu.enqueue_indirect_dma source(%dma_start3A_23 : memref<20480x128xf32, #tpu.memory_space<hbm>>) target(%arg8 : memref<128x128xf32, #tpu.memory_space<vmem>>) offsets(%dma_start3A_20 : memref<128xi32, #tpu.memory_space<vmem>>) semaphore(%arg11 : memref<!tpu.dma_semaphore, #tpu.memory_space<semaphore_mem>>)
      %mul3A_24 = arith.constant 2 : i32
      %mul3A_25 = arith.muli %mul3A_24, %scan3A_11 : i32
      %add3A_26 = arith.constant 1 : i32
      %add3A_27 = arith.addi %mul3A_25, %add3A_26 : i32
      %mul3A_28 = arith.constant 16 : i32
      %mul3A_29 = arith.muli %mul3A_28, %add3A_27 : i32
      %add3A_30 = arith.addi %arg1, %mul3A_29 : i32
      "tpu.region"() ({
        %run_scoped3A_57 = tpu.sem_alloc : memref<!tpu.dma_semaphore, #tpu.memory_space<semaphore_mem>>
        %dma_start3A_58 = arith.constant 0 : i32
        %dma_start3A_59 = arith.constant 0 : i32
        %dma_start3A_60 = tpu.memref_slice %arg3[%add3A_30, %dma_start3A_58, %dma_start3A_59] : memref<1280x2x128xi32, #tpu.memory_space<hbm>> -> memref<1x2x128xi32, #tpu.memory_space<hbm>>
        %dma_start3A_61 = tpu.memref_squeeze %dma_start3A_60 : memref<1x2x128xi32, #tpu.memory_space<hbm>> -> memref<2x128xi32, #tpu.memory_space<hbm>>
        %dma_start3A_62 = arith.constant 0 : i32
        %dma_start3A_63 = arith.constant 0 : i32
        %dma_start3A_64 = tpu.memref_slice %arg3[%add3A_30, %dma_start3A_62, %dma_start3A_63] : memref<1280x2x128xi32, #tpu.memory_space<hbm>> -> memref<1x2x128xi32, #tpu.memory_space<hbm>>
        %dma_start3A_65 = tpu.memref_squeeze %dma_start3A_64 : memref<1x2x128xi32, #tpu.memory_space<hbm>> -> memref<2x128xi32, #tpu.memory_space<hbm>>
        tpu.enqueue_dma source(%dma_start3A_65 : memref<2x128xi32, #tpu.memory_space<hbm>>) target(%arg7 : memref<2x128xi32, #tpu.memory_space<vmem>>) target_semaphore(%run_scoped3A_57 : memref<!tpu.dma_semaphore, #tpu.memory_space<semaphore_mem>>)
        %dma_wait3A_66 = arith.constant 0 : i32
        %dma_wait3A_67 = arith.constant 0 : i32
        %dma_wait3A_68 = tpu.memref_slice %arg3[%add3A_30, %dma_wait3A_66, %dma_wait3A_67] : memref<1280x2x128xi32, #tpu.memory_space<hbm>> -> memref<1x2x128xi32, #tpu.memory_space<hbm>>
        %dma_wait3A_69 = tpu.memref_squeeze %dma_wait3A_68 : memref<1x2x128xi32, #tpu.memory_space<hbm>> -> memref<2x128xi32, #tpu.memory_space<hbm>>
        %dma_wait3A_70 = arith.constant 0 : i32
        %dma_wait3A_71 = arith.constant 0 : i32
        %dma_wait3A_72 = tpu.memref_slice %arg3[%add3A_30, %dma_wait3A_70, %dma_wait3A_71] : memref<1280x2x128xi32, #tpu.memory_space<hbm>> -> memref<1x2x128xi32, #tpu.memory_space<hbm>>
        %dma_wait3A_73 = tpu.memref_squeeze %dma_wait3A_72 : memref<1x2x128xi32, #tpu.memory_space<hbm>> -> memref<2x128xi32, #tpu.memory_space<hbm>>
        tpu.wait_dma2 semaphore(%run_scoped3A_57 : memref<!tpu.dma_semaphore, #tpu.memory_space<semaphore_mem>>) src(%dma_wait3A_73 : memref<2x128xi32, #tpu.memory_space<hbm>>) dst(%arg7 : memref<2x128xi32, #tpu.memory_space<vmem>>)
        tpu.yield
      }) : () -> ()
      %eq3A_31 = arith.constant 1 : i32
      %eq3A_32 = arith.cmpi eq, %arg0, %eq3A_31 : i32
      %convert_element_type3A_33 = arith.extui %eq3A_32 : i1 to i32
      %cond3A_34 = arith.constant 0 : i32
      %cond3A_35 = arith.cmpi ne, %convert_element_type3A_33, %cond3A_34 : i32
      scf.if %cond3A_35 {
        %get3A = arith.constant 0 : i32
        %get3A_57 = arith.index_cast %get3A : i32 to index
        %get3A_58 = arith.constant 0 : index
        %get3A_59 = tpu.vector_load %arg7[%get3A_57, %get3A_58] {strides = array<i32>} : memref<2x128xi32, #tpu.memory_space<vmem>>, vector<1x16xi32>,
        %get3A_60 = vector.shape_cast %get3A_59 : vector<1x16xi32> to vector<16xi32>
        %add3A_61 = arith.constant 10240 : i32
        %add3A_62 = vector.broadcast %add3A_61 : i32 to vector<16xi32>
        %add3A_63 = arith.addi %get3A_60, %add3A_62 : vector<16xi32>
        %swap3A = arith.constant 0 : i32
        %swap3A_64 = arith.index_cast %swap3A : i32 to index
        %swap3A_65 = arith.constant 0 : index
        %swap3A_66 = tpu.vector_load %arg7[%swap3A_64, %swap3A_65] {strides = array<i32>} : memref<2x128xi32, #tpu.memory_space<vmem>>, vector<1x16xi32>,
        %swap3A_67 = vector.shape_cast %swap3A_66 : vector<1x16xi32> to vector<16xi32>
        %swap3A_68 = vector.shape_cast %add3A_63 : vector<16xi32> to vector<1x16xi32>
        tpu.vector_store %arg7[%swap3A_64, %swap3A_65], %swap3A_68 {strides = array<i32>} : memref<2x128xi32, #tpu.memory_space<vmem>>, vector<1x16xi32>,
        %get3A_69 = arith.constant 0 : i32
        %get3A_70 = arith.index_cast %get3A_69 : i32 to index
        %get3A_71 = arith.constant 16 : index
        %get3A_72 = tpu.vector_load %arg7[%get3A_70, %get3A_71] {strides = array<i32>} : memref<2x128xi32, #tpu.memory_space<vmem>>, vector<1x16xi32>,
        %get3A_73 = vector.shape_cast %get3A_72 : vector<1x16xi32> to vector<16xi32>
        %add3A_74 = arith.constant 10240 : i32
        %add3A_75 = vector.broadcast %add3A_74 : i32 to vector<16xi32>
        %add3A_76 = arith.addi %get3A_73, %add3A_75 : vector<16xi32>
        %swap3A_77 = arith.constant 0 : i32
        %swap3A_78 = arith.index_cast %swap3A_77 : i32 to index
        %swap3A_79 = arith.constant 16 : index
        %swap3A_80 = tpu.vector_load %arg7[%swap3A_78, %swap3A_79] {strides = array<i32>} : memref<2x128xi32, #tpu.memory_space<vmem>>, vector<1x16xi32>,
        %swap3A_81 = vector.shape_cast %swap3A_80 : vector<1x16xi32> to vector<16xi32>
        %swap3A_82 = vector.shape_cast %add3A_76 : vector<16xi32> to vector<1x16xi32>
        tpu.vector_store %arg7[%swap3A_78, %swap3A_79], %swap3A_82 {strides = array<i32>} : memref<2x128xi32, #tpu.memory_space<vmem>>, vector<1x16xi32>,
        %get3A_83 = arith.constant 0 : i32
        %get3A_84 = arith.index_cast %get3A_83 : i32 to index
        %get3A_85 = arith.constant 32 : index
        %get3A_86 = tpu.vector_load %arg7[%get3A_84, %get3A_85] {strides = array<i32>} : memref<2x128xi32, #tpu.memory_space<vmem>>, vector<1x16xi32>,
        %get3A_87 = vector.shape_cast %get3A_86 : vector<1x16xi32> to vector<16xi32>
        %add3A_88 = arith.constant 10240 : i32
        %add3A_89 = vector.broadcast %add3A_88 : i32 to vector<16xi32>
        %add3A_90 = arith.addi %get3A_87, %add3A_89 : vector<16xi32>
        %swap3A_91 = arith.constant 0 : i32
        %swap3A_92 = arith.index_cast %swap3A_91 : i32 to index
        %swap3A_93 = arith.constant 32 : index
        %swap3A_94 = tpu.vector_load %arg7[%swap3A_92, %swap3A_93] {strides = array<i32>} : memref<2x128xi32, #tpu.memory_space<vmem>>, vector<1x16xi32>,
        %swap3A_95 = vector.shape_cast %swap3A_94 : vector<1x16xi32> to vector<16xi32>
        %swap3A_96 = vector.shape_cast %add3A_90 : vector<16xi32> to vector<1x16xi32>
        tpu.vector_store %arg7[%swap3A_92, %swap3A_93], %swap3A_96 {strides = array<i32>} : memref<2x128xi32, #tpu.memory_space<vmem>>, vector<1x16xi32>,
        %get3A_97 = arith.constant 0 : i32
        %get3A_98 = arith.index_cast %get3A_97 : i32 to index
        %get3A_99 = arith.constant 48 : index
        %get3A_100 = tpu.vector_load %arg7[%get3A_98, %get3A_99] {strides = array<i32>} : memref<2x128xi32, #tpu.memory_space<vmem>>, vector<1x16xi32>,
        %get3A_101 = vector.shape_cast %get3A_100 : vector<1x16xi32> to vector<16xi32>
        %add3A_102 = arith.constant 10240 : i32
        %add3A_103 = vector.broadcast %add3A_102 : i32 to vector<16xi32>
        %add3A_104 = arith.addi %get3A_101, %add3A_103 : vector<16xi32>
        %swap3A_105 = arith.constant 0 : i32
        %swap3A_106 = arith.index_cast %swap3A_105 : i32 to index
        %swap3A_107 = arith.constant 48 : index
        %swap3A_108 = tpu.vector_load %arg7[%swap3A_106, %swap3A_107] {strides = array<i32>} : memref<2x128xi32, #tpu.memory_space<vmem>>, vector<1x16xi32>,
        %swap3A_109 = vector.shape_cast %swap3A_108 : vector<1x16xi32> to vector<16xi32>
        %swap3A_110 = vector.shape_cast %add3A_104 : vector<16xi32> to vector<1x16xi32>
        tpu.vector_store %arg7[%swap3A_106, %swap3A_107], %swap3A_110 {strides = array<i32>} : memref<2x128xi32, #tpu.memory_space<vmem>>, vector<1x16xi32>,
        %get3A_111 = arith.constant 0 : i32
        %get3A_112 = arith.index_cast %get3A_111 : i32 to index
        %get3A_113 = arith.constant 64 : index
        %get3A_114 = tpu.vector_load %arg7[%get3A_112, %get3A_113] {strides = array<i32>} : memref<2x128xi32, #tpu.memory_space<vmem>>, vector<1x16xi32>,
        %get3A_115 = vector.shape_cast %get3A_114 : vector<1x16xi32> to vector<16xi32>
        %add3A_116 = arith.constant 10240 : i32
        %add3A_117 = vector.broadcast %add3A_116 : i32 to vector<16xi32>
        %add3A_118 = arith.addi %get3A_115, %add3A_117 : vector<16xi32>
        %swap3A_119 = arith.constant 0 : i32
        %swap3A_120 = arith.index_cast %swap3A_119 : i32 to index
        %swap3A_121 = arith.constant 64 : index
        %swap3A_122 = tpu.vector_load %arg7[%swap3A_120, %swap3A_121] {strides = array<i32>} : memref<2x128xi32, #tpu.memory_space<vmem>>, vector<1x16xi32>,
        %swap3A_123 = vector.shape_cast %swap3A_122 : vector<1x16xi32> to vector<16xi32>
        %swap3A_124 = vector.shape_cast %add3A_118 : vector<16xi32> to vector<1x16xi32>
        tpu.vector_store %arg7[%swap3A_120, %swap3A_121], %swap3A_124 {strides = array<i32>} : memref<2x128xi32, #tpu.memory_space<vmem>>, vector<1x16xi32>,
        %get3A_125 = arith.constant 0 : i32
        %get3A_126 = arith.index_cast %get3A_125 : i32 to index
        %get3A_127 = arith.constant 80 : index
        %get3A_128 = tpu.vector_load %arg7[%get3A_126, %get3A_127] {strides = array<i32>} : memref<2x128xi32, #tpu.memory_space<vmem>>, vector<1x16xi32>,
        %get3A_129 = vector.shape_cast %get3A_128 : vector<1x16xi32> to vector<16xi32>
        %add3A_130 = arith.constant 10240 : i32
        %add3A_131 = vector.broadcast %add3A_130 : i32 to vector<16xi32>
        %add3A_132 = arith.addi %get3A_129, %add3A_131 : vector<16xi32>
        %swap3A_133 = arith.constant 0 : i32
        %swap3A_134 = arith.index_cast %swap3A_133 : i32 to index
        %swap3A_135 = arith.constant 80 : index
        %swap3A_136 = tpu.vector_load %arg7[%swap3A_134, %swap3A_135] {strides = array<i32>} : memref<2x128xi32, #tpu.memory_space<vmem>>, vector<1x16xi32>,
        %swap3A_137 = vector.shape_cast %swap3A_136 : vector<1x16xi32> to vector<16xi32>
        %swap3A_138 = vector.shape_cast %add3A_132 : vector<16xi32> to vector<1x16xi32>
        tpu.vector_store %arg7[%swap3A_134, %swap3A_135], %swap3A_138 {strides = array<i32>} : memref<2x128xi32, #tpu.memory_space<vmem>>, vector<1x16xi32>,
        %get3A_139 = arith.constant 0 : i32
        %get3A_140 = arith.index_cast %get3A_139 : i32 to index
        %get3A_141 = arith.constant 96 : index
        %get3A_142 = tpu.vector_load %arg7[%get3A_140, %get3A_141] {strides = array<i32>} : memref<2x128xi32, #tpu.memory_space<vmem>>, vector<1x16xi32>,
        %get3A_143 = vector.shape_cast %get3A_142 : vector<1x16xi32> to vector<16xi32>
        %add3A_144 = arith.constant 10240 : i32
        %add3A_145 = vector.broadcast %add3A_144 : i32 to vector<16xi32>
        %add3A_146 = arith.addi %get3A_143, %add3A_145 : vector<16xi32>
        %swap3A_147 = arith.constant 0 : i32
        %swap3A_148 = arith.index_cast %swap3A_147 : i32 to index
        %swap3A_149 = arith.constant 96 : index
        %swap3A_150 = tpu.vector_load %arg7[%swap3A_148, %swap3A_149] {strides = array<i32>} : memref<2x128xi32, #tpu.memory_space<vmem>>, vector<1x16xi32>,
        %swap3A_151 = vector.shape_cast %swap3A_150 : vector<1x16xi32> to vector<16xi32>
        %swap3A_152 = vector.shape_cast %add3A_146 : vector<16xi32> to vector<1x16xi32>
        tpu.vector_store %arg7[%swap3A_148, %swap3A_149], %swap3A_152 {strides = array<i32>} : memref<2x128xi32, #tpu.memory_space<vmem>>, vector<1x16xi32>,
        %get3A_153 = arith.constant 0 : i32
        %get3A_154 = arith.index_cast %get3A_153 : i32 to index
        %get3A_155 = arith.constant 112 : index
        %get3A_156 = tpu.vector_load %arg7[%get3A_154, %get3A_155] {strides = array<i32>} : memref<2x128xi32, #tpu.memory_space<vmem>>, vector<1x16xi32>,
        %get3A_157 = vector.shape_cast %get3A_156 : vector<1x16xi32> to vector<16xi32>
        %add3A_158 = arith.constant 10240 : i32
        %add3A_159 = vector.broadcast %add3A_158 : i32 to vector<16xi32>
        %add3A_160 = arith.addi %get3A_157, %add3A_159 : vector<16xi32>
        %swap3A_161 = arith.constant 0 : i32
        %swap3A_162 = arith.index_cast %swap3A_161 : i32 to index
        %swap3A_163 = arith.constant 112 : index
        %swap3A_164 = tpu.vector_load %arg7[%swap3A_162, %swap3A_163] {strides = array<i32>} : memref<2x128xi32, #tpu.memory_space<vmem>>, vector<1x16xi32>,
        %swap3A_165 = vector.shape_cast %swap3A_164 : vector<1x16xi32> to vector<16xi32>
        %swap3A_166 = vector.shape_cast %add3A_160 : vector<16xi32> to vector<1x16xi32>
        tpu.vector_store %arg7[%swap3A_162, %swap3A_163], %swap3A_166 {strides = array<i32>} : memref<2x128xi32, #tpu.memory_space<vmem>>, vector<1x16xi32>,
      } else {
      }
      %dma_start3A_36 = arith.constant 0 : i32
      %dma_start3A_37 = arith.constant 0 : i32
      %dma_start3A_38 = tpu.memref_slice %arg7[%dma_start3A_36, %dma_start3A_37] : memref<2x128xi32, #tpu.memory_space<vmem>> -> memref<1x128xi32, #tpu.memory_space<vmem>>
      %dma_start3A_39 = tpu.memref_squeeze %dma_start3A_38 : memref<1x128xi32, #tpu.memory_space<vmem>> -> memref<128xi32, #tpu.memory_space<vmem>>
      %dma_start3A_40 = arith.constant 0 : i32
      %dma_start3A_41 = arith.constant 0 : i32
      %dma_start3A_42 = tpu.memref_slice %arg2[%dma_start3A_40, %dma_start3A_41] : memref<20480x128xf32, #tpu.memory_space<hbm>> -> memref<20480x128xf32, #tpu.memory_space<hbm>>
      tpu.enqueue_indirect_dma source(%dma_start3A_42 : memref<20480x128xf32, #tpu.memory_space<hbm>>) target(%arg9 : memref<128x128xf32, #tpu.memory_space<vmem>>) offsets(%dma_start3A_39 : memref<128xi32, #tpu.memory_space<vmem>>) semaphore(%arg12 : memref<!tpu.dma_semaphore, #tpu.memory_space<semaphore_mem>>)
      %dma_wait3A = arith.constant 0 : i32
      %dma_wait3A_43 = arith.constant 0 : i32
      %dma_wait3A_44 = tpu.memref_slice %arg6[%dma_wait3A, %dma_wait3A_43] : memref<2x128xi32, #tpu.memory_space<vmem>> -> memref<1x128xi32, #tpu.memory_space<vmem>>
      %dma_wait3A_45 = tpu.memref_squeeze %dma_wait3A_44 : memref<1x128xi32, #tpu.memory_space<vmem>> -> memref<128xi32, #tpu.memory_space<vmem>>
      %dma_wait3A_46 = arith.constant 0 : i32
      %dma_wait3A_47 = arith.constant 0 : i32
      %dma_wait3A_48 = tpu.memref_slice %arg2[%dma_wait3A_46, %dma_wait3A_47] : memref<20480x128xf32, #tpu.memory_space<hbm>> -> memref<20480x128xf32, #tpu.memory_space<hbm>>
      tpu.wait_indirect_dma semaphore(%arg11 : memref<!tpu.dma_semaphore, #tpu.memory_space<semaphore_mem>>) src(%dma_wait3A_48 : memref<20480x128xf32, #tpu.memory_space<hbm>>) dst(%arg8 : memref<128x128xf32, #tpu.memory_space<vmem>>)
      %run_scoped3A = arith.constant 1 : i32
      "tpu.region"() ({
        %run_scoped3A_57 = tpu.sem_alloc : memref<!tpu.dma_semaphore, #tpu.memory_space<semaphore_mem>>
        %dma_start3A_58 = arith.constant 0 : i32
        %dma_start3A_59 = tpu.memref_slice %arg6[%run_scoped3A, %dma_start3A_58] : memref<2x128xi32, #tpu.memory_space<vmem>> -> memref<1x128xi32, #tpu.memory_space<vmem>>
        %dma_start3A_60 = tpu.memref_squeeze %dma_start3A_59 : memref<1x128xi32, #tpu.memory_space<vmem>> -> memref<128xi32, #tpu.memory_space<vmem>>
        %dma_start3A_61 = arith.constant 0 : i32
        %dma_start3A_62 = arith.constant 0 : i32
        %dma_start3A_63 = tpu.memref_slice %arg10[%dma_start3A_61, %dma_start3A_62] : memref<10240x128xf32, #tpu.memory_space<vmem_shared>> -> memref<10240x128xf32, #tpu.memory_space<vmem_shared>>
        tpu.enqueue_indirect_dma source(%arg8 : memref<128x128xf32, #tpu.memory_space<vmem>>) target(%dma_start3A_63 : memref<10240x128xf32, #tpu.memory_space<vmem_shared>>) offsets(%dma_start3A_60 : memref<128xi32, #tpu.memory_space<vmem>>) semaphore(%run_scoped3A_57 : memref<!tpu.dma_semaphore, #tpu.memory_space<semaphore_mem>>) {add = true}
        %dma_wait3A_64 = arith.constant 0 : i32
        %dma_wait3A_65 = tpu.memref_slice %arg6[%run_scoped3A, %dma_wait3A_64] : memref<2x128xi32, #tpu.memory_space<vmem>> -> memref<1x128xi32, #tpu.memory_space<vmem>>
        %dma_wait3A_66 = tpu.memref_squeeze %dma_wait3A_65 : memref<1x128xi32, #tpu.memory_space<vmem>> -> memref<128xi32, #tpu.memory_space<vmem>>
        %dma_wait3A_67 = arith.constant 0 : i32
        %dma_wait3A_68 = arith.constant 0 : i32
        %dma_wait3A_69 = tpu.memref_slice %arg10[%dma_wait3A_67, %dma_wait3A_68] : memref<10240x128xf32, #tpu.memory_space<vmem_shared>> -> memref<10240x128xf32, #tpu.memory_space<vmem_shared>>
        tpu.wait_indirect_dma semaphore(%run_scoped3A_57 : memref<!tpu.dma_semaphore, #tpu.memory_space<semaphore_mem>>) src(%arg8 : memref<128x128xf32, #tpu.memory_space<vmem>>) dst(%dma_wait3A_69 : memref<10240x128xf32, #tpu.memory_space<vmem_shared>>)
        tpu.yield
      }) : () -> ()
      %dma_wait3A_49 = arith.constant 0 : i32
      %dma_wait3A_50 = arith.constant 0 : i32
      %dma_wait3A_51 = tpu.memref_slice %arg7[%dma_wait3A_49, %dma_wait3A_50] : memref<2x128xi32, #tpu.memory_space<vmem>> -> memref<1x128xi32, #tpu.memory_space<vmem>>
      %dma_wait3A_52 = tpu.memref_squeeze %dma_wait3A_51 : memref<1x128xi32, #tpu.memory_space<vmem>> -> memref<128xi32, #tpu.memory_space<vmem>>
      %dma_wait3A_53 = arith.constant 0 : i32
      %dma_wait3A_54 = arith.constant 0 : i32
      %dma_wait3A_55 = tpu.memref_slice %arg2[%dma_wait3A_53, %dma_wait3A_54] : memref<20480x128xf32, #tpu.memory_space<hbm>> -> memref<20480x128xf32, #tpu.memory_space<hbm>>
      tpu.wait_indirect_dma semaphore(%arg12 : memref<!tpu.dma_semaphore, #tpu.memory_space<semaphore_mem>>) src(%dma_wait3A_55 : memref<20480x128xf32, #tpu.memory_space<hbm>>) dst(%arg9 : memref<128x128xf32, #tpu.memory_space<vmem>>)
      %run_scoped3A_56 = arith.constant 1 : i32
      "tpu.region"() ({
        %run_scoped3A_57 = tpu.sem_alloc : memref<!tpu.dma_semaphore, #tpu.memory_space<semaphore_mem>>
        %dma_start3A_58 = arith.constant 0 : i32
        %dma_start3A_59 = tpu.memref_slice %arg7[%run_scoped3A_56, %dma_start3A_58] : memref<2x128xi32, #tpu.memory_space<vmem>> -> memref<1x128xi32, #tpu.memory_space<vmem>>
        %dma_start3A_60 = tpu.memref_squeeze %dma_start3A_59 : memref<1x128xi32, #tpu.memory_space<vmem>> -> memref<128xi32, #tpu.memory_space<vmem>>
        %dma_start3A_61 = arith.constant 0 : i32
        %dma_start3A_62 = arith.constant 0 : i32
        %dma_start3A_63 = tpu.memref_slice %arg10[%dma_start3A_61, %dma_start3A_62] : memref<10240x128xf32, #tpu.memory_space<vmem_shared>> -> memref<10240x128xf32, #tpu.memory_space<vmem_shared>>
        tpu.enqueue_indirect_dma source(%arg9 : memref<128x128xf32, #tpu.memory_space<vmem>>) target(%dma_start3A_63 : memref<10240x128xf32, #tpu.memory_space<vmem_shared>>) offsets(%dma_start3A_60 : memref<128xi32, #tpu.memory_space<vmem>>) semaphore(%run_scoped3A_57 : memref<!tpu.dma_semaphore, #tpu.memory_space<semaphore_mem>>) {add = true}
        %dma_wait3A_64 = arith.constant 0 : i32
        %dma_wait3A_65 = tpu.memref_slice %arg7[%run_scoped3A_56, %dma_wait3A_64] : memref<2x128xi32, #tpu.memory_space<vmem>> -> memref<1x128xi32, #tpu.memory_space<vmem>>
        %dma_wait3A_66 = tpu.memref_squeeze %dma_wait3A_65 : memref<1x128xi32, #tpu.memory_space<vmem>> -> memref<128xi32, #tpu.memory_space<vmem>>
        %dma_wait3A_67 = arith.constant 0 : i32
        %dma_wait3A_68 = arith.constant 0 : i32
        %dma_wait3A_69 = tpu.memref_slice %arg10[%dma_wait3A_67, %dma_wait3A_68] : memref<10240x128xf32, #tpu.memory_space<vmem_shared>> -> memref<10240x128xf32, #tpu.memory_space<vmem_shared>>
        tpu.wait_indirect_dma semaphore(%run_scoped3A_57 : memref<!tpu.dma_semaphore, #tpu.memory_space<semaphore_mem>>) src(%arg9 : memref<128x128xf32, #tpu.memory_space<vmem>>) dst(%dma_wait3A_69 : memref<10240x128xf32, #tpu.memory_space<vmem_shared>>)
        tpu.yield
      }) : () -> ()
    }
    %scan3A_5 = arith.constant 40 : i32
    %barrier3A_6 = arith.constant 0 : index
    tpu.barrier barrier_id(%barrier3A_6)
    %mul3A_7 = arith.constant 640 : i32
    %mul3A_8 = arith.muli %arg1, %mul3A_7 : i32
    %mul3A_9 = arith.constant 640 : i32
    %mul3A_10 = arith.muli %arg1, %mul3A_9 : i32
    "tpu.region"() ({
      %run_scoped3A = tpu.sem_alloc : memref<!tpu.dma_semaphore, #tpu.memory_space<semaphore_mem>>
      %dma_start3A = arith.constant 0 : i32
      %dma_start3A_11 = tpu.memref_slice %arg5[%arg0, %mul3A_10, %dma_start3A] : memref<2x10240x128xf32, #tpu.memory_space<hbm>> -> memref<1x640x128xf32, #tpu.memory_space<hbm>>
      %dma_start3A_12 = tpu.memref_squeeze %dma_start3A_11 : memref<1x640x128xf32, #tpu.memory_space<hbm>> -> memref<640x128xf32, #tpu.memory_space<hbm>>
      %dma_start3A_13 = arith.constant 0 : i32
      %dma_start3A_14 = tpu.memref_slice %arg10[%mul3A_8, %dma_start3A_13] : memref<10240x128xf32, #tpu.memory_space<vmem_shared>> -> memref<640x128xf32, #tpu.memory_space<vmem_shared>>
      tpu.enqueue_dma source(%dma_start3A_14 : memref<640x128xf32, #tpu.memory_space<vmem_shared>>) target(%dma_start3A_12 : memref<640x128xf32, #tpu.memory_space<hbm>>) target_semaphore(%run_scoped3A : memref<!tpu.dma_semaphore, #tpu.memory_space<semaphore_mem>>)
      %dma_wait3A = arith.constant 0 : i32
      %dma_wait3A_15 = tpu.memref_slice %arg5[%arg0, %mul3A_10, %dma_wait3A] : memref<2x10240x128xf32, #tpu.memory_space<hbm>> -> memref<1x640x128xf32, #tpu.memory_space<hbm>>
      %dma_wait3A_16 = tpu.memref_squeeze %dma_wait3A_15 : memref<1x640x128xf32, #tpu.memory_space<hbm>> -> memref<640x128xf32, #tpu.memory_space<hbm>>
      %dma_wait3A_17 = arith.constant 0 : i32
      %dma_wait3A_18 = tpu.memref_slice %arg10[%mul3A_8, %dma_wait3A_17] : memref<10240x128xf32, #tpu.memory_space<vmem_shared>> -> memref<640x128xf32, #tpu.memory_space<vmem_shared>>
      tpu.wait_dma2 semaphore(%run_scoped3A : memref<!tpu.dma_semaphore, #tpu.memory_space<semaphore_mem>>) src(%dma_wait3A_18 : memref<640x128xf32, #tpu.memory_space<vmem_shared>>) dst(%dma_wait3A_16 : memref<640x128xf32, #tpu.memory_space<hbm>>)
      tpu.yield
    }) : () -> ()
    return
  }
}

module attributes {stable_mosaic.version = 14 : i64} {
  func.func @_mid_body(%arg0: i32, %arg1: memref<2x1000x128xf32, #tpu.memory_space<vmem>>, %arg2: memref<2x1000x128xf32, #tpu.memory_space<vmem>>, %arg3: memref<1000x1xf32, #tpu.memory_space<vmem>>, %arg4: memref<1x256xf32, #tpu.memory_space<vmem>>, %arg5: memref<256x256xf32, #tpu.memory_space<vmem>>, %arg6: memref<2x1000x128xf32, #tpu.memory_space<vmem>>) attributes {dimension_semantics = [#tpu.dimension_semantics<arbitrary>], iteration_bounds = array<i64: 10>, scalar_prefetch = 0 : i64, scratch_operands = 0 : i64, tpu.core_type = #tpu.core_type<tc>, window_params = [{transform_indices = @transform_0, window_bounds = array<i64: 2, 1000, 128>}, {transform_indices = @transform_1, window_bounds = array<i64: 2, 1000, 128>}, {transform_indices = @transform_2, window_bounds = array<i64: 1000, 1>}, {pipeline_mode = #tpu.pipeline_mode<synchronous>, transform_indices = @transform_3, window_bounds = array<i64: 1, 256>}, {pipeline_mode = #tpu.pipeline_mode<synchronous>, transform_indices = @transform_4, window_bounds = array<i64: 256, 256>}, {transform_indices = @transform_5, window_bounds = array<i64: 2, 1000, 128>}]} {
    %get3A = arith.constant 0 : index
    %get3A_0 = arith.constant 0 : index
    %get3A_1 = vector.load %arg3[%get3A, %get3A_0] : memref<1000x1xf32, #tpu.memory_space<vmem>>, vector<1000x1xf32>
    %get3A_2 = arith.constant 0 : index
    %get3A_3 = arith.constant 0 : index
    %get3A_4 = arith.constant 0 : index
    %get3A_5 = vector.load %arg1[%get3A_2, %get3A_3, %get3A_4] : memref<2x1000x128xf32, #tpu.memory_space<vmem>>, vector<1x1000x128xf32>
    %get3A_6 = vector.shape_cast %get3A_5 : vector<1x1000x128xf32> to vector<1000x128xf32>
    %get3A_7 = arith.constant 0 : index
    %get3A_8 = arith.constant 0 : index
    %get3A_9 = arith.constant 0 : index
    %get3A_10 = vector.load %arg2[%get3A_7, %get3A_8, %get3A_9] : memref<2x1000x128xf32, #tpu.memory_space<vmem>>, vector<1x1000x128xf32>
    %get3A_11 = vector.shape_cast %get3A_10 : vector<1x1000x128xf32> to vector<1000x128xf32>
    %add3A = arith.addf %get3A_6, %get3A_11 : vector<1000x128xf32>
    %get3A_12 = arith.constant 1 : index
    %get3A_13 = arith.constant 0 : index
    %get3A_14 = arith.constant 0 : index
    %get3A_15 = vector.load %arg1[%get3A_12, %get3A_13, %get3A_14] : memref<2x1000x128xf32, #tpu.memory_space<vmem>>, vector<1x1000x128xf32>
    %get3A_16 = vector.shape_cast %get3A_15 : vector<1x1000x128xf32> to vector<1000x128xf32>
    %get3A_17 = arith.constant 1 : index
    %get3A_18 = arith.constant 0 : index
    %get3A_19 = arith.constant 0 : index
    %get3A_20 = vector.load %arg2[%get3A_17, %get3A_18, %get3A_19] : memref<2x1000x128xf32, #tpu.memory_space<vmem>>, vector<1x1000x128xf32>
    %get3A_21 = vector.shape_cast %get3A_20 : vector<1x1000x128xf32> to vector<1000x128xf32>
    %add3A_22 = arith.addf %get3A_16, %get3A_21 : vector<1000x128xf32>
    %concatenate3A = tpu.concatenate %add3A, %add3A_22 in 1 : vector<1000x128xf32>, vector<1000x128xf32> -> vector<1000x256xf32>
    %mul3A = vector.broadcast %get3A_1 : vector<1000x1xf32> to vector<1000x256xf32>
    %mul3A_23 = arith.mulf %mul3A, %concatenate3A : vector<1000x256xf32>
    %get3A_24 = arith.constant 0 : index
    %get3A_25 = arith.constant 0 : index
    %get3A_26 = vector.load %arg4[%get3A_24, %get3A_25] : memref<1x256xf32, #tpu.memory_space<vmem>>, vector<1x256xf32>
    %add3A_27 = vector.broadcast %get3A_26 : vector<1x256xf32> to vector<1000x256xf32>
    %add3A_28 = arith.addf %mul3A_23, %add3A_27 : vector<1000x256xf32>
    %mul3A_29 = arith.constant 5.000000e-01 : f32
    %mul3A_30 = vector.broadcast %mul3A_29 : f32 to vector<1000x256xf32>
    %mul3A_31 = arith.mulf %mul3A_30, %add3A_28 : vector<1000x256xf32>
    %mul3A_32 = arith.constant 0.707106769 : f32
    %mul3A_33 = vector.broadcast %mul3A_32 : f32 to vector<1000x256xf32>
    %mul3A_34 = arith.mulf %add3A_28, %mul3A_33 : vector<1000x256xf32>
    %erf3A = math.erf %mul3A_34 : vector<1000x256xf32>
    %add3A_35 = arith.constant 1.000000e+00 : f32
    %add3A_36 = vector.broadcast %add3A_35 : f32 to vector<1000x256xf32>
    %add3A_37 = arith.addf %add3A_36, %erf3A : vector<1000x256xf32>
    %mul3A_38 = arith.mulf %mul3A_31, %add3A_37 : vector<1000x256xf32>
    %get3A_39 = arith.constant 0 : index
    %get3A_40 = arith.constant 0 : index
    %get3A_41 = vector.load %arg5[%get3A_39, %get3A_40] : memref<256x256xf32, #tpu.memory_space<vmem>>, vector<256x256xf32>
    %dot_general3A = arith.constant dense<0.000000e+00> : vector<1000x256xf32>
    %dot_general3A_42 = tpu.matmul %mul3A_38, %get3A_41, %dot_general3A {dimension_numbers = #tpu.dot_dimension_numbers<[1], [0], [0], [1], [0, 0, 1, 1], [], []>, transpose_lhs_hint = false} : vector<1000x256xf32>, vector<256x256xf32>, vector<1000x256xf32> -> vector<1000x256xf32>
    %mul3A_43 = vector.broadcast %get3A_1 : vector<1000x1xf32> to vector<1000x256xf32>
    %mul3A_44 = arith.mulf %mul3A_43, %dot_general3A_42 : vector<1000x256xf32>
    %slice3A = vector.extract_strided_slice %mul3A_44 {offsets = [0, 0], sizes = [1000, 128], strides = [1, 1]} : vector<1000x256xf32> to vector<1000x128xf32>
    %swap3A = arith.constant 0 : index
    %swap3A_45 = arith.constant 0 : index
    %swap3A_46 = arith.constant 0 : index
    %swap3A_47 = vector.load %arg6[%swap3A, %swap3A_45, %swap3A_46] : memref<2x1000x128xf32, #tpu.memory_space<vmem>>, vector<1x1000x128xf32>
    %swap3A_48 = vector.shape_cast %swap3A_47 : vector<1x1000x128xf32> to vector<1000x128xf32>
    %swap3A_49 = vector.shape_cast %slice3A : vector<1000x128xf32> to vector<1x1000x128xf32>
    tpu.vector_store %arg6[%swap3A, %swap3A_45, %swap3A_46], %swap3A_49 {strides = array<i32>} : memref<2x1000x128xf32, #tpu.memory_space<vmem>>, vector<1x1000x128xf32>,
    %slice3A_50 = vector.extract_strided_slice %mul3A_44 {offsets = [0, 128], sizes = [1000, 128], strides = [1, 1]} : vector<1000x256xf32> to vector<1000x128xf32>
    %swap3A_51 = arith.constant 1 : index
    %swap3A_52 = arith.constant 0 : index
    %swap3A_53 = arith.constant 0 : index
    %swap3A_54 = vector.load %arg6[%swap3A_51, %swap3A_52, %swap3A_53] : memref<2x1000x128xf32, #tpu.memory_space<vmem>>, vector<1x1000x128xf32>
    %swap3A_55 = vector.shape_cast %swap3A_54 : vector<1x1000x128xf32> to vector<1000x128xf32>
    %swap3A_56 = vector.shape_cast %slice3A_50 : vector<1000x128xf32> to vector<1x1000x128xf32>
    tpu.vector_store %arg6[%swap3A_51, %swap3A_52, %swap3A_53], %swap3A_56 {strides = array<i32>} : memref<2x1000x128xf32, #tpu.memory_space<vmem>>, vector<1x1000x128xf32>,
    return
  }
  func.func @transform_0(%arg0: i32) -> (i32, i32, i32) {
    %c0_i32 = arith.constant 0 : i32
    %c0_i32_0 = arith.constant 0 : i32
    %c0_i32_1 = arith.constant 0 : i32
    return %c0_i32, %arg0, %c0_i32_0 : i32, i32, i32
  }
  func.func @transform_1(%arg0: i32) -> (i32, i32, i32) {
    %c0_i32 = arith.constant 0 : i32
    %c0_i32_0 = arith.constant 0 : i32
    %c0_i32_1 = arith.constant 0 : i32
    return %c0_i32, %arg0, %c0_i32_0 : i32, i32, i32
  }
  func.func @transform_2(%arg0: i32) -> (i32, i32) {
    %c0_i32 = arith.constant 0 : i32
    %c0_i32_0 = arith.constant 0 : i32
    return %arg0, %c0_i32 : i32, i32
  }
  func.func @transform_3(%arg0: i32) -> (i32, i32) {
    %c0_i32 = arith.constant 0 : i32
    %c0_i32_0 = arith.constant 0 : i32
    %c0_i32_1 = arith.constant 0 : i32
    return %c0_i32, %c0_i32_0 : i32, i32
  }
  func.func @transform_4(%arg0: i32) -> (i32, i32) {
    %c0_i32 = arith.constant 0 : i32
    %c0_i32_0 = arith.constant 0 : i32
    %c0_i32_1 = arith.constant 0 : i32
    return %c0_i32, %c0_i32_0 : i32, i32
  }
  func.func @transform_5(%arg0: i32) -> (i32, i32, i32) {
    %c0_i32 = arith.constant 0 : i32
    %c0_i32_0 = arith.constant 0 : i32
    %c0_i32_1 = arith.constant 0 : i32
    return %c0_i32, %arg0, %c0_i32_0 : i32, i32, i32
  }
}

module attributes {stable_mosaic.version = 14 : i64} {
  func.func @_first_body(%arg0: i32, %arg1: memref<1000x256xf32, #tpu.memory_space<vmem>>, %arg2: memref<256x256xf32, #tpu.memory_space<vmem>>, %arg3: memref<2x1000x128xf32, #tpu.memory_space<vmem>>, %arg4: memref<2x1000x128xf32, #tpu.memory_space<vmem>>, %arg5: memref<1000x1xf32, #tpu.memory_space<vmem>>) attributes {dimension_semantics = [#tpu.dimension_semantics<arbitrary>], iteration_bounds = array<i64: 10>, scalar_prefetch = 0 : i64, scratch_operands = 0 : i64, tpu.core_type = #tpu.core_type<tc>, window_params = [{transform_indices = @transform_0, window_bounds = array<i64: 1000, 256>}, {pipeline_mode = #tpu.pipeline_mode<synchronous>, transform_indices = @transform_1, window_bounds = array<i64: 256, 256>}, {transform_indices = @transform_2, window_bounds = array<i64: 2, 1000, 128>}, {transform_indices = @transform_3, window_bounds = array<i64: 2, 1000, 128>}, {transform_indices = @transform_4, window_bounds = array<i64: 1000, 1>}]} {
    %get3A = arith.constant 0 : index
    %get3A_0 = arith.constant 0 : index
    %get3A_1 = arith.constant 0 : index
    %get3A_2 = vector.load %arg3[%get3A, %get3A_0, %get3A_1] : memref<2x1000x128xf32, #tpu.memory_space<vmem>>, vector<1x1000x128xf32>
    %get3A_3 = vector.shape_cast %get3A_2 : vector<1x1000x128xf32> to vector<1000x128xf32>
    %slice3A = vector.extract_strided_slice %get3A_3 {offsets = [0, 0], sizes = [1000, 1], strides = [1, 1]} : vector<1000x128xf32> to vector<1000x1xf32>
    %get3A_4 = arith.constant 1 : index
    %get3A_5 = arith.constant 0 : index
    %get3A_6 = arith.constant 0 : index
    %get3A_7 = vector.load %arg3[%get3A_4, %get3A_5, %get3A_6] : memref<2x1000x128xf32, #tpu.memory_space<vmem>>, vector<1x1000x128xf32>
    %get3A_8 = vector.shape_cast %get3A_7 : vector<1x1000x128xf32> to vector<1000x128xf32>
    %slice3A_9 = vector.extract_strided_slice %get3A_8 {offsets = [0, 0], sizes = [1000, 1], strides = [1, 1]} : vector<1000x128xf32> to vector<1000x1xf32>
    %add3A = arith.addf %slice3A, %slice3A_9 : vector<1000x1xf32>
    %add3A_10 = arith.constant 1.000000e+00 : f32
    %add3A_11 = vector.broadcast %add3A_10 : f32 to vector<1000x1xf32>
    %add3A_12 = arith.addf %add3A, %add3A_11 : vector<1000x1xf32>
    %rsqrt3A = math.rsqrt %add3A_12 : vector<1000x1xf32>
    %swap3A = arith.constant 0 : index
    %swap3A_13 = arith.constant 0 : index
    %swap3A_14 = vector.load %arg5[%swap3A, %swap3A_13] : memref<1000x1xf32, #tpu.memory_space<vmem>>, vector<1000x1xf32>
    tpu.vector_store %arg5[%swap3A, %swap3A_13], %rsqrt3A {strides = array<i32>} : memref<1000x1xf32, #tpu.memory_space<vmem>>, vector<1000x1xf32>,
    %get3A_15 = arith.constant 0 : index
    %get3A_16 = arith.constant 0 : index
    %get3A_17 = vector.load %arg1[%get3A_15, %get3A_16] : memref<1000x256xf32, #tpu.memory_space<vmem>>, vector<1000x256xf32>
    %get3A_18 = arith.constant 0 : index
    %get3A_19 = arith.constant 0 : index
    %get3A_20 = vector.load %arg2[%get3A_18, %get3A_19] : memref<256x256xf32, #tpu.memory_space<vmem>>, vector<256x256xf32>
    %dot_general3A = arith.constant dense<0.000000e+00> : vector<1000x256xf32>
    %dot_general3A_21 = tpu.matmul %get3A_17, %get3A_20, %dot_general3A {dimension_numbers = #tpu.dot_dimension_numbers<[1], [0], [0], [1], [0, 0, 1, 1], [], []>, transpose_lhs_hint = false} : vector<1000x256xf32>, vector<256x256xf32>, vector<1000x256xf32> -> vector<1000x256xf32>
    %mul3A = vector.broadcast %rsqrt3A : vector<1000x1xf32> to vector<1000x256xf32>
    %mul3A_22 = arith.mulf %mul3A, %dot_general3A_21 : vector<1000x256xf32>
    %slice3A_23 = vector.extract_strided_slice %mul3A_22 {offsets = [0, 0], sizes = [1000, 128], strides = [1, 1]} : vector<1000x256xf32> to vector<1000x128xf32>
    %swap3A_24 = arith.constant 0 : index
    %swap3A_25 = arith.constant 0 : index
    %swap3A_26 = arith.constant 0 : index
    %swap3A_27 = vector.load %arg4[%swap3A_24, %swap3A_25, %swap3A_26] : memref<2x1000x128xf32, #tpu.memory_space<vmem>>, vector<1x1000x128xf32>
    %swap3A_28 = vector.shape_cast %swap3A_27 : vector<1x1000x128xf32> to vector<1000x128xf32>
    %swap3A_29 = vector.shape_cast %slice3A_23 : vector<1000x128xf32> to vector<1x1000x128xf32>
    tpu.vector_store %arg4[%swap3A_24, %swap3A_25, %swap3A_26], %swap3A_29 {strides = array<i32>} : memref<2x1000x128xf32, #tpu.memory_space<vmem>>, vector<1x1000x128xf32>,
    %slice3A_30 = vector.extract_strided_slice %mul3A_22 {offsets = [0, 128], sizes = [1000, 128], strides = [1, 1]} : vector<1000x256xf32> to vector<1000x128xf32>
    %swap3A_31 = arith.constant 1 : index
    %swap3A_32 = arith.constant 0 : index
    %swap3A_33 = arith.constant 0 : index
    %swap3A_34 = vector.load %arg4[%swap3A_31, %swap3A_32, %swap3A_33] : memref<2x1000x128xf32, #tpu.memory_space<vmem>>, vector<1x1000x128xf32>
    %swap3A_35 = vector.shape_cast %swap3A_34 : vector<1x1000x128xf32> to vector<1000x128xf32>
    %swap3A_36 = vector.shape_cast %slice3A_30 : vector<1000x128xf32> to vector<1x1000x128xf32>
    tpu.vector_store %arg4[%swap3A_31, %swap3A_32, %swap3A_33], %swap3A_36 {strides = array<i32>} : memref<2x1000x128xf32, #tpu.memory_space<vmem>>, vector<1x1000x128xf32>,
    return
  }
  func.func @transform_0(%arg0: i32) -> (i32, i32) {
    %c0_i32 = arith.constant 0 : i32
    %c0_i32_0 = arith.constant 0 : i32
    return %arg0, %c0_i32 : i32, i32
  }
  func.func @transform_1(%arg0: i32) -> (i32, i32) {
    %c0_i32 = arith.constant 0 : i32
    %c0_i32_0 = arith.constant 0 : i32
    %c0_i32_1 = arith.constant 0 : i32
    return %c0_i32, %c0_i32_0 : i32, i32
  }
  func.func @transform_2(%arg0: i32) -> (i32, i32, i32) {
    %c0_i32 = arith.constant 0 : i32
    %c0_i32_0 = arith.constant 0 : i32
    %c0_i32_1 = arith.constant 0 : i32
    return %c0_i32, %arg0, %c0_i32_0 : i32, i32, i32
  }
  func.func @transform_3(%arg0: i32) -> (i32, i32, i32) {
    %c0_i32 = arith.constant 0 : i32
    %c0_i32_0 = arith.constant 0 : i32
    %c0_i32_1 = arith.constant 0 : i32
    return %c0_i32, %arg0, %c0_i32_0 : i32, i32, i32
  }
  func.func @transform_4(%arg0: i32) -> (i32, i32) {
    %c0_i32 = arith.constant 0 : i32
    %c0_i32_0 = arith.constant 0 : i32
    return %arg0, %c0_i32 : i32, i32
  }
}

module attributes {stable_mosaic.version = 14 : i64} {
  func.func @_final_body(%arg0: i32, %arg1: memref<2x1000x128xf32, #tpu.memory_space<vmem>>, %arg2: memref<2x1000x128xf32, #tpu.memory_space<vmem>>, %arg3: memref<1000x1xf32, #tpu.memory_space<vmem>>, %arg4: memref<1x256xf32, #tpu.memory_space<vmem>>, %arg5: memref<1000x256xf32, #tpu.memory_space<vmem>>) attributes {dimension_semantics = [#tpu.dimension_semantics<arbitrary>], iteration_bounds = array<i64: 10>, scalar_prefetch = 0 : i64, scratch_operands = 0 : i64, tpu.core_type = #tpu.core_type<tc>, window_params = [{transform_indices = @transform_0, window_bounds = array<i64: 2, 1000, 128>}, {transform_indices = @transform_1, window_bounds = array<i64: 2, 1000, 128>}, {transform_indices = @transform_2, window_bounds = array<i64: 1000, 1>}, {pipeline_mode = #tpu.pipeline_mode<synchronous>, transform_indices = @transform_3, window_bounds = array<i64: 1, 256>}, {transform_indices = @transform_4, window_bounds = array<i64: 1000, 256>}]} {
    %get3A = arith.constant 0 : index
    %get3A_0 = arith.constant 0 : index
    %get3A_1 = vector.load %arg3[%get3A, %get3A_0] : memref<1000x1xf32, #tpu.memory_space<vmem>>, vector<1000x1xf32>
    %get3A_2 = arith.constant 0 : index
    %get3A_3 = arith.constant 0 : index
    %get3A_4 = arith.constant 0 : index
    %get3A_5 = vector.load %arg1[%get3A_2, %get3A_3, %get3A_4] : memref<2x1000x128xf32, #tpu.memory_space<vmem>>, vector<1x1000x128xf32>
    %get3A_6 = vector.shape_cast %get3A_5 : vector<1x1000x128xf32> to vector<1000x128xf32>
    %get3A_7 = arith.constant 0 : index
    %get3A_8 = arith.constant 0 : index
    %get3A_9 = arith.constant 0 : index
    %get3A_10 = vector.load %arg2[%get3A_7, %get3A_8, %get3A_9] : memref<2x1000x128xf32, #tpu.memory_space<vmem>>, vector<1x1000x128xf32>
    %get3A_11 = vector.shape_cast %get3A_10 : vector<1x1000x128xf32> to vector<1000x128xf32>
    %add3A = arith.addf %get3A_6, %get3A_11 : vector<1000x128xf32>
    %get3A_12 = arith.constant 1 : index
    %get3A_13 = arith.constant 0 : index
    %get3A_14 = arith.constant 0 : index
    %get3A_15 = vector.load %arg1[%get3A_12, %get3A_13, %get3A_14] : memref<2x1000x128xf32, #tpu.memory_space<vmem>>, vector<1x1000x128xf32>
    %get3A_16 = vector.shape_cast %get3A_15 : vector<1x1000x128xf32> to vector<1000x128xf32>
    %get3A_17 = arith.constant 1 : index
    %get3A_18 = arith.constant 0 : index
    %get3A_19 = arith.constant 0 : index
    %get3A_20 = vector.load %arg2[%get3A_17, %get3A_18, %get3A_19] : memref<2x1000x128xf32, #tpu.memory_space<vmem>>, vector<1x1000x128xf32>
    %get3A_21 = vector.shape_cast %get3A_20 : vector<1x1000x128xf32> to vector<1000x128xf32>
    %add3A_22 = arith.addf %get3A_16, %get3A_21 : vector<1000x128xf32>
    %concatenate3A = tpu.concatenate %add3A, %add3A_22 in 1 : vector<1000x128xf32>, vector<1000x128xf32> -> vector<1000x256xf32>
    %mul3A = vector.broadcast %get3A_1 : vector<1000x1xf32> to vector<1000x256xf32>
    %mul3A_23 = arith.mulf %mul3A, %concatenate3A : vector<1000x256xf32>
    %get3A_24 = arith.constant 0 : index
    %get3A_25 = arith.constant 0 : index
    %get3A_26 = vector.load %arg4[%get3A_24, %get3A_25] : memref<1x256xf32, #tpu.memory_space<vmem>>, vector<1x256xf32>
    %add3A_27 = vector.broadcast %get3A_26 : vector<1x256xf32> to vector<1000x256xf32>
    %add3A_28 = arith.addf %mul3A_23, %add3A_27 : vector<1000x256xf32>
    %swap3A = arith.constant 0 : index
    %swap3A_29 = arith.constant 0 : index
    %swap3A_30 = vector.load %arg5[%swap3A, %swap3A_29] : memref<1000x256xf32, #tpu.memory_space<vmem>>, vector<1000x256xf32>
    tpu.vector_store %arg5[%swap3A, %swap3A_29], %add3A_28 {strides = array<i32>} : memref<1000x256xf32, #tpu.memory_space<vmem>>, vector<1000x256xf32>,
    return
  }
  func.func @transform_0(%arg0: i32) -> (i32, i32, i32) {
    %c0_i32 = arith.constant 0 : i32
    %c0_i32_0 = arith.constant 0 : i32
    %c0_i32_1 = arith.constant 0 : i32
    return %c0_i32, %arg0, %c0_i32_0 : i32, i32, i32
  }
  func.func @transform_1(%arg0: i32) -> (i32, i32, i32) {
    %c0_i32 = arith.constant 0 : i32
    %c0_i32_0 = arith.constant 0 : i32
    %c0_i32_1 = arith.constant 0 : i32
    return %c0_i32, %arg0, %c0_i32_0 : i32, i32, i32
  }
  func.func @transform_2(%arg0: i32) -> (i32, i32) {
    %c0_i32 = arith.constant 0 : i32
    %c0_i32_0 = arith.constant 0 : i32
    return %arg0, %c0_i32 : i32, i32
  }
  func.func @transform_3(%arg0: i32) -> (i32, i32) {
    %c0_i32 = arith.constant 0 : i32
    %c0_i32_0 = arith.constant 0 : i32
    %c0_i32_1 = arith.constant 0 : i32
    return %c0_i32, %c0_i32_0 : i32, i32
  }
  func.func @transform_4(%arg0: i32) -> (i32, i32) {
    %c0_i32 = arith.constant 0 : i32
    %c0_i32_0 = arith.constant 0 : i32
    return %arg0, %c0_i32 : i32, i32
  }
}

</mosaic_0001>

<sc_bundles>
// kernel: kernel.10.cloned.1.call-start
scs
__scs_entry_jumppad:
0x0: {  	(pc) =	sbr.rel $0x88, $3  }
0x1: {  	(tag) =	ssettag $0x0;
	lr =	simm.s32 $0x1  }
0x2: {  	[smem:$0x3F99] =	sst lr;
	_ =	strace $0xD0000000  }
0x3: {  	_ = 	snop  }
0x4: {  	_ = 	snop  }
0x5: {  	_ = 	snop  }
0x6: {  	_ = 	snop  }
0x7: {  	_ = 	snop  }
__scs_overlays_trampoline_lowered:
0x8: {  	[smem:$0x3FA8] =	sst s0  }
0x9: {  	[smem:$0x3FA9] =	sst s1  }
0xa: {  	[smem:$0x3FAA] =	sst s2  }
0xb: {  	[smem:$0x3FAB] =	sst s3  }
0xc: {  	[smem:$0x3FAC] =	sst s4  }
0xd: {  	[smem:$0x3FAD] =	sst s5  }
0xe: {  	[smem:$0x3FAE] =	sst s6  }
0xf: {  	[smem:$0x3FAF] =	sst s7  }
0x10: {  	[smem:$0x3FB0] =	sst s8  }
0x11: {  	[smem:$0x3FB1] =	sst s9;
	s0 =	simm.s32 @!p0 $0x0  }
0x12: {  	s1 =	sld [smem:$0x3F97];
	s0 =	simm.s32 @p0 $0x1  }
0x13: {  	[smem:$0x3FB2] =	sst s0;
	s0 =	simm.s32 @!p1 $0x0  }
0x14: {  	s2 =	sld [smem:$0x3F96];
	s0 =	simm.s32 @p1 $0x1  }
0x15: {  	[smem:$0x3FB3] =	sst s0;
	s0 =	simm.s32 @!p2 $0x0  }
0x16: {  	s3 =	sld [smem:$0x3FDB];
	s0 =	simm.s32 @p2 $0x1  }
0x17: {  	s4 =	simm.s32 $0x1BF5;
	[smem:$0x3FB5] =	sst s0  }
0x18: {  	s0 =	sld [smem:$0x3F98];
	_ =	swait.ge [sflag:s4], $0x0  }
0x19: {  	s7 =	sld [smem:$0x3F99]  }
0x1a: {  	s8 =	sadd.s32 $0xFFFFE003, lr  }
0x1b: {  	s9 =	sadd.s32 $0xFFFFFEF7, lr;
	s5 =	simm.s32 $0xFFFFFFFF;
	p2 =	slt.u32 s8, $0xFFFFF086  }
0x1c: {  	p1 =	slt.u32 s9, $0xF7A;
	s5 =	simm.s32 @!p2 $0x0  }
0x1d: {  	s5 =	simm.s32 @p1 $0x1;
	p0 =	seq.s32 s7, s2  }
0x1e: {  	s7 =	smul.u32 @!p0 $0xF7A, s2;
	p2 =	seq.s32 @!p0 s5, $0x0  }
0x1f: {  	s9 =	smul.u32 $0xF7A, s1;
	s8 =	simm.s32 @!p0 $0x1BF5;
	p2 =	por !p2, p0  }
0x20: {  	[sflag:s8] =	ssyncset.s32 @!p0 $0xFFFFF086;
	s6 =	sadd.s32 @!p0 s3, s7;
	s7 =	simm.s32 @!p0 $0x108  }
0x21: {  	s3 =	sadd.s32 s3, s9;
	s6 =	sadd.s32 @!p0 $0x88, s6;
	s7 =	simm.s32 @p2 $0x1082  }
0x22: {  	[simem:s7], [sflag:s8] =	dma.local @!p0 [hbm:s6], $0xF7A  }
0x23: {  	s9 =	sor.u32 $0xD0000000, s2;
	s6 =	simm.s32 $0x108;
	_ =	swait.ge @!p0 [sflag:s8], $0x0  }
0x24: {  	s3 =	sadd.s32 $0x88, s3;
	s6 =	simm.s32 @!p1 $0x1082;
	[sflag:s4] =	ssyncset.s32 $0xFFFFF086  }
0x25: {  	[simem:s6], [sflag:s4] =	dma.local [hbm:s3], $0xF7A  }
0x26: {  	[smem:$0x3F99] =	sst s1;
	(tag) =	ssettag s2;
	_ =	strace s9  }
0x27: {  	s1 =	sld [smem:$0x3FA9]  }
0x28: {  	s2 =	sld [smem:$0x3FAA]  }
0x29: {  	s4 =	sld [smem:$0x3FAC]  }
0x2a: {  	p0 =	seq.s32 s5, $0x0;
	s5 =	sld [smem:$0x3FAD]  }
0x2b: {  	s6 =	sld [smem:$0x3FAE]  }
0x2c: {  	s7 =	sld [smem:$0x3FAF]  }
0x2d: {  	s3 =	simm.s32 $0x108;
	s8 =	sld [smem:$0x3FB0]  }
0x2e: {  	s3 =	simm.s32 @!p0 $0x1082;
	s9 =	sld [smem:$0x3FB1]  }
0x2f: {  	lr =	sadd.s32 s0, s3;
	s0 =	sld [smem:$0x3FA8]  }
0x30: {  	s3 =	sld [smem:$0x3FAB]  }
0x31: {  	[smem:$0x3FB4] =	sst s10  }
0x32: {  	s10 =	sld [smem:$0x3FB2];
	_ =	sdelay $0x3  }
0x33: {  	p0 =	seq.s32 s10, $0x1;
	s10 =	sld [smem:$0x3FB4];
	_ =	sdelay $0x3  }
0x34: {  	[smem:$0x3FB4] =	sst s10  }
0x35: {  	s10 =	sld [smem:$0x3FB3];
	_ =	sdelay $0x3  }
0x36: {  	p1 =	seq.s32 s10, $0x1;
	s10 =	sld [smem:$0x3FB4];
	_ =	sdelay $0x3  }
0x37: {  	[smem:$0x3FB4] =	sst s10  }
0x38: {  	s10 =	sld [smem:$0x3FB5]  }
0x39: {  	_ = 	snop;
	(pc) =	sbr.ind lr, $3  }
0x3a: {  	_ = 	snop  }
0x3b: {  	_ = 	snop  }
0x3c: {  	p2 =	seq.s32 s10, $0x1;
	s10 =	sld [smem:$0x3FB4]  }
0x3d: {  	_ =	shalt  }
0x3e: {  	_ =	shalt  }
0x3f: {  	_ =	shalt  }
0x40: {  	_ =	shalt  }
0x41: {  	_ =	shalt  }
0x42: {  	_ =	shalt  }
0x43: {  	_ =	shalt  }
0x44: {  	_ =	shalt  }
0x45: {  	_ =	shalt  }
0x46: {  	_ =	shalt  }
0x47: {  	_ =	shalt  }
0x48: {  	_ =	shalt  }
0x49: {  	_ =	shalt  }
0x4a: {  	_ =	shalt  }
0x4b: {  	_ =	shalt  }
0x4c: {  	_ =	shalt  }
0x4d: {  	_ =	shalt  }
0x4e: {  	_ =	shalt  }
0x4f: {  	_ =	shalt  }
0x50: {  	_ =	shalt  }
0x51: {  	_ =	shalt  }
0x52: {  	_ =	shalt  }
0x53: {  	_ =	shalt  }
0x54: {  	_ =	shalt  }
0x55: {  	_ =	shalt  }
0x56: {  	_ =	shalt  }
0x57: {  	_ =	shalt  }
0x58: {  	_ =	shalt  }
0x59: {  	_ =	shalt  }
0x5a: {  	_ =	shalt  }
0x5b: {  	_ =	shalt  }
0x5c: {  	_ =	shalt  }
0x5d: {  	_ =	shalt  }
0x5e: {  	_ =	shalt  }
0x5f: {  	_ =	shalt  }
0x60: {  	_ =	shalt  }
0x61: {  	_ =	shalt  }
0x62: {  	_ =	shalt  }
0x63: {  	_ =	shalt  }
0x64: {  	_ =	shalt  }
0x65: {  	_ =	shalt  }
0x66: {  	_ =	shalt  }
0x67: {  	_ =	shalt  }
0x68: {  	_ =	shalt  }
0x69: {  	_ =	shalt  }
0x6a: {  	_ =	shalt  }
0x6b: {  	_ =	shalt  }
0x6c: {  	_ =	shalt  }
0x6d: {  	_ =	shalt  }
0x6e: {  	_ =	shalt  }
0x6f: {  	_ =	shalt  }
0x70: {  	_ =	shalt  }
0x71: {  	_ =	shalt  }
0x72: {  	_ =	shalt  }
0x73: {  	_ =	shalt  }
0x74: {  	_ =	shalt  }
0x75: {  	_ =	shalt  }
0x76: {  	_ =	shalt  }
0x77: {  	_ =	shalt  }
0x78: {  	_ =	shalt  }
0x79: {  	_ =	shalt  }
0x7a: {  	_ =	shalt  }
0x7b: {  	_ =	shalt  }
0x7c: {  	_ =	shalt  }
0x7d: {  	_ =	shalt  }
0x7e: {  	_ =	shalt  }
0x7f: {  	_ =	shalt  }
0x80: {  	_ =	shalt  }
0x81: {  	_ =	shalt  }
0x82: {  	_ =	shalt  }
0x83: {  	_ =	shalt  }
0x84: {  	_ =	shalt  }
0x85: {  	_ =	shalt  }
0x86: {  	_ =	shalt  }
0x87: {  	_ =	shalt  }
.Lfunc_end0:
.L_simem_size_0:
called_computation_lowered:
.L_overlay_start_0:
0x88: {  	s2 =	sld [smem:$0x3FD9]  }
0x89: {  	s3 =	sld [smem:$0x3FFE];
	_ =	sdelay $0x1  }
0x8a: {  	s1 =	srdreg.scid  }
0x8b: {  	s0 =	sand.u32 $0x1, s1  }
0x8c: {  	s16 =	sshll.u32 s0, $0xA;
	s2 =	sadd.s32 s3, s2  }
0x8d: {  	s2 =	sadd.s32 s2, s16  }
0x8e: {  	[smem:$0x3FC0] =	sst s2  }
0x8f: {  	_ = 	snop  }
0x90: {  	(tm) =	ssettm $0x1  }
0x91: {  	s17 =	sld [smem:$0x3FFB];
	_ =	sdelay $0x3  }
0x92: {  	_ =	strace s17  }
0x93: {  	s2 =	sld [smem:$0x3FFC];
	_ =	sdelay $0x3  }
0x94: {  	_ =	strace s2  }
0x95: {  	s2 =	sld [smem:$0x3FFD];
	_ =	sdelay $0x3  }
0x96: {  	_ =	strace s2  }
0x97: {  	_ =	strace $0x8FFFFFFF  }
0x98: {  	s18 =	sld [smem:$0x3FDB];
	_ =	sdelay $0x1  }
0x99: {  	s19 =	simm.s32 $_scs_section_size  }
0x9a: {  	s4 =	simm.s32 $_size__tile_overlayer_lowered;
	s5 =	simm.s32 $_tile_overlayer_lowered  }
0x9b: {  	s22 =	simm.s32 $0x1BFF;
	s21 =	sshll.u32 s5, $0x1;
	s2 =	sadd.s32 s19, s18  }
0x9c: {  	s6 =	simm.s32 $0x0;
	s20 =	sshll.u32 s4, $0x1;
	s4 =	sadd.s32 s21, s2  }
0x9d: {  	[timem:s6], [sflag:s22] =	dma.local [hbm:s4], s20  }
0x9e: {  	_ =	swait.ge [sflag:s22], s20  }
0x9f: {  	s3 =	ssub.s32 $0x0, s20;
	[sflag:s22] =	ssyncset.done $0x0  }
0xa0: {  	[sflag:s22] =	ssyncadd.s32 s3;
	_ =	sdelay $0x1  }
0xa1: {  	s23 =	simm.s32 $0x1B8B  }
0xa2: {  	_ =	swait.ge [sflag:s23], $0x1  }
0xa3: {  	[sflag:s23] =	ssyncset.done $0x0  }
0xa4: {  	s25 =	simm.s32 $0x1B8E;
	s24 =	sld [smem:$0x3FFE];
	[sflag:s23] =	ssyncadd.s32 $0xFFFFFFFF  }
0xa5: {  	s26 =	simm.s32 $execute0_lowered;
	[smem:$0x3FD2] =	sst s25  }
0xa6: {  	s4 =	sshll.u32 s26, $0x1;
	_ =	strace $0x80000046;
	[dreg:$0x1] =	wrdreg $0xFFFFFFFF  }
0xa7: {  	s28 =	simm.s32 $_size_execute0_lowered;
	s2 =	sadd.s32 s2, s4;
	[dreg:$0x0] =	wrdreg $0x0  }
0xa8: {  	s4 =	sshll.u32 s28, $0x1;
	[dreg:$0x2] =	wrdreg s2  }
0xa9: {  	[dreg:$0x3] =	wrdreg s4  }
0xaa: {  	[dreg:$0x4] =	wrdreg $0xC0  }
0xab: {  	_ =	task [dreg:s6], $0x5FFFF  }
0xac: {  	[dreg:$0x1] =	wrdreg $0xFFFFFFFF  }
0xad: {  	[dreg:$0x0] =	wrdreg $0x60  }
0xae: {  	[dreg:$0x2] =	wrdreg s24  }
0xaf: {  	[dreg:$0x3] =	wrdreg $0x54000  }
0xb0: {  	[dreg:$0x4] =	wrdreg $0x9  }
0xb1: {  	_ =	task.clear_ibuf [dreg:s6], $0x5FFFF;
	_ =	strace $0x90000046  }
0xb2: {  	s29 =	simm.s32 $0x9;
	_ =	strace $0x80000048  }
0xb3: {  	_ =	swait.ge [sflag:s29], $0x1  }
0xb4: {  	[sflag:s29] =	ssyncadd.s32 $0xFFFFFFFF  }
0xb5: {  	_ =	strace $0x90000048  }
0xb6: {  	_ =	sfence  }
0xb7: {  	s30 =	sld [smem:$0x0];
	_ =	sdelay $0x2  }
0xb8: {  	s31 =	sshll.u32 s1, $0xD;
	s1 =	sshrl.u32 s1, $0x2  }
0xb9: {  	s3 =	sand.u32 $0x4000, s31;
	s1 =	sadd.s32 s1, s30  }
0xba: {  	s0 =	sor.u32 s3, s0;
	s1 =	sshll.u32 s1, $0x11  }
0xbb: {  	s0 =	sor.u32 s1, s0  }
0xbc: {  	s0 =	sadd.s32 $0x8F2B, s0  }
0xbd: {  	[sflag:s0] =	ssyncadd.remote.s32 $0x1  }
0xbe: {  	_ =	sfence.sel $0xFFFF  }
0xbf: {  	[dreg:$0x0] =	wrdreg $0xFFFFFFFF;
	(pc) =	sbr.abs _section_cstart, $3  }
0xc0: {  	[dreg:$0x1] =	wrdreg $0xFFFFFFFF  }
0xc1: {  	_ =	task.clear_ibuf [dreg:s6], $0x2FFFF;
	_ =	strace $0x9FFFFFFF  }
0xc2: {  	(tm) =	ssettm $0x7FFFFFFF  }
0xc3: {  	_ =	shalt  }
tec
execute0_lowered:
.L_overlay_start_1:
0x0: {  	(tag) =	ssettag $0x1  }
0x1: {  	s0 =	rddreg [dreg:$0x0]  }
0x2: {  	s9 =	rddreg [dreg:$0x1];
	s1 =	srdreg.scid  }
0x3: {  	s12 =	rddreg [dreg:$0x2];
	s6 =	stileid.u32;
	s10 =	simm.s32 $0x0  }
0x4: {  	s22 =	simm.s32 $0x4080;
	[smem:$0x7FF] =	sst s10;
	s5 =	sadd.s32 $0xD200, s0  }
0x5: {  	s20 =	sadd.s32 $0xDA00, s0;
	_ =	strace $0x80000047;
	[dreg:$0x3] =	wrdreg s5  }
0x6: {  	s23 =	simm.s32 $0x4100;
	s24 =	simm.s32 $0x4180;
	[dreg:$0x4] =	wrdreg s20  }
0x7: {  	s25 =	simm.s32 $0x4200;
	s26 =	simm.s32 $0x4280;
	[dreg:$0x7] =	wrdreg s22  }
0x8: {  	s8 =	simm.s32 $0x4500;
	s13 =	simm.s32 $0x4580;
	[dreg:$0x8] =	wrdreg s23  }
0x9: {  	s14 =	simm.s32 $0x4600;
	s16 =	simm.s32 $0x4680;
	[dreg:$0x9] =	wrdreg s24  }
0xa: {  	s18 =	simm.s32 $0x4700;
	s19 =	simm.s32 $0x4780;
	[dreg:$0xa] =	wrdreg s25  }
0xb: {  	s31 =	simm.s32 $0x4000;
	s28 =	simm.s32 $0x5200;
	[dreg:$0xb] =	wrdreg s26  }
0xc: {  	s29 =	simm.s32 $0x5280;
	p0 =	por $0x0, $0x0;
	[dreg:$0x10] =	wrdreg s8  }
0xd: {  	s30 =	simm.s32 $0x5300;
	s4 =	smul.u32 $0x14000, s6;
	[dreg:$0x11] =	wrdreg s13  }
0xe: {  	s1 =	sand.u32 $0x1, s1;
	s11 =	smul.u32 $0x50000, s6;
	[dreg:$0x12] =	wrdreg s14  }
0xf: {  	s2 =	smul.u32 $0x140000, s1;
	s3 =	sshll.u32 s1, $0x4;
	[dreg:$0x13] =	wrdreg s16  }
0x10: {  	s1 =	ssub.s32 $0x2, s1;
	s5 =	simm.s32 $0x4480;
	[dreg:$0x14] =	wrdreg s18  }
0x11: {  	[dreg:$0x15] =	wrdreg s19;
	s20 =	simm.s32 $0x4800;
	s22 =	sshll.u32 s6, $0x6  }
0x12: {  	s23 =	simm.s32 $0x4900;
	s24 =	simm.s32 $0x4980;
	s25 =	simm.s32 $0x4A00  }
0x13: {  	s26 =	simm.s32 $0x4A80;
	s14 =	simm.s32 $0x4B80;
	[dreg:$0xf] =	wrdreg s5  }
0x14: {  	s16 =	simm.s32 $0x4C80;
	s18 =	simm.s32 $0x4D80;
	[dreg:$0x16] =	wrdreg s20  }
0x15: {  	s19 =	simm.s32 $0x4E00;
	s13 =	simm.s32 $0x5380;
	[dreg:$0x18] =	wrdreg s23  }
0x16: {  	s8 =	simm.s32 $0x1;
	s3 =	sor.u32 s6, s3;
	[dreg:$0x19] =	wrdreg s24  }
0x17: {  	s7 =	sshrl.u32 s1, $0x1;
	s15 =	sshrl.u32 s11, $0x2;
	[dreg:$0x1a] =	wrdreg s25  }
0x18: {  	s11 =	simm.s32 $0x80;
	[dreg:$0x1b] =	wrdreg s26;
	s20 =	simm.s32 $0x4E80  }
0x19: {  	s23 =	simm.s32 $0x5000;
	s24 =	simm.s32 $0x5080;
	s25 =	simm.s32 $0x5100  }
0x1a: {  	s26 =	simm.s32 $0x5180;
	s6 =	simm.s32 $0x3;
	s5 =	simm.s32 $0x4  }
0x1b: {  	s3 =	smul.u32 $0x1400, s3;
	s2 =	sadd.s32 s4, s2;
	s4 =	simm.s32 $0x4400  }
0x1c: {  	s1 =	ssub.s32 s1, s7;
	s17 =	sadd.s32 s15, s9;
	s15 =	simm.s32 $0x4C00  }
0x1d: {  	s7 =	simm.s32 $0x2;
	s2 =	sshrl.u32 s2, $0x3;
	[dreg:$0xe] =	wrdreg s4  }
0x1e: {  	s1 =	smax.u32 s1, $0x1;
	s4 =	sshrl.u32 s17, $0x3;
	s3 =	sshrl.u32 s3, $0x3  }
0x1f: {  	s3 =	sadd.s32 s0, s3;
	s0 =	sadd.s32 s2, s0;
	s2 =	simm.s32 $0x4300  }
0x20: {  	p1 =	sne.s32 s1, $0x1;
	s21 =	sadd.s32 $0x8200, s3;
	[dreg:$0xc] =	wrdreg s2  }
.Ltmp0:
0x21: {  	s0 =	sadd.s32 $0x10200, s0;
	[dreg:$0x5] =	wrdreg s21;
	(pc) =	sbr.rel @!p1 .LBB2_1-.Ltmp0, $4  }
0x22: {  	s17 =	simm.s32 $0x4D00;
	s3 =	simm.s32 $0x4380;
	[dreg:$0x6] =	wrdreg s0  }
0x23: {  	s2 =	simm.s32 $0x5;
	[dreg:$0xd] =	wrdreg s3;
	s21 =	simm.s32 $0x4880  }
0x24: {  	s3 =	sor.u32 $0x1C05, s22;
	s0 =	sadd.s32 $0xFFFFFFFF, s1;
	s1 =	rddreg [dreg:$0x3]  }
0x25: {  	s22 =	simm.s32 $0x4F80;
	[dreg:$0x17] =	wrdreg s21;
	s21 =	simm.s32 $0x4F00  }
0x26: {  	[tilespmem:s10], [sflag:$0x5] =	stream.linear.gather [hbm4b:s1+s10], $0x4000, $0x38;
	[tilespmem:$0x19400] =	vst v63  }
0x27: {  	_ =	swait.ge [sflag:s2], $0x4000  }
0x28: {  	[sflag:s2] =	ssyncset.done $0x0  }
0x29: {  	s12 =	rddreg [dreg:$0x5];
	[sflag:s2] =	ssyncadd.s32 $0xFFFFC000  }
0x2a: {  	[tilespmem:s31], [sflag:$0x5] =	stream.linear.gather [hbm4b:s12+s10], $0x1400, $0x38;
	[tilespmem:$0x19400] =	vst v63  }
0x2b: {  	_ =	swait.ge [sflag:s2], $0x1400  }
0x2c: {  	[sflag:s2] =	ssyncset.done $0x0  }
0x2d: {  	s12 =	rddreg [dreg:$0x4];
	[sflag:s2] =	ssyncadd.s32 $0xFFFFEC00  }
0x2e: {  	[spmem:s4], [sflag:s3] =	dma.local [hbm:s12], $0x2800  }
0x2f: {  	_ =	swait.ge [sflag:s2], $0x2800  }
0x30: {  	[sflag:s2] =	ssyncset.done $0x0  }
0x31: {  	[sflag:s2] =	ssyncadd.s32 $0xFFFFD800  }
0x32: {  	[bflag:$0x0] =	sbarrier.arrive $0xFFFF  }
0x33: {  	[spmem:s9] =	stream.indirect.scatter.add.f32 [tilespmem:s10], [sflag:$0x1], $0x80, s31, s11, $0xb8;
	[tilespmem:$0x19400] =	vst v63  }
0x34: {  	s1 =	rddreg [dreg:$0x7]  }
0x35: {  	[spmem:s9] =	stream.indirect.scatter.add.f32 [tilespmem:s10], [sflag:$0x2], $0x80, s1, s11, $0xb8;
	[tilespmem:$0x19400] =	vst v63  }
0x36: {  	s12 =	smov.u32 s0;
	s0 =	rddreg [dreg:$0x8]  }
0x37: {  	[spmem:s9] =	stream.indirect.scatter.add.f32 [tilespmem:s10], [sflag:$0x3], $0x80, s0, s11, $0xb8;
	[tilespmem:$0x19400] =	vst v63  }
0x38: {  	s1 =	rddreg [dreg:$0x9]  }
0x39: {  	[spmem:s9] =	stream.indirect.scatter.add.f32 [tilespmem:s10], [sflag:$0x4], $0x80, s1, s11, $0xb8;
	[tilespmem:$0x19400] =	vst v63  }
0x3a: {  	s0 =	rddreg [dreg:$0xa]  }
0x3b: {  	[spmem:s9] =	stream.indirect.scatter.add.f32 [tilespmem:s10], [sflag:$0x1], $0x80, s0, s11, $0xb8;
	[tilespmem:$0x19400] =	vst v63  }
0x3c: {  	s1 =	rddreg [dreg:$0xb]  }
0x3d: {  	[spmem:s9] =	stream.indirect.scatter.add.f32 [tilespmem:s10], [sflag:$0x2], $0x80, s1, s11, $0xb8;
	[tilespmem:$0x19400] =	vst v63  }
0x3e: {  	s0 =	rddreg [dreg:$0xc]  }
0x3f: {  	[spmem:s9] =	stream.indirect.scatter.add.f32 [tilespmem:s10], [sflag:$0x3], $0x80, s0, s11, $0xb8;
	[tilespmem:$0x19400] =	vst v63  }
0x40: {  	s1 =	rddreg [dreg:$0xd]  }
0x41: {  	[spmem:s9] =	stream.indirect.scatter.add.f32 [tilespmem:s10], [sflag:$0x4], $0x80, s1, s11, $0xb8;
	[tilespmem:$0x19400] =	vst v63  }
0x42: {  	s0 =	rddreg [dreg:$0xe]  }
0x43: {  	[spmem:s9] =	stream.indirect.scatter.add.f32 [tilespmem:s10], [sflag:$0x1], $0x80, s0, s11, $0xb8;
	[tilespmem:$0x19400] =	vst v63  }
0x44: {  	s1 =	rddreg [dreg:$0xf]  }
0x45: {  	[spmem:s9] =	stream.indirect.scatter.add.f32 [tilespmem:s10], [sflag:$0x2], $0x80, s1, s11, $0xb8;
	[tilespmem:$0x19400] =	vst v63  }
0x46: {  	s0 =	rddreg [dreg:$0x10]  }
0x47: {  	[spmem:s9] =	stream.indirect.scatter.add.f32 [tilespmem:s10], [sflag:$0x3], $0x80, s0, s11, $0xb8;
	[tilespmem:$0x19400] =	vst v63  }
0x48: {  	s1 =	rddreg [dreg:$0x11]  }
0x49: {  	[spmem:s9] =	stream.indirect.scatter.add.f32 [tilespmem:s10], [sflag:$0x4], $0x80, s1, s11, $0xb8;
	[tilespmem:$0x19400] =	vst v63  }
0x4a: {  	s0 =	rddreg [dreg:$0x12]  }
0x4b: {  	[spmem:s9] =	stream.indirect.scatter.add.f32 [tilespmem:s10], [sflag:$0x1], $0x80, s0, s11, $0xb8;
	[tilespmem:$0x19400] =	vst v63  }
0x4c: {  	s1 =	rddreg [dreg:$0x13]  }
0x4d: {  	[spmem:s9] =	stream.indirect.scatter.add.f32 [tilespmem:s10], [sflag:$0x2], $0x80, s1, s11, $0xb8;
	[tilespmem:$0x19400] =	vst v63  }
0x4e: {  	s0 =	rddreg [dreg:$0x14]  }
0x4f: {  	[spmem:s9] =	stream.indirect.scatter.add.f32 [tilespmem:s10], [sflag:$0x3], $0x80, s0, s11, $0xb8;
	[tilespmem:$0x19400] =	vst v63  }
0x50: {  	s1 =	rddreg [dreg:$0x15]  }
0x51: {  	[spmem:s9] =	stream.indirect.scatter.add.f32 [tilespmem:s10], [sflag:$0x4], $0x80, s1, s11, $0xb8;
	[tilespmem:$0x19400] =	vst v63  }
0x52: {  	s0 =	rddreg [dreg:$0x16]  }
0x53: {  	[spmem:s9] =	stream.indirect.scatter.add.f32 [tilespmem:s10], [sflag:$0x1], $0x80, s0, s11, $0xb8;
	[tilespmem:$0x19400] =	vst v63  }
0x54: {  	s1 =	rddreg [dreg:$0x17]  }
0x55: {  	[spmem:s9] =	stream.indirect.scatter.add.f32 [tilespmem:s10], [sflag:$0x2], $0x80, s1, s11, $0xb8;
	[tilespmem:$0x19400] =	vst v63  }
0x56: {  	s0 =	rddreg [dreg:$0x18]  }
0x57: {  	[spmem:s9] =	stream.indirect.scatter.add.f32 [tilespmem:s10], [sflag:$0x3], $0x80, s0, s11, $0xb8;
	[tilespmem:$0x19400] =	vst v63  }
0x58: {  	s1 =	rddreg [dreg:$0x19]  }
0x59: {  	[spmem:s9] =	stream.indirect.scatter.add.f32 [tilespmem:s10], [sflag:$0x4], $0x80, s1, s11, $0xb8;
	[tilespmem:$0x19400] =	vst v63  }
0x5a: {  	s0 =	rddreg [dreg:$0x1a]  }
0x5b: {  	[spmem:s9] =	stream.indirect.scatter.add.f32 [tilespmem:s10], [sflag:$0x1], $0x80, s0, s11, $0xb8;
	[tilespmem:$0x19400] =	vst v63  }
0x5c: {  	s1 =	rddreg [dreg:$0x1b]  }
0x5d: {  	[spmem:s9] =	stream.indirect.scatter.add.f32 [tilespmem:s10], [sflag:$0x2], $0x80, s1, s11, $0xb8;
	[tilespmem:$0x19400] =	vst v63  }
0x5e: {  	s1 =	simm.s32 $0x4B00  }
0x5f: {  	[spmem:s9] =	stream.indirect.scatter.add.f32 [tilespmem:s10], [sflag:$0x3], $0x80, s1, s11, $0xb8;
	[tilespmem:$0x19400] =	vst v63  }
0x60: {  	_ = 	snop  }
0x61: {  	[spmem:s9] =	stream.indirect.scatter.add.f32 [tilespmem:s10], [sflag:$0x4], $0x80, s14, s11, $0xb8;
	[tilespmem:$0x19400] =	vst v63  }
0x62: {  	_ = 	snop  }
0x63: {  	[spmem:s9] =	stream.indirect.scatter.add.f32 [tilespmem:s10], [sflag:$0x1], $0x80, s15, s11, $0xb8;
	[tilespmem:$0x19400] =	vst v63  }
0x64: {  	_ = 	snop  }
0x65: {  	[spmem:s9] =	stream.indirect.scatter.add.f32 [tilespmem:s10], [sflag:$0x2], $0x80, s16, s11, $0xb8;
	[tilespmem:$0x19400] =	vst v63  }
0x66: {  	_ = 	snop  }
0x67: {  	[spmem:s9] =	stream.indirect.scatter.add.f32 [tilespmem:s10], [sflag:$0x3], $0x80, s17, s11, $0xb8;
	[tilespmem:$0x19400] =	vst v63  }
0x68: {  	_ = 	snop  }
0x69: {  	[spmem:s9] =	stream.indirect.scatter.add.f32 [tilespmem:s10], [sflag:$0x4], $0x80, s18, s11, $0xb8;
	[tilespmem:$0x19400] =	vst v63  }
0x6a: {  	_ = 	snop  }
0x6b: {  	[spmem:s9] =	stream.indirect.scatter.add.f32 [tilespmem:s10], [sflag:$0x1], $0x80, s19, s11, $0xb8;
	[tilespmem:$0x19400] =	vst v63  }
0x6c: {  	_ = 	snop  }
0x6d: {  	[spmem:s9] =	stream.indirect.scatter.add.f32 [tilespmem:s10], [sflag:$0x2], $0x80, s20, s11, $0xb8;
	[tilespmem:$0x19400] =	vst v63  }
0x6e: {  	_ = 	snop  }
0x6f: {  	[spmem:s9] =	stream.indirect.scatter.add.f32 [tilespmem:s10], [sflag:$0x3], $0x80, s21, s11, $0xb8;
	[tilespmem:$0x19400] =	vst v63  }
0x70: {  	_ = 	snop  }
0x71: {  	[spmem:s9] =	stream.indirect.scatter.add.f32 [tilespmem:s10], [sflag:$0x4], $0x80, s22, s11, $0xb8;
	[tilespmem:$0x19400] =	vst v63  }
0x72: {  	_ = 	snop  }
0x73: {  	[spmem:s9] =	stream.indirect.scatter.add.f32 [tilespmem:s10], [sflag:$0x1], $0x80, s23, s11, $0xb8;
	[tilespmem:$0x19400] =	vst v63  }
0x74: {  	_ = 	snop  }
0x75: {  	[spmem:s9] =	stream.indirect.scatter.add.f32 [tilespmem:s10], [sflag:$0x2], $0x80, s24, s11, $0xb8;
	[tilespmem:$0x19400] =	vst v63  }
0x76: {  	_ = 	snop  }
0x77: {  	[spmem:s9] =	stream.indirect.scatter.add.f32 [tilespmem:s10], [sflag:$0x3], $0x80, s25, s11, $0xb8;
	[tilespmem:$0x19400] =	vst v63  }
0x78: {  	_ = 	snop  }
0x79: {  	[spmem:s9] =	stream.indirect.scatter.add.f32 [tilespmem:s10], [sflag:$0x4], $0x80, s26, s11, $0xb8;
	[tilespmem:$0x19400] =	vst v63  }
0x7a: {  	_ = 	snop  }
0x7b: {  	[spmem:s9] =	stream.indirect.scatter.add.f32 [tilespmem:s10], [sflag:$0x1], $0x80, s28, s11, $0xb8;
	[tilespmem:$0x19400] =	vst v63  }
0x7c: {  	_ = 	snop  }
0x7d: {  	[spmem:s9] =	stream.indirect.scatter.add.f32 [tilespmem:s10], [sflag:$0x2], $0x80, s29, s11, $0xb8;
	[tilespmem:$0x19400] =	vst v63  }
0x7e: {  	_ = 	snop  }
0x7f: {  	[spmem:s9] =	stream.indirect.scatter.add.f32 [tilespmem:s10], [sflag:$0x3], $0x80, s30, s11, $0xb8;
	[tilespmem:$0x19400] =	vst v63  }
0x80: {  	_ = 	snop  }
0x81: {  	[spmem:s9] =	stream.indirect.scatter.add.f32 [tilespmem:s10], [sflag:$0x4], $0x80, s13, s11, $0xb8;
	[tilespmem:$0x19400] =	vst v63  }
0x82: {  	_ =	swait.ge [sflag:s8], $0x4000  }
0x83: {  	[sflag:s8] =	ssyncset.done $0x0  }
0x84: {  	[sflag:s8] =	ssyncadd.s32 $0xFFFFC000  }
0x85: {  	_ =	swait.ge [sflag:s7], $0x4000  }
0x86: {  	[sflag:s7] =	ssyncset.done $0x0  }
0x87: {  	[sflag:s7] =	ssyncadd.s32 $0xFFFFC000  }
0x88: {  	_ =	swait.ge [sflag:s6], $0x4000  }
0x89: {  	[sflag:s6] =	ssyncset.done $0x0  }
0x8a: {  	[sflag:s6] =	ssyncadd.s32 $0xFFFFC000  }
0x8b: {  	_ =	swait.ge [sflag:s5], $0x4000  }
0x8c: {  	[sflag:s5] =	ssyncset.done $0x0  }
0x8d: {  	[sflag:s5] =	ssyncadd.s32 $0xFFFFC000  }
0x8e: {  	_ =	swait.ge [sflag:s8], $0x4000  }
0x8f: {  	[sflag:s8] =	ssyncset.done $0x0  }
0x90: {  	[sflag:s8] =	ssyncadd.s32 $0xFFFFC000  }
0x91: {  	_ =	swait.ge [sflag:s7], $0x4000  }
0x92: {  	[sflag:s7] =	ssyncset.done $0x0  }
0x93: {  	[sflag:s7] =	ssyncadd.s32 $0xFFFFC000  }
0x94: {  	_ =	swait.ge [sflag:s6], $0x4000  }
0x95: {  	[sflag:s6] =	ssyncset.done $0x0  }
0x96: {  	[sflag:s6] =	ssyncadd.s32 $0xFFFFC000  }
0x97: {  	_ =	swait.ge [sflag:s5], $0x4000  }
0x98: {  	[sflag:s5] =	ssyncset.done $0x0  }
0x99: {  	[sflag:s5] =	ssyncadd.s32 $0xFFFFC000  }
0x9a: {  	_ =	swait.ge [sflag:s8], $0x4000  }
0x9b: {  	[sflag:s8] =	ssyncset.done $0x0  }
0x9c: {  	[sflag:s8] =	ssyncadd.s32 $0xFFFFC000  }
0x9d: {  	_ =	swait.ge [sflag:s7], $0x4000  }
0x9e: {  	[sflag:s7] =	ssyncset.done $0x0  }
0x9f: {  	[sflag:s7] =	ssyncadd.s32 $0xFFFFC000  }
0xa0: {  	_ =	swait.ge [sflag:s6], $0x4000  }
0xa1: {  	[sflag:s6] =	ssyncset.done $0x0  }
0xa2: {  	[sflag:s6] =	ssyncadd.s32 $0xFFFFC000  }
0xa3: {  	_ =	swait.ge [sflag:s5], $0x4000  }
0xa4: {  	[sflag:s5] =	ssyncset.done $0x0  }
0xa5: {  	[sflag:s5] =	ssyncadd.s32 $0xFFFFC000  }
0xa6: {  	_ =	swait.ge [sflag:s8], $0x4000  }
0xa7: {  	[sflag:s8] =	ssyncset.done $0x0  }
0xa8: {  	[sflag:s8] =	ssyncadd.s32 $0xFFFFC000  }
0xa9: {  	_ =	swait.ge [sflag:s7], $0x4000  }
0xaa: {  	[sflag:s7] =	ssyncset.done $0x0  }
0xab: {  	[sflag:s7] =	ssyncadd.s32 $0xFFFFC000  }
0xac: {  	_ =	swait.ge [sflag:s6], $0x4000  }
0xad: {  	[sflag:s6] =	ssyncset.done $0x0  }
0xae: {  	[sflag:s6] =	ssyncadd.s32 $0xFFFFC000  }
0xaf: {  	_ =	swait.ge [sflag:s5], $0x4000  }
0xb0: {  	[sflag:s5] =	ssyncset.done $0x0  }
0xb1: {  	[sflag:s5] =	ssyncadd.s32 $0xFFFFC000  }
0xb2: {  	_ =	swait.ge [sflag:s8], $0x4000  }
0xb3: {  	[sflag:s8] =	ssyncset.done $0x0  }
0xb4: {  	[sflag:s8] =	ssyncadd.s32 $0xFFFFC000  }
0xb5: {  	_ =	swait.ge [sflag:s7], $0x4000  }
0xb6: {  	[sflag:s7] =	ssyncset.done $0x0  }
0xb7: {  	[sflag:s7] =	ssyncadd.s32 $0xFFFFC000  }
0xb8: {  	_ =	swait.ge [sflag:s6], $0x4000  }
0xb9: {  	[sflag:s6] =	ssyncset.done $0x0  }
0xba: {  	[sflag:s6] =	ssyncadd.s32 $0xFFFFC000  }
0xbb: {  	_ =	swait.ge [sflag:s5], $0x4000  }
0xbc: {  	[sflag:s5] =	ssyncset.done $0x0  }
0xbd: {  	[sflag:s5] =	ssyncadd.s32 $0xFFFFC000  }
0xbe: {  	_ =	swait.ge [sflag:s8], $0x4000  }
0xbf: {  	[sflag:s8] =	ssyncset.done $0x0  }
0xc0: {  	[sflag:s8] =	ssyncadd.s32 $0xFFFFC000  }
0xc1: {  	_ =	swait.ge [sflag:s7], $0x4000  }
0xc2: {  	[sflag:s7] =	ssyncset.done $0x0  }
0xc3: {  	[sflag:s7] =	ssyncadd.s32 $0xFFFFC000  }
0xc4: {  	_ =	swait.ge [sflag:s6], $0x4000  }
0xc5: {  	[sflag:s6] =	ssyncset.done $0x0  }
0xc6: {  	[sflag:s6] =	ssyncadd.s32 $0xFFFFC000  }
0xc7: {  	_ =	swait.ge [sflag:s5], $0x4000  }
0xc8: {  	[sflag:s5] =	ssyncset.done $0x0  }
0xc9: {  	[sflag:s5] =	ssyncadd.s32 $0xFFFFC000  }
0xca: {  	_ =	swait.ge [sflag:s8], $0x4000  }
0xcb: {  	[sflag:s8] =	ssyncset.done $0x0  }
0xcc: {  	[sflag:s8] =	ssyncadd.s32 $0xFFFFC000  }
0xcd: {  	_ =	swait.ge [sflag:s7], $0x4000  }
0xce: {  	[sflag:s7] =	ssyncset.done $0x0  }
0xcf: {  	[sflag:s7] =	ssyncadd.s32 $0xFFFFC000  }
0xd0: {  	_ =	swait.ge [sflag:s6], $0x4000  }
0xd1: {  	[sflag:s6] =	ssyncset.done $0x0  }
0xd2: {  	[sflag:s6] =	ssyncadd.s32 $0xFFFFC000  }
0xd3: {  	_ =	swait.ge [sflag:s5], $0x4000  }
0xd4: {  	[sflag:s5] =	ssyncset.done $0x0  }
0xd5: {  	[sflag:s5] =	ssyncadd.s32 $0xFFFFC000  }
0xd6: {  	_ =	swait.ge [sflag:s8], $0x4000  }
0xd7: {  	[sflag:s8] =	ssyncset.done $0x0  }
0xd8: {  	[sflag:s8] =	ssyncadd.s32 $0xFFFFC000  }
0xd9: {  	_ =	swait.ge [sflag:s7], $0x4000  }
0xda: {  	[sflag:s7] =	ssyncset.done $0x0  }
0xdb: {  	[sflag:s7] =	ssyncadd.s32 $0xFFFFC000  }
0xdc: {  	_ =	swait.ge [sflag:s6], $0x4000  }
0xdd: {  	[sflag:s6] =	ssyncset.done $0x0  }
0xde: {  	[sflag:s6] =	ssyncadd.s32 $0xFFFFC000  }
0xdf: {  	_ =	swait.ge [sflag:s5], $0x4000  }
0xe0: {  	[sflag:s5] =	ssyncset.done $0x0  }
0xe1: {  	[sflag:s5] =	ssyncadd.s32 $0xFFFFC000  }
0xe2: {  	_ =	swait.ge [sflag:s8], $0x4000  }
0xe3: {  	[sflag:s8] =	ssyncset.done $0x0  }
0xe4: {  	[sflag:s8] =	ssyncadd.s32 $0xFFFFC000  }
0xe5: {  	_ =	swait.ge [sflag:s7], $0x4000  }
0xe6: {  	[sflag:s7] =	ssyncset.done $0x0  }
0xe7: {  	[sflag:s7] =	ssyncadd.s32 $0xFFFFC000  }
0xe8: {  	_ =	swait.ge [sflag:s6], $0x4000  }
0xe9: {  	[sflag:s6] =	ssyncset.done $0x0  }
0xea: {  	[sflag:s6] =	ssyncadd.s32 $0xFFFFC000  }
0xeb: {  	_ =	swait.ge [sflag:s5], $0x4000  }
0xec: {  	[sflag:s5] =	ssyncset.done $0x0  }
0xed: {  	[sflag:s5] =	ssyncadd.s32 $0xFFFFC000  }
0xee: {  	_ =	swait.ge [sflag:s8], $0x4000  }
0xef: {  	[sflag:s8] =	ssyncset.done $0x0  }
0xf0: {  	[sflag:s8] =	ssyncadd.s32 $0xFFFFC000  }
0xf1: {  	_ =	swait.ge [sflag:s7], $0x4000  }
0xf2: {  	[sflag:s7] =	ssyncset.done $0x0  }
0xf3: {  	[sflag:s7] =	ssyncadd.s32 $0xFFFFC000  }
0xf4: {  	_ =	swait.ge [sflag:s6], $0x4000  }
0xf5: {  	[sflag:s6] =	ssyncset.done $0x0  }
0xf6: {  	[sflag:s6] =	ssyncadd.s32 $0xFFFFC000  }
0xf7: {  	_ =	swait.ge [sflag:s5], $0x4000  }
0xf8: {  	[sflag:s5] =	ssyncset.done $0x0  }
0xf9: {  	p1 =	sne.s32 s12, $0x1;
	[sflag:s5] =	ssyncadd.s32 $0xFFFFC000  }
.Ltmp1:
0xfa: {  	[bflag:$0x0] =	sbarrier.arrive $0xFFFF;
	(pc) =	sbr.rel @!p1 .LBB2_3-.Ltmp1, $4  }
0xfb: {  	s1 =	rddreg [dreg:$0x6]  }
0xfc: {  	[hbm:s1], [sflag:s3] =	dma.local [spmem:s4], $0x2800  }
0xfd: {  	p0 =	por $0x1, $0x1;
	_ =	swait.ge [sflag:s2], $0x2800  }
0xfe: {  	s0 =	sadd.s32 $0xFFFFFFFF, s12;
	s1 =	rddreg [dreg:$0x3];
	[sflag:s2] =	ssyncset.done $0x0  }
.LBB2_4:
0xff: {  	[sflag:s2] =	ssyncadd.s32 $0xFFFFD800  }
0x100: {  	[tilespmem:s10], [sflag:$0x5] =	stream.linear.gather [hbm4b:s1+s10], $0x4000, $0x38;
	[tilespmem:$0x19400] =	vst v63  }
0x101: {  	_ =	swait.ge [sflag:s2], $0x4000  }
0x102: {  	[sflag:s2] =	ssyncset.done $0x0  }
0x103: {  	s12 =	rddreg [dreg:$0x5];
	[sflag:s2] =	ssyncadd.s32 $0xFFFFC000  }
0x104: {  	[tilespmem:s31], [sflag:$0x5] =	stream.linear.gather [hbm4b:s12+s10], $0x1400, $0x38;
	[tilespmem:$0x19400] =	vst v63  }
0x105: {  	_ =	swait.ge [sflag:s2], $0x1400  }
0x106: {  	[sflag:s2] =	ssyncset.done $0x0  }
0x107: {  	s12 =	rddreg [dreg:$0x4];
	[sflag:s2] =	ssyncadd.s32 $0xFFFFEC00  }
0x108: {  	[spmem:s4], [sflag:s3] =	dma.local [hbm:s12], $0x2800  }
0x109: {  	_ =	swait.ge [sflag:s2], $0x2800  }
0x10a: {  	[sflag:s2] =	ssyncset.done $0x0  }
0x10b: {  	[sflag:s2] =	ssyncadd.s32 $0xFFFFD800  }
0x10c: {  	[bflag:$0x0] =	sbarrier.arrive $0xFFFF  }
0x10d: {  	[spmem:s9] =	stream.indirect.scatter.add.f32 [tilespmem:s10], [sflag:$0x1], $0x80, s31, s11, $0xb8;
	[tilespmem:$0x19400] =	vst v63  }
0x10e: {  	s1 =	rddreg [dreg:$0x7]  }
0x10f: {  	[spmem:s9] =	stream.indirect.scatter.add.f32 [tilespmem:s10], [sflag:$0x2], $0x80, s1, s11, $0xb8;
	[tilespmem:$0x19400] =	vst v63  }
0x110: {  	s12 =	rddreg [dreg:$0x8]  }
0x111: {  	[spmem:s9] =	stream.indirect.scatter.add.f32 [tilespmem:s10], [sflag:$0x3], $0x80, s12, s11, $0xb8;
	[tilespmem:$0x19400] =	vst v63  }
0x112: {  	s1 =	rddreg [dreg:$0x9]  }
0x113: {  	[spmem:s9] =	stream.indirect.scatter.add.f32 [tilespmem:s10], [sflag:$0x4], $0x80, s1, s11, $0xb8;
	[tilespmem:$0x19400] =	vst v63  }
0x114: {  	s12 =	rddreg [dreg:$0xa]  }
0x115: {  	[spmem:s9] =	stream.indirect.scatter.add.f32 [tilespmem:s10], [sflag:$0x1], $0x80, s12, s11, $0xb8;
	[tilespmem:$0x19400] =	vst v63  }
0x116: {  	s1 =	rddreg [dreg:$0xb]  }
0x117: {  	[spmem:s9] =	stream.indirect.scatter.add.f32 [tilespmem:s10], [sflag:$0x2], $0x80, s1, s11, $0xb8;
	[tilespmem:$0x19400] =	vst v63  }
0x118: {  	s12 =	rddreg [dreg:$0xc]  }
0x119: {  	[spmem:s9] =	stream.indirect.scatter.add.f32 [tilespmem:s10], [sflag:$0x3], $0x80, s12, s11, $0xb8;
	[tilespmem:$0x19400] =	vst v63  }
0x11a: {  	s1 =	rddreg [dreg:$0xd]  }
0x11b: {  	[spmem:s9] =	stream.indirect.scatter.add.f32 [tilespmem:s10], [sflag:$0x4], $0x80, s1, s11, $0xb8;
	[tilespmem:$0x19400] =	vst v63  }
0x11c: {  	s12 =	rddreg [dreg:$0xe]  }
0x11d: {  	[spmem:s9] =	stream.indirect.scatter.add.f32 [tilespmem:s10], [sflag:$0x1], $0x80, s12, s11, $0xb8;
	[tilespmem:$0x19400] =	vst v63  }
0x11e: {  	s1 =	rddreg [dreg:$0xf]  }
0x11f: {  	[spmem:s9] =	stream.indirect.scatter.add.f32 [tilespmem:s10], [sflag:$0x2], $0x80, s1, s11, $0xb8;
	[tilespmem:$0x19400] =	vst v63  }
0x120: {  	s12 =	rddreg [dreg:$0x10]  }
0x121: {  	[spmem:s9] =	stream.indirect.scatter.add.f32 [tilespmem:s10], [sflag:$0x3], $0x80, s12, s11, $0xb8;
	[tilespmem:$0x19400] =	vst v63  }
0x122: {  	s1 =	rddreg [dreg:$0x11]  }
0x123: {  	[spmem:s9] =	stream.indirect.scatter.add.f32 [tilespmem:s10], [sflag:$0x4], $0x80, s1, s11, $0xb8;
	[tilespmem:$0x19400] =	vst v63  }
0x124: {  	s12 =	rddreg [dreg:$0x12]  }
0x125: {  	[spmem:s9] =	stream.indirect.scatter.add.f32 [tilespmem:s10], [sflag:$0x1], $0x80, s12, s11, $0xb8;
	[tilespmem:$0x19400] =	vst v63  }
0x126: {  	s1 =	rddreg [dreg:$0x13]  }
0x127: {  	[spmem:s9] =	stream.indirect.scatter.add.f32 [tilespmem:s10], [sflag:$0x2], $0x80, s1, s11, $0xb8;
	[tilespmem:$0x19400] =	vst v63  }
0x128: {  	s12 =	rddreg [dreg:$0x14]  }
0x129: {  	[spmem:s9] =	stream.indirect.scatter.add.f32 [tilespmem:s10], [sflag:$0x3], $0x80, s12, s11, $0xb8;
	[tilespmem:$0x19400] =	vst v63  }
0x12a: {  	s1 =	rddreg [dreg:$0x15]  }
0x12b: {  	[spmem:s9] =	stream.indirect.scatter.add.f32 [tilespmem:s10], [sflag:$0x4], $0x80, s1, s11, $0xb8;
	[tilespmem:$0x19400] =	vst v63  }
0x12c: {  	s12 =	rddreg [dreg:$0x16]  }
0x12d: {  	[spmem:s9] =	stream.indirect.scatter.add.f32 [tilespmem:s10], [sflag:$0x1], $0x80, s12, s11, $0xb8;
	[tilespmem:$0x19400] =	vst v63  }
0x12e: {  	s1 =	rddreg [dreg:$0x17]  }
0x12f: {  	[spmem:s9] =	stream.indirect.scatter.add.f32 [tilespmem:s10], [sflag:$0x2], $0x80, s1, s11, $0xb8;
	[tilespmem:$0x19400] =	vst v63  }
0x130: {  	s12 =	rddreg [dreg:$0x18]  }
0x131: {  	[spmem:s9] =	stream.indirect.scatter.add.f32 [tilespmem:s10], [sflag:$0x3], $0x80, s12, s11, $0xb8;
	[tilespmem:$0x19400] =	vst v63  }
0x132: {  	s1 =	rddreg [dreg:$0x19]  }
0x133: {  	[spmem:s9] =	stream.indirect.scatter.add.f32 [tilespmem:s10], [sflag:$0x4], $0x80, s1, s11, $0xb8;
	[tilespmem:$0x19400] =	vst v63  }
0x134: {  	s12 =	rddreg [dreg:$0x1a]  }
0x135: {  	[spmem:s9] =	stream.indirect.scatter.add.f32 [tilespmem:s10], [sflag:$0x1], $0x80, s12, s11, $0xb8;
	[tilespmem:$0x19400] =	vst v63  }
0x136: {  	s1 =	rddreg [dreg:$0x1b]  }
0x137: {  	[spmem:s9] =	stream.indirect.scatter.add.f32 [tilespmem:s10], [sflag:$0x2], $0x80, s1, s11, $0xb8;
	[tilespmem:$0x19400] =	vst v63  }
0x138: {  	s12 =	simm.s32 $0x4B00  }
0x139: {  	[spmem:s9] =	stream.indirect.scatter.add.f32 [tilespmem:s10], [sflag:$0x3], $0x80, s12, s11, $0xb8;
	[tilespmem:$0x19400] =	vst v63  }
0x13a: {  	_ = 	snop  }
0x13b: {  	[spmem:s9] =	stream.indirect.scatter.add.f32 [tilespmem:s10], [sflag:$0x4], $0x80, s14, s11, $0xb8;
	[tilespmem:$0x19400] =	vst v63  }
0x13c: {  	_ = 	snop  }
0x13d: {  	[spmem:s9] =	stream.indirect.scatter.add.f32 [tilespmem:s10], [sflag:$0x1], $0x80, s15, s11, $0xb8;
	[tilespmem:$0x19400] =	vst v63  }
0x13e: {  	_ = 	snop  }
0x13f: {  	[spmem:s9] =	stream.indirect.scatter.add.f32 [tilespmem:s10], [sflag:$0x2], $0x80, s16, s11, $0xb8;
	[tilespmem:$0x19400] =	vst v63  }
0x140: {  	_ = 	snop  }
0x141: {  	[spmem:s9] =	stream.indirect.scatter.add.f32 [tilespmem:s10], [sflag:$0x3], $0x80, s17, s11, $0xb8;
	[tilespmem:$0x19400] =	vst v63  }
0x142: {  	_ = 	snop  }
0x143: {  	[spmem:s9] =	stream.indirect.scatter.add.f32 [tilespmem:s10], [sflag:$0x4], $0x80, s18, s11, $0xb8;
	[tilespmem:$0x19400] =	vst v63  }
0x144: {  	_ = 	snop  }
0x145: {  	[spmem:s9] =	stream.indirect.scatter.add.f32 [tilespmem:s10], [sflag:$0x1], $0x80, s19, s11, $0xb8;
	[tilespmem:$0x19400] =	vst v63  }
0x146: {  	_ = 	snop  }
0x147: {  	[spmem:s9] =	stream.indirect.scatter.add.f32 [tilespmem:s10], [sflag:$0x2], $0x80, s20, s11, $0xb8;
	[tilespmem:$0x19400] =	vst v63  }
0x148: {  	_ = 	snop  }
0x149: {  	[spmem:s9] =	stream.indirect.scatter.add.f32 [tilespmem:s10], [sflag:$0x3], $0x80, s21, s11, $0xb8;
	[tilespmem:$0x19400] =	vst v63  }
0x14a: {  	_ = 	snop  }
0x14b: {  	[spmem:s9] =	stream.indirect.scatter.add.f32 [tilespmem:s10], [sflag:$0x4], $0x80, s22, s11, $0xb8;
	[tilespmem:$0x19400] =	vst v63  }
0x14c: {  	_ = 	snop  }
0x14d: {  	[spmem:s9] =	stream.indirect.scatter.add.f32 [tilespmem:s10], [sflag:$0x1], $0x80, s23, s11, $0xb8;
	[tilespmem:$0x19400] =	vst v63  }
0x14e: {  	_ = 	snop  }
0x14f: {  	[spmem:s9] =	stream.indirect.scatter.add.f32 [tilespmem:s10], [sflag:$0x2], $0x80, s24, s11, $0xb8;
	[tilespmem:$0x19400] =	vst v63  }
0x150: {  	_ = 	snop  }
0x151: {  	[spmem:s9] =	stream.indirect.scatter.add.f32 [tilespmem:s10], [sflag:$0x3], $0x80, s25, s11, $0xb8;
	[tilespmem:$0x19400] =	vst v63  }
0x152: {  	_ = 	snop  }
0x153: {  	[spmem:s9] =	stream.indirect.scatter.add.f32 [tilespmem:s10], [sflag:$0x4], $0x80, s26, s11, $0xb8;
	[tilespmem:$0x19400] =	vst v63  }
0x154: {  	_ = 	snop  }
0x155: {  	[spmem:s9] =	stream.indirect.scatter.add.f32 [tilespmem:s10], [sflag:$0x1], $0x80, s28, s11, $0xb8;
	[tilespmem:$0x19400] =	vst v63  }
0x156: {  	_ = 	snop  }
0x157: {  	[spmem:s9] =	stream.indirect.scatter.add.f32 [tilespmem:s10], [sflag:$0x2], $0x80, s29, s11, $0xb8;
	[tilespmem:$0x19400] =	vst v63  }
0x158: {  	_ = 	snop  }
0x159: {  	[spmem:s9] =	stream.indirect.scatter.add.f32 [tilespmem:s10], [sflag:$0x3], $0x80, s30, s11, $0xb8;
	[tilespmem:$0x19400] =	vst v63  }
0x15a: {  	_ = 	snop  }
0x15b: {  	[spmem:s9] =	stream.indirect.scatter.add.f32 [tilespmem:s10], [sflag:$0x4], $0x80, s13, s11, $0xb8;
	[tilespmem:$0x19400] =	vst v63  }
0x15c: {  	_ =	swait.ge [sflag:s8], $0x4000  }
0x15d: {  	[sflag:s8] =	ssyncset.done $0x0  }
0x15e: {  	[sflag:s8] =	ssyncadd.s32 $0xFFFFC000  }
0x15f: {  	_ =	swait.ge [sflag:s7], $0x4000  }
0x160: {  	[sflag:s7] =	ssyncset.done $0x0  }
0x161: {  	[sflag:s7] =	ssyncadd.s32 $0xFFFFC000  }
0x162: {  	_ =	swait.ge [sflag:s6], $0x4000  }
0x163: {  	[sflag:s6] =	ssyncset.done $0x0  }
0x164: {  	[sflag:s6] =	ssyncadd.s32 $0xFFFFC000  }
0x165: {  	_ =	swait.ge [sflag:s5], $0x4000  }
0x166: {  	[sflag:s5] =	ssyncset.done $0x0  }
0x167: {  	[sflag:s5] =	ssyncadd.s32 $0xFFFFC000  }
0x168: {  	_ =	swait.ge [sflag:s8], $0x4000  }
0x169: {  	[sflag:s8] =	ssyncset.done $0x0  }
0x16a: {  	[sflag:s8] =	ssyncadd.s32 $0xFFFFC000  }
0x16b: {  	_ =	swait.ge [sflag:s7], $0x4000  }
0x16c: {  	[sflag:s7] =	ssyncset.done $0x0  }
0x16d: {  	[sflag:s7] =	ssyncadd.s32 $0xFFFFC000  }
0x16e: {  	_ =	swait.ge [sflag:s6], $0x4000  }
0x16f: {  	[sflag:s6] =	ssyncset.done $0x0  }
0x170: {  	[sflag:s6] =	ssyncadd.s32 $0xFFFFC000  }
0x171: {  	_ =	swait.ge [sflag:s5], $0x4000  }
0x172: {  	[sflag:s5] =	ssyncset.done $0x0  }
0x173: {  	[sflag:s5] =	ssyncadd.s32 $0xFFFFC000  }
0x174: {  	_ =	swait.ge [sflag:s8], $0x4000  }
0x175: {  	[sflag:s8] =	ssyncset.done $0x0  }
0x176: {  	[sflag:s8] =	ssyncadd.s32 $0xFFFFC000  }
0x177: {  	_ =	swait.ge [sflag:s7], $0x4000  }
0x178: {  	[sflag:s7] =	ssyncset.done $0x0  }
0x179: {  	[sflag:s7] =	ssyncadd.s32 $0xFFFFC000  }
0x17a: {  	_ =	swait.ge [sflag:s6], $0x4000  }
0x17b: {  	[sflag:s6] =	ssyncset.done $0x0  }
0x17c: {  	[sflag:s6] =	ssyncadd.s32 $0xFFFFC000  }
0x17d: {  	_ =	swait.ge [sflag:s5], $0x4000  }
0x17e: {  	[sflag:s5] =	ssyncset.done $0x0  }
0x17f: {  	[sflag:s5] =	ssyncadd.s32 $0xFFFFC000  }
0x180: {  	_ =	swait.ge [sflag:s8], $0x4000  }
0x181: {  	[sflag:s8] =	ssyncset.done $0x0  }
0x182: {  	[sflag:s8] =	ssyncadd.s32 $0xFFFFC000  }
0x183: {  	_ =	swait.ge [sflag:s7], $0x4000  }
0x184: {  	[sflag:s7] =	ssyncset.done $0x0  }
0x185: {  	[sflag:s7] =	ssyncadd.s32 $0xFFFFC000  }
0x186: {  	_ =	swait.ge [sflag:s6], $0x4000  }
0x187: {  	[sflag:s6] =	ssyncset.done $0x0  }
0x188: {  	[sflag:s6] =	ssyncadd.s32 $0xFFFFC000  }
0x189: {  	_ =	swait.ge [sflag:s5], $0x4000  }
0x18a: {  	[sflag:s5] =	ssyncset.done $0x0  }
0x18b: {  	[sflag:s5] =	ssyncadd.s32 $0xFFFFC000  }
0x18c: {  	_ =	swait.ge [sflag:s8], $0x4000  }
0x18d: {  	[sflag:s8] =	ssyncset.done $0x0  }
0x18e: {  	[sflag:s8] =	ssyncadd.s32 $0xFFFFC000  }
0x18f: {  	_ =	swait.ge [sflag:s7], $0x4000  }
0x190: {  	[sflag:s7] =	ssyncset.done $0x0  }
0x191: {  	[sflag:s7] =	ssyncadd.s32 $0xFFFFC000  }
0x192: {  	_ =	swait.ge [sflag:s6], $0x4000  }
0x193: {  	[sflag:s6] =	ssyncset.done $0x0  }
0x194: {  	[sflag:s6] =	ssyncadd.s32 $0xFFFFC000  }
0x195: {  	_ =	swait.ge [sflag:s5], $0x4000  }
0x196: {  	[sflag:s5] =	ssyncset.done $0x0  }
0x197: {  	[sflag:s5] =	ssyncadd.s32 $0xFFFFC000  }
0x198: {  	_ =	swait.ge [sflag:s8], $0x4000  }
0x199: {  	[sflag:s8] =	ssyncset.done $0x0  }
0x19a: {  	[sflag:s8] =	ssyncadd.s32 $0xFFFFC000  }
0x19b: {  	_ =	swait.ge [sflag:s7], $0x4000  }
0x19c: {  	[sflag:s7] =	ssyncset.done $0x0  }
0x19d: {  	[sflag:s7] =	ssyncadd.s32 $0xFFFFC000  }
0x19e: {  	_ =	swait.ge [sflag:s6], $0x4000  }
0x19f: {  	[sflag:s6] =	ssyncset.done $0x0  }
0x1a0: {  	[sflag:s6] =	ssyncadd.s32 $0xFFFFC000  }
0x1a1: {  	_ =	swait.ge [sflag:s5], $0x4000  }
0x1a2: {  	[sflag:s5] =	ssyncset.done $0x0  }
0x1a3: {  	[sflag:s5] =	ssyncadd.s32 $0xFFFFC000  }
0x1a4: {  	_ =	swait.ge [sflag:s8], $0x4000  }
0x1a5: {  	[sflag:s8] =	ssyncset.done $0x0  }
0x1a6: {  	[sflag:s8] =	ssyncadd.s32 $0xFFFFC000  }
0x1a7: {  	_ =	swait.ge [sflag:s7], $0x4000  }
0x1a8: {  	[sflag:s7] =	ssyncset.done $0x0  }
0x1a9: {  	[sflag:s7] =	ssyncadd.s32 $0xFFFFC000  }
0x1aa: {  	_ =	swait.ge [sflag:s6], $0x4000  }
0x1ab: {  	[sflag:s6] =	ssyncset.done $0x0  }
0x1ac: {  	[sflag:s6] =	ssyncadd.s32 $0xFFFFC000  }
0x1ad: {  	_ =	swait.ge [sflag:s5], $0x4000  }
0x1ae: {  	[sflag:s5] =	ssyncset.done $0x0  }
0x1af: {  	[sflag:s5] =	ssyncadd.s32 $0xFFFFC000  }
0x1b0: {  	_ =	swait.ge [sflag:s8], $0x4000  }
0x1b1: {  	[sflag:s8] =	ssyncset.done $0x0  }
0x1b2: {  	[sflag:s8] =	ssyncadd.s32 $0xFFFFC000  }
0x1b3: {  	_ =	swait.ge [sflag:s7], $0x4000  }
0x1b4: {  	[sflag:s7] =	ssyncset.done $0x0  }
0x1b5: {  	[sflag:s7] =	ssyncadd.s32 $0xFFFFC000  }
0x1b6: {  	_ =	swait.ge [sflag:s6], $0x4000  }
0x1b7: {  	[sflag:s6] =	ssyncset.done $0x0  }
0x1b8: {  	[sflag:s6] =	ssyncadd.s32 $0xFFFFC000  }
0x1b9: {  	_ =	swait.ge [sflag:s5], $0x4000  }
0x1ba: {  	[sflag:s5] =	ssyncset.done $0x0  }
0x1bb: {  	[sflag:s5] =	ssyncadd.s32 $0xFFFFC000  }
0x1bc: {  	_ =	swait.ge [sflag:s8], $0x4000  }
0x1bd: {  	[sflag:s8] =	ssyncset.done $0x0  }
0x1be: {  	[sflag:s8] =	ssyncadd.s32 $0xFFFFC000  }
0x1bf: {  	_ =	swait.ge [sflag:s7], $0x4000  }
0x1c0: {  	[sflag:s7] =	ssyncset.done $0x0  }
0x1c1: {  	[sflag:s7] =	ssyncadd.s32 $0xFFFFC000  }
0x1c2: {  	_ =	swait.ge [sflag:s6], $0x4000  }
0x1c3: {  	[sflag:s6] =	ssyncset.done $0x0  }
0x1c4: {  	[sflag:s6] =	ssyncadd.s32 $0xFFFFC000  }
0x1c5: {  	_ =	swait.ge [sflag:s5], $0x4000  }
0x1c6: {  	[sflag:s5] =	ssyncset.done $0x0  }
0x1c7: {  	[sflag:s5] =	ssyncadd.s32 $0xFFFFC000  }
0x1c8: {  	_ =	swait.ge [sflag:s8], $0x4000  }
0x1c9: {  	[sflag:s8] =	ssyncset.done $0x0  }
0x1ca: {  	[sflag:s8] =	ssyncadd.s32 $0xFFFFC000  }
0x1cb: {  	_ =	swait.ge [sflag:s7], $0x4000  }
0x1cc: {  	[sflag:s7] =	ssyncset.done $0x0  }
0x1cd: {  	[sflag:s7] =	ssyncadd.s32 $0xFFFFC000  }
0x1ce: {  	_ =	swait.ge [sflag:s6], $0x4000  }
0x1cf: {  	[sflag:s6] =	ssyncset.done $0x0  }
0x1d0: {  	[sflag:s6] =	ssyncadd.s32 $0xFFFFC000  }
0x1d1: {  	_ =	swait.ge [sflag:s5], $0x4000  }
0x1d2: {  	[sflag:s5] =	ssyncset.done $0x0  }
0x1d3: {  	p1 =	sne.s32 s0, $0x1;
	[sflag:s5] =	ssyncadd.s32 $0xFFFFC000  }
.Ltmp2:
0x1d4: {  	[bflag:$0x0] =	sbarrier.arrive $0xFFFF;
	(pc) =	sbr.rel @p1 .LBB2_4-.Ltmp2, $4  }
0x1d5: {  	s12 =	rddreg [dreg:$0x6]  }
0x1d6: {  	[hbm:s12], [sflag:s3] =	dma.local [spmem:s4], $0x2800  }
0x1d7: {  	_ =	swait.ge [sflag:s2], $0x2800  }
0x1d8: {  	s0 =	sadd.s32 $0xFFFFFFFF, s0;
	s1 =	rddreg [dreg:$0x3];
	[sflag:s2] =	ssyncset.done $0x0  }
0x1d9: {  	s30 =	simm.s32 $0x5300;
	s29 =	simm.s32 $0x5280;
	s28 =	simm.s32 $0x5200  }
0x1da: {  	s26 =	simm.s32 $0x5180;
	s25 =	simm.s32 $0x5100;
	s24 =	simm.s32 $0x5080  }
0x1db: {  	s23 =	simm.s32 $0x5000;
	s22 =	simm.s32 $0x4F80;
	s21 =	simm.s32 $0x4F00  }
0x1dc: {  	s20 =	simm.s32 $0x4E80;
	s19 =	simm.s32 $0x4E00;
	s18 =	simm.s32 $0x4D80  }
0x1dd: {  	s17 =	simm.s32 $0x4D00;
	s16 =	simm.s32 $0x4C80;
	s15 =	simm.s32 $0x4C00  }
0x1de: {  	s14 =	simm.s32 $0x4B80;
	s13 =	simm.s32 $0x4B00;
	s12 =	rddreg [dreg:$0x2]  }
.LBB2_6:
0x1df: {  	[sflag:s2] =	ssyncadd.s32 @p0 $0xFFFFD800  }
0x1e0: {  	[tilespmem:s10], [sflag:$0x5] =	stream.linear.gather [hbm4b:s1+s10], $0x4000, $0x38;
	[tilespmem:$0x19400] =	vst v63  }
0x1e1: {  	_ =	swait.ge [sflag:s2], $0x4000  }
0x1e2: {  	[sflag:s2] =	ssyncset.done $0x0  }
0x1e3: {  	s0 =	rddreg [dreg:$0x5];
	[sflag:s2] =	ssyncadd.s32 $0xFFFFC000  }
0x1e4: {  	[tilespmem:s31], [sflag:$0x5] =	stream.linear.gather [hbm4b:s0+s10], $0x1400, $0x38;
	[tilespmem:$0x19400] =	vst v63  }
0x1e5: {  	_ =	swait.ge [sflag:s2], $0x1400  }
0x1e6: {  	[sflag:s2] =	ssyncset.done $0x0  }
0x1e7: {  	s1 =	rddreg [dreg:$0x4];
	[sflag:s2] =	ssyncadd.s32 $0xFFFFEC00  }
0x1e8: {  	[spmem:s4], [sflag:s3] =	dma.local [hbm:s1], $0x2800  }
0x1e9: {  	_ =	swait.ge [sflag:s2], $0x2800  }
0x1ea: {  	[sflag:s2] =	ssyncset.done $0x0  }
0x1eb: {  	[sflag:s2] =	ssyncadd.s32 $0xFFFFD800  }
0x1ec: {  	[bflag:$0x0] =	sbarrier.arrive $0xFFFF  }
0x1ed: {  	[spmem:s9] =	stream.indirect.scatter.add.f32 [tilespmem:s10], [sflag:$0x1], $0x80, s31, s11, $0xb8;
	[tilespmem:$0x19400] =	vst v63  }
0x1ee: {  	s0 =	rddreg [dreg:$0x7]  }
0x1ef: {  	[spmem:s9] =	stream.indirect.scatter.add.f32 [tilespmem:s10], [sflag:$0x2], $0x80, s0, s11, $0xb8;
	[tilespmem:$0x19400] =	vst v63  }
0x1f0: {  	s1 =	rddreg [dreg:$0x8]  }
0x1f1: {  	[spmem:s9] =	stream.indirect.scatter.add.f32 [tilespmem:s10], [sflag:$0x3], $0x80, s1, s11, $0xb8;
	[tilespmem:$0x19400] =	vst v63  }
0x1f2: {  	s31 =	rddreg [dreg:$0x9]  }
0x1f3: {  	[spmem:s9] =	stream.indirect.scatter.add.f32 [tilespmem:s10], [sflag:$0x4], $0x80, s31, s11, $0xb8;
	[tilespmem:$0x19400] =	vst v63  }
0x1f4: {  	s1 =	rddreg [dreg:$0xa]  }
0x1f5: {  	[spmem:s9] =	stream.indirect.scatter.add.f32 [tilespmem:s10], [sflag:$0x1], $0x80, s1, s11, $0xb8;
	[tilespmem:$0x19400] =	vst v63  }
0x1f6: {  	s31 =	rddreg [dreg:$0xb]  }
0x1f7: {  	[spmem:s9] =	stream.indirect.scatter.add.f32 [tilespmem:s10], [sflag:$0x2], $0x80, s31, s11, $0xb8;
	[tilespmem:$0x19400] =	vst v63  }
0x1f8: {  	s1 =	rddreg [dreg:$0xc]  }
0x1f9: {  	[spmem:s9] =	stream.indirect.scatter.add.f32 [tilespmem:s10], [sflag:$0x3], $0x80, s1, s11, $0xb8;
	[tilespmem:$0x19400] =	vst v63  }
0x1fa: {  	s31 =	rddreg [dreg:$0xd]  }
0x1fb: {  	[spmem:s9] =	stream.indirect.scatter.add.f32 [tilespmem:s10], [sflag:$0x4], $0x80, s31, s11, $0xb8;
	[tilespmem:$0x19400] =	vst v63  }
0x1fc: {  	s1 =	rddreg [dreg:$0xe]  }
0x1fd: {  	[spmem:s9] =	stream.indirect.scatter.add.f32 [tilespmem:s10], [sflag:$0x1], $0x80, s1, s11, $0xb8;
	[tilespmem:$0x19400] =	vst v63  }
0x1fe: {  	s31 =	rddreg [dreg:$0xf]  }
0x1ff: {  	[spmem:s9] =	stream.indirect.scatter.add.f32 [tilespmem:s10], [sflag:$0x2], $0x80, s31, s11, $0xb8;
	[tilespmem:$0x19400] =	vst v63  }
0x200: {  	s1 =	rddreg [dreg:$0x10]  }
0x201: {  	[spmem:s9] =	stream.indirect.scatter.add.f32 [tilespmem:s10], [sflag:$0x3], $0x80, s1, s11, $0xb8;
	[tilespmem:$0x19400] =	vst v63  }
0x202: {  	s31 =	rddreg [dreg:$0x11]  }
0x203: {  	[spmem:s9] =	stream.indirect.scatter.add.f32 [tilespmem:s10], [sflag:$0x4], $0x80, s31, s11, $0xb8;
	[tilespmem:$0x19400] =	vst v63  }
0x204: {  	s1 =	rddreg [dreg:$0x12]  }
0x205: {  	[spmem:s9] =	stream.indirect.scatter.add.f32 [tilespmem:s10], [sflag:$0x1], $0x80, s1, s11, $0xb8;
	[tilespmem:$0x19400] =	vst v63  }
0x206: {  	s31 =	rddreg [dreg:$0x13]  }
0x207: {  	[spmem:s9] =	stream.indirect.scatter.add.f32 [tilespmem:s10], [sflag:$0x2], $0x80, s31, s11, $0xb8;
	[tilespmem:$0x19400] =	vst v63  }
0x208: {  	s1 =	rddreg [dreg:$0x14]  }
0x209: {  	[spmem:s9] =	stream.indirect.scatter.add.f32 [tilespmem:s10], [sflag:$0x3], $0x80, s1, s11, $0xb8;
	[tilespmem:$0x19400] =	vst v63  }
0x20a: {  	s31 =	rddreg [dreg:$0x15]  }
0x20b: {  	[spmem:s9] =	stream.indirect.scatter.add.f32 [tilespmem:s10], [sflag:$0x4], $0x80, s31, s11, $0xb8;
	[tilespmem:$0x19400] =	vst v63  }
0x20c: {  	s1 =	rddreg [dreg:$0x16]  }
0x20d: {  	[spmem:s9] =	stream.indirect.scatter.add.f32 [tilespmem:s10], [sflag:$0x1], $0x80, s1, s11, $0xb8;
	[tilespmem:$0x19400] =	vst v63  }
0x20e: {  	s31 =	rddreg [dreg:$0x17]  }
0x20f: {  	[spmem:s9] =	stream.indirect.scatter.add.f32 [tilespmem:s10], [sflag:$0x2], $0x80, s31, s11, $0xb8;
	[tilespmem:$0x19400] =	vst v63  }
0x210: {  	s1 =	rddreg [dreg:$0x18]  }
0x211: {  	[spmem:s9] =	stream.indirect.scatter.add.f32 [tilespmem:s10], [sflag:$0x3], $0x80, s1, s11, $0xb8;
	[tilespmem:$0x19400] =	vst v63  }
0x212: {  	s31 =	rddreg [dreg:$0x19]  }
0x213: {  	[spmem:s9] =	stream.indirect.scatter.add.f32 [tilespmem:s10], [sflag:$0x4], $0x80, s31, s11, $0xb8;
	[tilespmem:$0x19400] =	vst v63  }
0x214: {  	s1 =	rddreg [dreg:$0x1a]  }
0x215: {  	[spmem:s9] =	stream.indirect.scatter.add.f32 [tilespmem:s10], [sflag:$0x1], $0x80, s1, s11, $0xb8;
	[tilespmem:$0x19400] =	vst v63  }
0x216: {  	s31 =	rddreg [dreg:$0x1b]  }
0x217: {  	[spmem:s9] =	stream.indirect.scatter.add.f32 [tilespmem:s10], [sflag:$0x2], $0x80, s31, s11, $0xb8;
	[tilespmem:$0x19400] =	vst v63  }
0x218: {  	_ = 	snop  }
0x219: {  	[spmem:s9] =	stream.indirect.scatter.add.f32 [tilespmem:s10], [sflag:$0x3], $0x80, s13, s11, $0xb8;
	[tilespmem:$0x19400] =	vst v63  }
0x21a: {  	_ = 	snop  }
0x21b: {  	[spmem:s9] =	stream.indirect.scatter.add.f32 [tilespmem:s10], [sflag:$0x4], $0x80, s14, s11, $0xb8;
	[tilespmem:$0x19400] =	vst v63  }
0x21c: {  	_ = 	snop  }
0x21d: {  	[spmem:s9] =	stream.indirect.scatter.add.f32 [tilespmem:s10], [sflag:$0x1], $0x80, s15, s11, $0xb8;
	[tilespmem:$0x19400] =	vst v63  }
0x21e: {  	_ = 	snop  }
0x21f: {  	[spmem:s9] =	stream.indirect.scatter.add.f32 [tilespmem:s10], [sflag:$0x2], $0x80, s16, s11, $0xb8;
	[tilespmem:$0x19400] =	vst v63  }
0x220: {  	_ = 	snop  }
0x221: {  	[spmem:s9] =	stream.indirect.scatter.add.f32 [tilespmem:s10], [sflag:$0x3], $0x80, s17, s11, $0xb8;
	[tilespmem:$0x19400] =	vst v63  }
0x222: {  	_ = 	snop  }
0x223: {  	[spmem:s9] =	stream.indirect.scatter.add.f32 [tilespmem:s10], [sflag:$0x4], $0x80, s18, s11, $0xb8;
	[tilespmem:$0x19400] =	vst v63  }
0x224: {  	_ = 	snop  }
0x225: {  	[spmem:s9] =	stream.indirect.scatter.add.f32 [tilespmem:s10], [sflag:$0x1], $0x80, s19, s11, $0xb8;
	[tilespmem:$0x19400] =	vst v63  }
0x226: {  	_ = 	snop  }
0x227: {  	[spmem:s9] =	stream.indirect.scatter.add.f32 [tilespmem:s10], [sflag:$0x2], $0x80, s20, s11, $0xb8;
	[tilespmem:$0x19400] =	vst v63  }
0x228: {  	_ = 	snop  }
0x229: {  	[spmem:s9] =	stream.indirect.scatter.add.f32 [tilespmem:s10], [sflag:$0x3], $0x80, s21, s11, $0xb8;
	[tilespmem:$0x19400] =	vst v63  }
0x22a: {  	_ = 	snop  }
0x22b: {  	[spmem:s9] =	stream.indirect.scatter.add.f32 [tilespmem:s10], [sflag:$0x4], $0x80, s22, s11, $0xb8;
	[tilespmem:$0x19400] =	vst v63  }
0x22c: {  	_ = 	snop  }
0x22d: {  	[spmem:s9] =	stream.indirect.scatter.add.f32 [tilespmem:s10], [sflag:$0x1], $0x80, s23, s11, $0xb8;
	[tilespmem:$0x19400] =	vst v63  }
0x22e: {  	_ = 	snop  }
0x22f: {  	[spmem:s9] =	stream.indirect.scatter.add.f32 [tilespmem:s10], [sflag:$0x2], $0x80, s24, s11, $0xb8;
	[tilespmem:$0x19400] =	vst v63  }
0x230: {  	_ = 	snop  }
0x231: {  	[spmem:s9] =	stream.indirect.scatter.add.f32 [tilespmem:s10], [sflag:$0x3], $0x80, s25, s11, $0xb8;
	[tilespmem:$0x19400] =	vst v63  }
0x232: {  	_ = 	snop  }
0x233: {  	[spmem:s9] =	stream.indirect.scatter.add.f32 [tilespmem:s10], [sflag:$0x4], $0x80, s26, s11, $0xb8;
	[tilespmem:$0x19400] =	vst v63  }
0x234: {  	_ = 	snop  }
0x235: {  	[spmem:s9] =	stream.indirect.scatter.add.f32 [tilespmem:s10], [sflag:$0x1], $0x80, s28, s11, $0xb8;
	[tilespmem:$0x19400] =	vst v63  }
0x236: {  	_ = 	snop  }
0x237: {  	[spmem:s9] =	stream.indirect.scatter.add.f32 [tilespmem:s10], [sflag:$0x2], $0x80, s29, s11, $0xb8;
	[tilespmem:$0x19400] =	vst v63  }
0x238: {  	_ = 	snop  }
0x239: {  	[spmem:s9] =	stream.indirect.scatter.add.f32 [tilespmem:s10], [sflag:$0x3], $0x80, s30, s11, $0xb8;
	[tilespmem:$0x19400] =	vst v63  }
0x23a: {  	s29 =	simm.s32 $0x5380  }
0x23b: {  	[spmem:s9] =	stream.indirect.scatter.add.f32 [tilespmem:s10], [sflag:$0x4], $0x80, s29, s11, $0xb8;
	[tilespmem:$0x19400] =	vst v63  }
0x23c: {  	_ =	swait.ge [sflag:s8], $0x4000  }
0x23d: {  	[sflag:s8] =	ssyncset.done $0x0  }
0x23e: {  	[sflag:s8] =	ssyncadd.s32 $0xFFFFC000  }
0x23f: {  	_ =	swait.ge [sflag:s7], $0x4000  }
0x240: {  	[sflag:s7] =	ssyncset.done $0x0  }
0x241: {  	[sflag:s7] =	ssyncadd.s32 $0xFFFFC000  }
0x242: {  	_ =	swait.ge [sflag:s6], $0x4000  }
0x243: {  	[sflag:s6] =	ssyncset.done $0x0  }
0x244: {  	[sflag:s6] =	ssyncadd.s32 $0xFFFFC000  }
0x245: {  	_ =	swait.ge [sflag:s5], $0x4000  }
0x246: {  	[sflag:s5] =	ssyncset.done $0x0  }
0x247: {  	[sflag:s5] =	ssyncadd.s32 $0xFFFFC000  }
0x248: {  	_ =	swait.ge [sflag:s8], $0x4000  }
0x249: {  	[sflag:s8] =	ssyncset.done $0x0  }
0x24a: {  	[sflag:s8] =	ssyncadd.s32 $0xFFFFC000  }
0x24b: {  	_ =	swait.ge [sflag:s7], $0x4000  }
0x24c: {  	[sflag:s7] =	ssyncset.done $0x0  }
0x24d: {  	[sflag:s7] =	ssyncadd.s32 $0xFFFFC000  }
0x24e: {  	_ =	swait.ge [sflag:s6], $0x4000  }
0x24f: {  	[sflag:s6] =	ssyncset.done $0x0  }
0x250: {  	[sflag:s6] =	ssyncadd.s32 $0xFFFFC000  }
0x251: {  	_ =	swait.ge [sflag:s5], $0x4000  }
0x252: {  	[sflag:s5] =	ssyncset.done $0x0  }
0x253: {  	[sflag:s5] =	ssyncadd.s32 $0xFFFFC000  }
0x254: {  	_ =	swait.ge [sflag:s8], $0x4000  }
0x255: {  	[sflag:s8] =	ssyncset.done $0x0  }
0x256: {  	[sflag:s8] =	ssyncadd.s32 $0xFFFFC000  }
0x257: {  	_ =	swait.ge [sflag:s7], $0x4000  }
0x258: {  	[sflag:s7] =	ssyncset.done $0x0  }
0x259: {  	[sflag:s7] =	ssyncadd.s32 $0xFFFFC000  }
0x25a: {  	_ =	swait.ge [sflag:s6], $0x4000  }
0x25b: {  	[sflag:s6] =	ssyncset.done $0x0  }
0x25c: {  	[sflag:s6] =	ssyncadd.s32 $0xFFFFC000  }
0x25d: {  	_ =	swait.ge [sflag:s5], $0x4000  }
0x25e: {  	[sflag:s5] =	ssyncset.done $0x0  }
0x25f: {  	[sflag:s5] =	ssyncadd.s32 $0xFFFFC000  }
0x260: {  	_ =	swait.ge [sflag:s8], $0x4000  }
0x261: {  	[sflag:s8] =	ssyncset.done $0x0  }
0x262: {  	[sflag:s8] =	ssyncadd.s32 $0xFFFFC000  }
0x263: {  	_ =	swait.ge [sflag:s7], $0x4000  }
0x264: {  	[sflag:s7] =	ssyncset.done $0x0  }
0x265: {  	[sflag:s7] =	ssyncadd.s32 $0xFFFFC000  }
0x266: {  	_ =	swait.ge [sflag:s6], $0x4000  }
0x267: {  	[sflag:s6] =	ssyncset.done $0x0  }
0x268: {  	[sflag:s6] =	ssyncadd.s32 $0xFFFFC000  }
0x269: {  	_ =	swait.ge [sflag:s5], $0x4000  }
0x26a: {  	[sflag:s5] =	ssyncset.done $0x0  }
0x26b: {  	[sflag:s5] =	ssyncadd.s32 $0xFFFFC000  }
0x26c: {  	_ =	swait.ge [sflag:s8], $0x4000  }
0x26d: {  	[sflag:s8] =	ssyncset.done $0x0  }
0x26e: {  	[sflag:s8] =	ssyncadd.s32 $0xFFFFC000  }
0x26f: {  	_ =	swait.ge [sflag:s7], $0x4000  }
0x270: {  	[sflag:s7] =	ssyncset.done $0x0  }
0x271: {  	[sflag:s7] =	ssyncadd.s32 $0xFFFFC000  }
0x272: {  	_ =	swait.ge [sflag:s6], $0x4000  }
0x273: {  	[sflag:s6] =	ssyncset.done $0x0  }
0x274: {  	[sflag:s6] =	ssyncadd.s32 $0xFFFFC000  }
0x275: {  	_ =	swait.ge [sflag:s5], $0x4000  }
0x276: {  	[sflag:s5] =	ssyncset.done $0x0  }
0x277: {  	[sflag:s5] =	ssyncadd.s32 $0xFFFFC000  }
0x278: {  	_ =	swait.ge [sflag:s8], $0x4000  }
0x279: {  	[sflag:s8] =	ssyncset.done $0x0  }
0x27a: {  	[sflag:s8] =	ssyncadd.s32 $0xFFFFC000  }
0x27b: {  	_ =	swait.ge [sflag:s7], $0x4000  }
0x27c: {  	[sflag:s7] =	ssyncset.done $0x0  }
0x27d: {  	[sflag:s7] =	ssyncadd.s32 $0xFFFFC000  }
0x27e: {  	_ =	swait.ge [sflag:s6], $0x4000  }
0x27f: {  	[sflag:s6] =	ssyncset.done $0x0  }
0x280: {  	[sflag:s6] =	ssyncadd.s32 $0xFFFFC000  }
0x281: {  	_ =	swait.ge [sflag:s5], $0x4000  }
0x282: {  	[sflag:s5] =	ssyncset.done $0x0  }
0x283: {  	[sflag:s5] =	ssyncadd.s32 $0xFFFFC000  }
0x284: {  	_ =	swait.ge [sflag:s8], $0x4000  }
0x285: {  	[sflag:s8] =	ssyncset.done $0x0  }
0x286: {  	[sflag:s8] =	ssyncadd.s32 $0xFFFFC000  }
0x287: {  	_ =	swait.ge [sflag:s7], $0x4000  }
0x288: {  	[sflag:s7] =	ssyncset.done $0x0  }
0x289: {  	[sflag:s7] =	ssyncadd.s32 $0xFFFFC000  }
0x28a: {  	_ =	swait.ge [sflag:s6], $0x4000  }
0x28b: {  	[sflag:s6] =	ssyncset.done $0x0  }
0x28c: {  	[sflag:s6] =	ssyncadd.s32 $0xFFFFC000  }
0x28d: {  	_ =	swait.ge [sflag:s5], $0x4000  }
0x28e: {  	[sflag:s5] =	ssyncset.done $0x0  }
0x28f: {  	[sflag:s5] =	ssyncadd.s32 $0xFFFFC000  }
0x290: {  	_ =	swait.ge [sflag:s8], $0x4000  }
0x291: {  	[sflag:s8] =	ssyncset.done $0x0  }
0x292: {  	[sflag:s8] =	ssyncadd.s32 $0xFFFFC000  }
0x293: {  	_ =	swait.ge [sflag:s7], $0x4000  }
0x294: {  	[sflag:s7] =	ssyncset.done $0x0  }
0x295: {  	[sflag:s7] =	ssyncadd.s32 $0xFFFFC000  }
0x296: {  	_ =	swait.ge [sflag:s6], $0x4000  }
0x297: {  	[sflag:s6] =	ssyncset.done $0x0  }
0x298: {  	[sflag:s6] =	ssyncadd.s32 $0xFFFFC000  }
0x299: {  	_ =	swait.ge [sflag:s5], $0x4000  }
0x29a: {  	[sflag:s5] =	ssyncset.done $0x0  }
0x29b: {  	[sflag:s5] =	ssyncadd.s32 $0xFFFFC000  }
0x29c: {  	_ =	swait.ge [sflag:s8], $0x4000  }
0x29d: {  	[sflag:s8] =	ssyncset.done $0x0  }
0x29e: {  	[sflag:s8] =	ssyncadd.s32 $0xFFFFC000  }
0x29f: {  	_ =	swait.ge [sflag:s7], $0x4000  }
0x2a0: {  	[sflag:s7] =	ssyncset.done $0x0  }
0x2a1: {  	[sflag:s7] =	ssyncadd.s32 $0xFFFFC000  }
0x2a2: {  	_ =	swait.ge [sflag:s6], $0x4000  }
0x2a3: {  	[sflag:s6] =	ssyncset.done $0x0  }
0x2a4: {  	[sflag:s6] =	ssyncadd.s32 $0xFFFFC000  }
0x2a5: {  	_ =	swait.ge [sflag:s5], $0x4000  }
0x2a6: {  	[sflag:s5] =	ssyncset.done $0x0  }
0x2a7: {  	[sflag:s5] =	ssyncadd.s32 $0xFFFFC000  }
0x2a8: {  	_ =	swait.ge [sflag:s8], $0x4000  }
0x2a9: {  	[sflag:s8] =	ssyncset.done $0x0  }
0x2aa: {  	[sflag:s8] =	ssyncadd.s32 $0xFFFFC000  }
0x2ab: {  	_ =	swait.ge [sflag:s7], $0x4000  }
0x2ac: {  	[sflag:s7] =	ssyncset.done $0x0  }
0x2ad: {  	[sflag:s7] =	ssyncadd.s32 $0xFFFFC000  }
0x2ae: {  	_ =	swait.ge [sflag:s6], $0x4000  }
0x2af: {  	[sflag:s6] =	ssyncset.done $0x0  }
0x2b0: {  	[sflag:s6] =	ssyncadd.s32 $0xFFFFC000  }
0x2b1: {  	_ =	swait.ge [sflag:s5], $0x4000  }
0x2b2: {  	[sflag:s5] =	ssyncset.done $0x0  }
0x2b3: {  	[sflag:s5] =	ssyncadd.s32 $0xFFFFC000  }
0x2b4: {  	[bflag:$0x0] =	sbarrier.arrive $0xFFFF  }
0x2b5: {  	s30 =	rddreg [dreg:$0x6]  }
0x2b6: {  	[hbm:s30], [sflag:s3] =	dma.local [spmem:s4], $0x2800  }
0x2b7: {  	_ =	swait.ge [sflag:s2], $0x2800  }
0x2b8: {  	[sflag:s2] =	ssyncset.done $0x0  }
0x2b9: {  	[sflag:s2] =	ssyncadd.s32 $0xFFFFD800  }
0x2ba: {  	_ =	sfence.sel $0x180000  }
0x2bb: {  	s31 =	stileid.u32;
	[bflag:$0x0] =	sbarrier.arrive $0xFFFF  }
0x2bc: {  	p0 =	sne.s32 s31, $0x0;
	_ =	strace $0x90000047  }
0x2bd: {  	s0 =	sadd.s32 @!p0 $0x100000, s12;
	[bflag:$0x2] =	sbarrier.arrive $0xFFFF  }
0x2be: {  	[sflag:s0] =	ssyncadd.tile.s32 @!p0 $0x1;
	_ =	shalt  }
.LBB2_1:
0x2bf: {  	s30 =	simm.s32 $0x5300;
	s29 =	simm.s32 $0x5280;
	s28 =	simm.s32 $0x5200  }
.Ltmp3:
0x2c0: {  	s26 =	simm.s32 $0x5180;
	s25 =	simm.s32 $0x5100;
	(pc) =	sbr.rel .LBB2_6-.Ltmp3, $4  }
0x2c1: {  	s24 =	simm.s32 $0x5080;
	s23 =	simm.s32 $0x5000;
	s22 =	simm.s32 $0x4F80  }
0x2c2: {  	s21 =	simm.s32 $0x4F00;
	s20 =	simm.s32 $0x4E80;
	s19 =	simm.s32 $0x4E00  }
0x2c3: {  	s18 =	simm.s32 $0x4D80;
	s17 =	simm.s32 $0x4D00;
	s16 =	simm.s32 $0x4C80  }
0x2c4: {  	s15 =	simm.s32 $0x4C00;
	s14 =	simm.s32 $0x4B80;
	s13 =	simm.s32 $0x4B00  }
.LBB2_3:
0x2c5: {  	s30 =	simm.s32 $0x5300  }
0x2c6: {  	s29 =	simm.s32 $0x5280;
	s28 =	simm.s32 $0x5200;
	s26 =	simm.s32 $0x5180  }
.Ltmp4:
0x2c7: {  	s25 =	simm.s32 $0x5100;
	s24 =	simm.s32 $0x5080;
	(pc) =	sbr.rel .LBB2_6-.Ltmp4, $4  }
0x2c8: {  	s23 =	simm.s32 $0x5000;
	s22 =	simm.s32 $0x4F80;
	s21 =	simm.s32 $0x4F00  }
0x2c9: {  	s20 =	simm.s32 $0x4E80;
	s19 =	simm.s32 $0x4E00;
	s18 =	simm.s32 $0x4D80  }
0x2ca: {  	s17 =	simm.s32 $0x4D00;
	s16 =	simm.s32 $0x4C80;
	s15 =	simm.s32 $0x4C00  }
0x2cb: {  	s14 =	simm.s32 $0x4B80;
	s13 =	simm.s32 $0x4B00;
	s12 =	rddreg [dreg:$0x2]  }
.Lfunc_end2:
_tile_overlayer_lowered:
.L_overlay_start_2:
0x2cc: {  	(tag) =	ssettag $0x2  }
0x2cd: {  	s0 =	rddreg [dreg:$0x0];
	s2 =	stileid.u32  }
0x2ce: {  	s1 =	rddreg [dreg:$0x1];
	p0 =	sne.s32 s2, $0x0  }
0x2cf: {  	s3 =	rddreg [dreg:$0x2];
	[bflag:$0x3] =	sbarrier.arrive $0xFFFF;
	s2 =	simm.s32 @!p0 $0x1C05  }
0x2d0: {  	[timem:s3], [sflag:s2] =	dma.local @!p0 [hbm:s0], s1  }
0x2d1: {  	s0 =	simm.s32 @!p0 $0x5  }
0x2d2: {  	_ =	swait.ge @!p0 [sflag:s0], s1  }
0x2d3: {  	s1 =	ssub.s32 @!p0 $0x0, s1;
	[sflag:s0] =	ssyncset.done @!p0 $0x0  }
0x2d4: {  	[sflag:s0] =	ssyncadd.s32 @!p0 s1  }
0x2d5: {  	[bflag:$0x3] =	sbarrier.arrive $0xFFFF  }
0x2d6: {  	_ =	shalt  }

// kernel: kernel.13.cloned.1.call-start
scs
__scs_entry_jumppad:
0x0: {  	(pc) =	sbr.rel $0x88, $3  }
0x1: {  	(tag) =	ssettag $0x0;
	lr =	simm.s32 $0x1  }
0x2: {  	[smem:$0x3F99] =	sst lr;
	_ =	strace $0xD0000000  }
0x3: {  	_ = 	snop  }
0x4: {  	_ = 	snop  }
0x5: {  	_ = 	snop  }
0x6: {  	_ = 	snop  }
0x7: {  	_ = 	snop  }
__scs_overlays_trampoline_lowered:
0x8: {  	[smem:$0x3FA8] =	sst s0  }
0x9: {  	[smem:$0x3FA9] =	sst s1  }
0xa: {  	[smem:$0x3FAA] =	sst s2  }
0xb: {  	[smem:$0x3FAB] =	sst s3  }
0xc: {  	[smem:$0x3FAC] =	sst s4  }
0xd: {  	[smem:$0x3FAD] =	sst s5  }
0xe: {  	[smem:$0x3FAE] =	sst s6  }
0xf: {  	[smem:$0x3FAF] =	sst s7  }
0x10: {  	[smem:$0x3FB0] =	sst s8  }
0x11: {  	[smem:$0x3FB1] =	sst s9;
	s0 =	simm.s32 @!p0 $0x0  }
0x12: {  	s1 =	sld [smem:$0x3F97];
	s0 =	simm.s32 @p0 $0x1  }
0x13: {  	[smem:$0x3FB2] =	sst s0;
	s0 =	simm.s32 @!p1 $0x0  }
0x14: {  	s2 =	sld [smem:$0x3F96];
	s0 =	simm.s32 @p1 $0x1  }
0x15: {  	[smem:$0x3FB3] =	sst s0;
	s0 =	simm.s32 @!p2 $0x0  }
0x16: {  	s3 =	sld [smem:$0x3FDB];
	s0 =	simm.s32 @p2 $0x1  }
0x17: {  	s4 =	simm.s32 $0x1BF5;
	[smem:$0x3FB5] =	sst s0  }
0x18: {  	s0 =	sld [smem:$0x3F98];
	_ =	swait.ge [sflag:s4], $0x0  }
0x19: {  	s7 =	sld [smem:$0x3F99]  }
0x1a: {  	s8 =	sadd.s32 $0xFFFFE003, lr  }
0x1b: {  	s9 =	sadd.s32 $0xFFFFFEF7, lr;
	s5 =	simm.s32 $0xFFFFFFFF;
	p2 =	slt.u32 s8, $0xFFFFF086  }
0x1c: {  	p1 =	slt.u32 s9, $0xF7A;
	s5 =	simm.s32 @!p2 $0x0  }
0x1d: {  	s5 =	simm.s32 @p1 $0x1;
	p0 =	seq.s32 s7, s2  }
0x1e: {  	s7 =	smul.u32 @!p0 $0xF7A, s2;
	p2 =	seq.s32 @!p0 s5, $0x0  }
0x1f: {  	s9 =	smul.u32 $0xF7A, s1;
	s8 =	simm.s32 @!p0 $0x1BF5;
	p2 =	por !p2, p0  }
0x20: {  	[sflag:s8] =	ssyncset.s32 @!p0 $0xFFFFF086;
	s6 =	sadd.s32 @!p0 s3, s7;
	s7 =	simm.s32 @!p0 $0x108  }
0x21: {  	s3 =	sadd.s32 s3, s9;
	s6 =	sadd.s32 @!p0 $0x88, s6;
	s7 =	simm.s32 @p2 $0x1082  }
0x22: {  	[simem:s7], [sflag:s8] =	dma.local @!p0 [hbm:s6], $0xF7A  }
0x23: {  	s9 =	sor.u32 $0xD0000000, s2;
	s6 =	simm.s32 $0x108;
	_ =	swait.ge @!p0 [sflag:s8], $0x0  }
0x24: {  	s3 =	sadd.s32 $0x88, s3;
	s6 =	simm.s32 @!p1 $0x1082;
	[sflag:s4] =	ssyncset.s32 $0xFFFFF086  }
0x25: {  	[simem:s6], [sflag:s4] =	dma.local [hbm:s3], $0xF7A  }
0x26: {  	[smem:$0x3F99] =	sst s1;
	(tag) =	ssettag s2;
	_ =	strace s9  }
0x27: {  	s1 =	sld [smem:$0x3FA9]  }
0x28: {  	s2 =	sld [smem:$0x3FAA]  }
0x29: {  	s4 =	sld [smem:$0x3FAC]  }
0x2a: {  	p0 =	seq.s32 s5, $0x0;
	s5 =	sld [smem:$0x3FAD]  }
0x2b: {  	s6 =	sld [smem:$0x3FAE]  }
0x2c: {  	s7 =	sld [smem:$0x3FAF]  }
0x2d: {  	s3 =	simm.s32 $0x108;
	s8 =	sld [smem:$0x3FB0]  }
0x2e: {  	s3 =	simm.s32 @!p0 $0x1082;
	s9 =	sld [smem:$0x3FB1]  }
0x2f: {  	lr =	sadd.s32 s0, s3;
	s0 =	sld [smem:$0x3FA8]  }
0x30: {  	s3 =	sld [smem:$0x3FAB]  }
0x31: {  	[smem:$0x3FB4] =	sst s10  }
0x32: {  	s10 =	sld [smem:$0x3FB2];
	_ =	sdelay $0x3  }
0x33: {  	p0 =	seq.s32 s10, $0x1;
	s10 =	sld [smem:$0x3FB4];
	_ =	sdelay $0x3  }
0x34: {  	[smem:$0x3FB4] =	sst s10  }
0x35: {  	s10 =	sld [smem:$0x3FB3];
	_ =	sdelay $0x3  }
0x36: {  	p1 =	seq.s32 s10, $0x1;
	s10 =	sld [smem:$0x3FB4];
	_ =	sdelay $0x3  }
0x37: {  	[smem:$0x3FB4] =	sst s10  }
0x38: {  	s10 =	sld [smem:$0x3FB5]  }
0x39: {  	_ = 	snop;
	(pc) =	sbr.ind lr, $3  }
0x3a: {  	_ = 	snop  }
0x3b: {  	_ = 	snop  }
0x3c: {  	p2 =	seq.s32 s10, $0x1;
	s10 =	sld [smem:$0x3FB4]  }
0x3d: {  	_ =	shalt  }
0x3e: {  	_ =	shalt  }
0x3f: {  	_ =	shalt  }
0x40: {  	_ =	shalt  }
0x41: {  	_ =	shalt  }
0x42: {  	_ =	shalt  }
0x43: {  	_ =	shalt  }
0x44: {  	_ =	shalt  }
0x45: {  	_ =	shalt  }
0x46: {  	_ =	shalt  }
0x47: {  	_ =	shalt  }
0x48: {  	_ =	shalt  }
0x49: {  	_ =	shalt  }
0x4a: {  	_ =	shalt  }
0x4b: {  	_ =	shalt  }
0x4c: {  	_ =	shalt  }
0x4d: {  	_ =	shalt  }
0x4e: {  	_ =	shalt  }
0x4f: {  	_ =	shalt  }
0x50: {  	_ =	shalt  }
0x51: {  	_ =	shalt  }
0x52: {  	_ =	shalt  }
0x53: {  	_ =	shalt  }
0x54: {  	_ =	shalt  }
0x55: {  	_ =	shalt  }
0x56: {  	_ =	shalt  }
0x57: {  	_ =	shalt  }
0x58: {  	_ =	shalt  }
0x59: {  	_ =	shalt  }
0x5a: {  	_ =	shalt  }
0x5b: {  	_ =	shalt  }
0x5c: {  	_ =	shalt  }
0x5d: {  	_ =	shalt  }
0x5e: {  	_ =	shalt  }
0x5f: {  	_ =	shalt  }
0x60: {  	_ =	shalt  }
0x61: {  	_ =	shalt  }
0x62: {  	_ =	shalt  }
0x63: {  	_ =	shalt  }
0x64: {  	_ =	shalt  }
0x65: {  	_ =	shalt  }
0x66: {  	_ =	shalt  }
0x67: {  	_ =	shalt  }
0x68: {  	_ =	shalt  }
0x69: {  	_ =	shalt  }
0x6a: {  	_ =	shalt  }
0x6b: {  	_ =	shalt  }
0x6c: {  	_ =	shalt  }
0x6d: {  	_ =	shalt  }
0x6e: {  	_ =	shalt  }
0x6f: {  	_ =	shalt  }
0x70: {  	_ =	shalt  }
0x71: {  	_ =	shalt  }
0x72: {  	_ =	shalt  }
0x73: {  	_ =	shalt  }
0x74: {  	_ =	shalt  }
0x75: {  	_ =	shalt  }
0x76: {  	_ =	shalt  }
0x77: {  	_ =	shalt  }
0x78: {  	_ =	shalt  }
0x79: {  	_ =	shalt  }
0x7a: {  	_ =	shalt  }
0x7b: {  	_ =	shalt  }
0x7c: {  	_ =	shalt  }
0x7d: {  	_ =	shalt  }
0x7e: {  	_ =	shalt  }
0x7f: {  	_ =	shalt  }
0x80: {  	_ =	shalt  }
0x81: {  	_ =	shalt  }
0x82: {  	_ =	shalt  }
0x83: {  	_ =	shalt  }
0x84: {  	_ =	shalt  }
0x85: {  	_ =	shalt  }
0x86: {  	_ =	shalt  }
0x87: {  	_ =	shalt  }
.Lfunc_end0:
.L_simem_size_0:
called_computation.1_lowered:
.L_overlay_start_0:
0x88: {  	s2 =	sld [smem:$0x3FD9]  }
0x89: {  	s3 =	sld [smem:$0x3FFE];
	_ =	sdelay $0x1  }
0x8a: {  	s1 =	srdreg.scid  }
0x8b: {  	s0 =	sand.u32 $0x1, s1  }
0x8c: {  	s17 =	sshll.u32 s0, $0xA;
	s2 =	sadd.s32 s3, s2  }
0x8d: {  	s2 =	sadd.s32 s2, s17  }
0x8e: {  	[smem:$0x3FC0] =	sst s2  }
0x8f: {  	_ = 	snop  }
0x90: {  	s2 =	sld [smem:$0x3FD0];
	(tm) =	ssettm $0x1  }
0x91: {  	s18 =	sld [smem:$0x3FFB];
	_ =	sdelay $0x3  }
0x92: {  	_ =	strace s18  }
0x93: {  	s3 =	sld [smem:$0x3FFC];
	_ =	sdelay $0x3  }
0x94: {  	_ =	strace s3  }
0x95: {  	s3 =	sld [smem:$0x3FFD];
	_ =	sdelay $0x3  }
0x96: {  	_ =	strace s3  }
0x97: {  	_ =	strace $0x8FFFFFFF  }
0x98: {  	s19 =	sld [smem:$0x3FDB];
	_ =	sdelay $0x1  }
0x99: {  	s4 =	simm.s32 $_scs_section_size  }
0x9a: {  	s5 =	simm.s32 $_size__tile_overlayer_lowered;
	s6 =	simm.s32 $_tile_overlayer_lowered  }
0x9b: {  	s22 =	simm.s32 $0x1BFF;
	s21 =	sshll.u32 s6, $0x1;
	s3 =	sadd.s32 s4, s19  }
0x9c: {  	s7 =	simm.s32 $0x0;
	s20 =	sshll.u32 s5, $0x1;
	s5 =	sadd.s32 s21, s3  }
0x9d: {  	[timem:s7], [sflag:s22] =	dma.local [hbm:s5], s20  }
0x9e: {  	_ =	swait.ge [sflag:s22], s20  }
0x9f: {  	s4 =	ssub.s32 $0x0, s20;
	[sflag:s22] =	ssyncset.done $0x0  }
0xa0: {  	[sflag:s22] =	ssyncadd.s32 s4;
	_ =	sdelay $0x1  }
0xa1: {  	s23 =	simm.s32 $0x1B8B  }
0xa2: {  	_ =	swait.ge [sflag:s23], $0x1  }
0xa3: {  	[sflag:s23] =	ssyncset.done $0x0  }
0xa4: {  	s25 =	simm.s32 $0x1B8E;
	s24 =	sld [smem:$0x3FFE];
	[sflag:s23] =	ssyncadd.s32 $0xFFFFFFFF  }
0xa5: {  	s26 =	simm.s32 $execute0_lowered;
	[smem:$0x3FD2] =	sst s25  }
0xa6: {  	s5 =	sshll.u32 s26, $0x1;
	_ =	strace $0x80000049;
	[dreg:$0x1] =	wrdreg $0xFFFFFFFF  }
0xa7: {  	s28 =	simm.s32 $_size_execute0_lowered;
	s3 =	sadd.s32 s3, s5;
	[dreg:$0x0] =	wrdreg $0x0  }
0xa8: {  	s5 =	sshll.u32 s28, $0x1;
	[dreg:$0x2] =	wrdreg s3  }
0xa9: {  	[dreg:$0x3] =	wrdreg s5  }
0xaa: {  	[dreg:$0x4] =	wrdreg $0xC0  }
0xab: {  	_ =	task [dreg:s7], $0x5FFFF  }
0xac: {  	[dreg:$0x1] =	wrdreg $0xFFFFFFFF  }
0xad: {  	[dreg:$0x0] =	wrdreg $0x60  }
0xae: {  	[dreg:$0x2] =	wrdreg s24  }
0xaf: {  	[dreg:$0x3] =	wrdreg s2  }
0xb0: {  	[dreg:$0x4] =	wrdreg $0x82000  }
0xb1: {  	[dreg:$0x5] =	wrdreg $0x9  }
0xb2: {  	_ =	task.clear_ibuf [dreg:s7], $0x6FFFF;
	_ =	strace $0x90000049  }
0xb3: {  	s29 =	simm.s32 $0x9;
	_ =	strace $0x8000004B  }
0xb4: {  	_ =	swait.ge [sflag:s29], $0x1  }
0xb5: {  	[sflag:s29] =	ssyncadd.s32 $0xFFFFFFFF  }
0xb6: {  	_ =	strace $0x9000004B  }
0xb7: {  	_ =	sfence  }
0xb8: {  	s30 =	sld [smem:$0x0];
	_ =	sdelay $0x2  }
0xb9: {  	s31 =	sshll.u32 s1, $0xD;
	s1 =	sshrl.u32 s1, $0x2  }
0xba: {  	s3 =	sand.u32 $0x4000, s31;
	s1 =	sadd.s32 s1, s30  }
0xbb: {  	s0 =	sor.u32 s3, s0;
	s1 =	sshll.u32 s1, $0x11  }
0xbc: {  	s0 =	sor.u32 s1, s0  }
0xbd: {  	s0 =	sadd.s32 $0x8F2B, s0  }
0xbe: {  	[sflag:s0] =	ssyncadd.remote.s32 $0x1  }
0xbf: {  	_ =	sfence.sel $0xFFFF  }
0xc0: {  	[dreg:$0x0] =	wrdreg $0xFFFFFFFF;
	(pc) =	sbr.abs _section_cstart, $3  }
0xc1: {  	[dreg:$0x1] =	wrdreg $0xFFFFFFFF  }
0xc2: {  	_ =	task.clear_ibuf [dreg:s7], $0x2FFFF;
	_ =	strace $0x9FFFFFFF  }
0xc3: {  	(tm) =	ssettm $0x7FFFFFFF  }
tec
execute0_lowered:
.L_overlay_start_1:
0x0: {  	(tag) =	ssettag $0x1  }
0x1: {  	s0 =	rddreg [dreg:$0x0]  }
0x2: {  	s9 =	rddreg [dreg:$0x1];
	s1 =	srdreg.scid  }
0x3: {  	s2 =	rddreg [dreg:$0x2];
	s29 =	stileid.u32;
	s3 =	simm.s32 $0x0  }
0x4: {  	s13 =	simm.s32 $0x100;
	s14 =	simm.s32 $0x4200;
	s15 =	simm.s32 $0x1  }
0x5: {  	s16 =	simm.s32 $0x200;
	s17 =	simm.s32 $0x2;
	s18 =	simm.s32 $0x180  }
0x6: {  	s19 =	simm.s32 $0x0;
	s12 =	sand.u32 $0x1, s1;
	s5 =	smul.u32 $0x14000, s29  }
0x7: {  	[smem:$0x7FF] =	sst s3;
	s7 =	smul.u32 $0x50000, s29;
	s10 =	sshll.u32 s29, $0x6  }
0x8: {  	s31 =	sshll.u32 s29, $0x5;
	s4 =	smul.u32 $0x140000, s12;
	_ =	strace $0x8000004A  }
0x9: {  	s30 =	ssub.s32 $0x2, s12;
	s9 =	sadd.s32 s31, s9;
	p0 =	seq.s32 s12, $0x0  }
0xa: {  	s12 =	simm.s32 $0x80;
	s8 =	sshrl.u32 s30, $0x1;
	s7 =	sshrl.u32 s7, $0x2  }
0xb: {  	s5 =	sadd.s32 s5, s4;
	s4 =	sadd.s32 $0x60200, s0;
	s8 =	ssub.s32 s30, s8  }
0xc: {  	s11 =	sadd.s32 s7, s2;
	s6 =	sshrl.u32 s5, $0x3;
	s5 =	sadd.s32 $0xDA00, s0  }
0xd: {  	s8 =	smax.u32 s8, $0x1;
	s0 =	sadd.s32 s6, s0;
	s6 =	sor.u32 $0x1C03, s10  }
0xe: {  	s10 =	sshrl.u32 s11, $0x3;
	s11 =	simm.s32 $0x3;
	s7 =	sadd.s32 $0x10200, s0  }
.LBB2_1:
0xf: {  	[spmem:s10], [sflag:s6] =	dma.local [hbm:s5], $0x2800  }
0x10: {  	_ =	swait.ge [sflag:s11], $0x2800  }
0x11: {  	[sflag:s11] =	ssyncset.done $0x0  }
0x12: {  	[sflag:s11] =	ssyncadd.s32 $0xFFFFD800  }
0x13: {  	s0 =	sadd.s32 $0x0, s9;
	[bflag:$0x0] =	sbarrier.arrive $0xFFFF  }
0x14: {  	[tilespmem:s3], [sflag:$0x3] =	stream.linear.gather [hbm4b:s0+s3], $0x100, $0x38;
	[tilespmem:$0x1C200] =	vst v63  }
0x15: {  	_ =	swait.ge [sflag:s11], $0x100  }
0x16: {  	s20 =	simm.s32 @p0 $0x200;
	s21 =	simm.s32 @p0 $0x80;
	[sflag:s11] =	ssyncset.done $0x0  }
0x17: {  	s22 =	simm.s32 @p0 $0x0;
	s0 =	sadd.s32 @p0 $0x0, s9;
	[sflag:s11] =	ssyncadd.s32 $0xFFFFFF00  }
0x18: {  	[tilespmem:s20], [sflag:$0x1] =	stream.indirect.gather @p0 [hbm4b:s4+s21], $0x80, s22, s21, $0xb8;
	[tilespmem:$0x1C200] =	vst v63  }
0x19: {  	s23 =	simm.s32 @p0 $0x100;
	s24 =	simm.s32 @p0 $0x3;
	s0 =	sadd.s32 @p0 $0x200, s0  }
0x1a: {  	[tilespmem:s23], [sflag:$0x3] =	stream.linear.gather @p0 [hbm4b:s0+s22], $0x100, $0x38;
	[tilespmem:$0x1C200] =	vst v63  }
0x1b: {  	_ =	swait.ge @p0 [sflag:s24], $0x100  }
0x1c: {  	[sflag:s24] =	ssyncset.done @p0 $0x0  }
0x1d: {  	[sflag:s24] =	ssyncadd.s32 @p0 $0xFFFFFF00  }
0x1e: {  	v0 =	vld @!p0 [tilespmem:$0x20]  }
0x1f: {  	v1 =	vld @!p0 [tilespmem:$0x10]  }
0x20: {  	v2 =	vld @!p0 [tilespmem:$0x60]  }
0x21: {  	v3 =	vld @!p0 [tilespmem:$0x70]  }
0x22: {  	v4 =	vld @!p0 [tilespmem:$0x40]  }
0x23: {  	v5 =	vld @!p0 [tilespmem:$0x0];
	v0 =	vadd.s32 @!p0 $0x2800, v0  }
0x24: {  	v6 =	vld @!p0 [tilespmem:$0x50];
	v1 =	vadd.s32 @!p0 $0x2800, v1;
	[tilespmem:$0x20] =	vst @!p0 v0  }
0x25: {  	v0 =	vld @!p0 [tilespmem:$0x30];
	[tilespmem:$0x10] =	vst @!p0 v1;
	v1 =	vadd.s32 @!p0 $0x2800, v2  }
0x26: {  	v2 =	vadd.s32 @!p0 $0x2800, v3;
	[tilespmem:$0x60] =	vst @!p0 v1  }
0x27: {  	v1 =	vadd.s32 @!p0 $0x2800, v4;
	[tilespmem:$0x70] =	vst @!p0 v2  }
0x28: {  	v2 =	vadd.s32 @!p0 $0x2800, v5;
	[tilespmem:$0x40] =	vst @!p0 v1  }
0x29: {  	[tilespmem:$0x0] =	vst @!p0 v2;
	v1 =	vadd.s32 @!p0 $0x2800, v6  }
0x2a: {  	s25 =	simm.s32 @!p0 $0x80;
	[tilespmem:$0x50] =	vst @!p0 v1;
	v0 =	vadd.s32 @!p0 $0x2800, v0  }
0x2b: {  	s26 =	simm.s32 @!p0 $0x0;
	s28 =	simm.s32 @!p0 $0x200;
	s0 =	sadd.s32 @!p0 $0x0, s9;
	[tilespmem:$0x30] =	vst @!p0 v0  }
0x2c: {  	[tilespmem:s28], [sflag:$0x1] =	stream.indirect.gather @!p0 [hbm4b:s4+s25], $0x80, s26, s25, $0xb8;
	[tilespmem:$0x1C200] =	vst v63  }
0x2d: {  	s29 =	simm.s32 @!p0 $0x100;
	s30 =	simm.s32 @!p0 $0x3;
	s0 =	sadd.s32 @!p0 $0x200, s0  }
0x2e: {  	[tilespmem:s29], [sflag:$0x3] =	stream.linear.gather @!p0 [hbm4b:s0+s26], $0x100, $0x38;
	[tilespmem:$0x1C200] =	vst v63  }
0x2f: {  	_ =	swait.ge @!p0 [sflag:s30], $0x100  }
0x30: {  	[sflag:s30] =	ssyncset.done @!p0 $0x0  }
0x31: {  	s31 =	simm.s32 $0x400;
	[sflag:s30] =	ssyncadd.s32 @!p0 $0xFFFFFF00  }
.LBB2_2:
0x32: {  	v0 =	vld @!p0 [tilespmem:$0x170];
	s0 =	smov.u32 s31;
	s31 =	sadd.s32 $0x400, s31  }
0x33: {  	p1 =	sne.s32 s31, $0xA000;
	v1 =	vld @!p0 [tilespmem:$0x160]  }
0x34: {  	v2 =	vld @!p0 [tilespmem:$0x150]  }
0x35: {  	v3 =	vld @!p0 [tilespmem:$0x140]  }
0x36: {  	v4 =	vld @!p0 [tilespmem:$0x130]  }
0x37: {  	v5 =	vld @!p0 [tilespmem:$0x120];
	v0 =	vadd.s32 @!p0 $0x2800, v0  }
0x38: {  	v6 =	vld @!p0 [tilespmem:$0x110];
	v1 =	vadd.s32 @!p0 $0x2800, v1;
	[tilespmem:$0x170] =	vst @!p0 v0  }
0x39: {  	v0 =	vld @!p0 [tilespmem:$0x100];
	v2 =	vadd.s32 @!p0 $0x2800, v2;
	[tilespmem:$0x160] =	vst @!p0 v1  }
0x3a: {  	v1 =	vadd.s32 @!p0 $0x2800, v3;
	[tilespmem:$0x150] =	vst @!p0 v2  }
0x3b: {  	v2 =	vadd.s32 @!p0 $0x2800, v4;
	[tilespmem:$0x140] =	vst @!p0 v1  }
0x3c: {  	v1 =	vadd.s32 @!p0 $0x2800, v5;
	[tilespmem:$0x130] =	vst @!p0 v2  }
0x3d: {  	v2 =	vadd.s32 @!p0 $0x2800, v6;
	[tilespmem:$0x120] =	vst @!p0 v1  }
0x3e: {  	v0 =	vadd.s32 @!p0 $0x2800, v0;
	[tilespmem:$0x110] =	vst @!p0 v2  }
0x3f: {  	[tilespmem:$0x100] =	vst @!p0 v0  }
0x40: {  	[tilespmem:s14], [sflag:$0x2] =	stream.indirect.gather [hbm4b:s4+s12], $0x80, s13, s12, $0xb8;
	[tilespmem:$0x1C200] =	vst v63  }
0x41: {  	_ =	swait.ge [sflag:s15], $0x4000  }
0x42: {  	[sflag:s15] =	ssyncset.done $0x0  }
0x43: {  	[sflag:s15] =	ssyncadd.s32 $0xFFFFC000  }
0x44: {  	[spmem:s2] =	stream.indirect.scatter.add.f32 [tilespmem:s16], [sflag:$0x3], $0x80, s12, s12, $0xb8;
	[tilespmem:$0x1C200] =	vst v63  }
0x45: {  	_ =	swait.ge [sflag:s11], $0x4000  }
0x46: {  	[sflag:s11] =	ssyncset.done $0x0  }
0x47: {  	[sflag:s11] =	ssyncadd.s32 $0xFFFFC000  }
0x48: {  	_ =	swait.ge [sflag:s17], $0x4000  }
0x49: {  	[sflag:s17] =	ssyncset.done $0x0  }
0x4a: {  	[sflag:s17] =	ssyncadd.s32 $0xFFFFC000  }
0x4b: {  	[spmem:s2] =	stream.indirect.scatter.add.f32 [tilespmem:s14], [sflag:$0x3], $0x80, s18, s12, $0xb8;
	[tilespmem:$0x1C200] =	vst v63  }
0x4c: {  	_ =	swait.ge [sflag:s11], $0x4000  }
0x4d: {  	[sflag:s11] =	ssyncset.done $0x0  }
0x4e: {  	s1 =	sadd.s32 s0, s9;
	[sflag:s11] =	ssyncadd.s32 $0xFFFFC000  }
0x4f: {  	[tilespmem:s3], [sflag:$0x3] =	stream.linear.gather [hbm4b:s1+s3], $0x100, $0x38;
	[tilespmem:$0x1C200] =	vst v63  }
0x50: {  	_ =	swait.ge [sflag:s11], $0x100  }
0x51: {  	s1 =	sadd.s32 @p0 s0, s9;
	[sflag:s11] =	ssyncset.done $0x0  }
0x52: {  	[sflag:s11] =	ssyncadd.s32 $0xFFFFFF00  }
0x53: {  	[tilespmem:s20], [sflag:$0x1] =	stream.indirect.gather @p0 [hbm4b:s4+s21], $0x80, s22, s21, $0xb8;
	[tilespmem:$0x1C200] =	vst v63  }
0x54: {  	s1 =	sadd.s32 @p0 $0x200, s1  }
0x55: {  	[tilespmem:s23], [sflag:$0x3] =	stream.linear.gather @p0 [hbm4b:s1+s22], $0x100, $0x38;
	[tilespmem:$0x1C200] =	vst v63  }
0x56: {  	_ =	swait.ge @p0 [sflag:s24], $0x100  }
0x57: {  	[sflag:s24] =	ssyncset.done @p0 $0x0  }
0x58: {  	[sflag:s24] =	ssyncadd.s32 @p0 $0xFFFFFF00  }
0x59: {  	v0 =	vld @!p0 [tilespmem:$0x70]  }
0x5a: {  	v1 =	vld @!p0 [tilespmem:$0x20]  }
0x5b: {  	v2 =	vld @!p0 [tilespmem:$0x10]  }
0x5c: {  	v3 =	vld @!p0 [tilespmem:$0x60]  }
0x5d: {  	v4 =	vld @!p0 [tilespmem:$0x50]  }
0x5e: {  	v5 =	vld @!p0 [tilespmem:$0x40]  }
0x5f: {  	v6 =	vld @!p0 [tilespmem:$0x0];
	v1 =	vadd.s32 @!p0 $0x2800, v1  }
0x60: {  	v2 =	vadd.s32 @!p0 $0x2800, v2;
	[tilespmem:$0x20] =	vst @!p0 v1;
	v1 =	vld @!p0 [tilespmem:$0x30]  }
0x61: {  	v0 =	vadd.s32 @!p0 $0x2800, v0;
	[tilespmem:$0x10] =	vst @!p0 v2;
	v2 =	vadd.s32 @!p0 $0x2800, v3  }
0x62: {  	v3 =	vadd.s32 @!p0 $0x2800, v4;
	[tilespmem:$0x60] =	vst @!p0 v2  }
0x63: {  	v2 =	vadd.s32 @!p0 $0x2800, v5;
	[tilespmem:$0x70] =	vst @!p0 v0  }
0x64: {  	v0 =	vadd.s32 @!p0 $0x2800, v6;
	[tilespmem:$0x40] =	vst @!p0 v2  }
0x65: {  	[tilespmem:$0x0] =	vst @!p0 v0;
	v0 =	vadd.s32 @!p0 $0x2800, v1  }
0x66: {  	s0 =	sadd.s32 @!p0 s0, s9;
	[tilespmem:$0x30] =	vst @!p0 v0  }
0x67: {  	[tilespmem:$0x50] =	vst @!p0 v3  }
0x68: {  	[tilespmem:s28], [sflag:$0x1] =	stream.indirect.gather @!p0 [hbm4b:s4+s25], $0x80, s26, s25, $0xb8;
	[tilespmem:$0x1C200] =	vst v63  }
.Ltmp0:
0x69: {  	s0 =	sadd.s32 @!p0 $0x200, s0;
	(pc) =	sbr.rel @p1 .LBB2_2-.Ltmp0, $4  }
0x6a: {  	[tilespmem:s29], [sflag:$0x3] =	stream.linear.gather @!p0 [hbm4b:s0+s26], $0x100, $0x38;
	[tilespmem:$0x1C200] =	vst v63  }
0x6b: {  	_ =	swait.ge @!p0 [sflag:s30], $0x100  }
0x6c: {  	[sflag:s30] =	ssyncset.done @!p0 $0x0  }
0x6d: {  	[sflag:s30] =	ssyncadd.s32 @!p0 $0xFFFFFF00  }
0x6e: {  	v0 =	vld @!p0 [tilespmem:$0x170]  }
0x6f: {  	v1 =	vld @!p0 [tilespmem:$0x160]  }
0x70: {  	v2 =	vld @!p0 [tilespmem:$0x150]  }
0x71: {  	v3 =	vld @!p0 [tilespmem:$0x140]  }
0x72: {  	v4 =	vld @!p0 [tilespmem:$0x130]  }
0x73: {  	v5 =	vld @!p0 [tilespmem:$0x120];
	v0 =	vadd.s32 @!p0 $0x2800, v0  }
0x74: {  	v6 =	vld @!p0 [tilespmem:$0x110];
	v1 =	vadd.s32 @!p0 $0x2800, v1;
	[tilespmem:$0x170] =	vst @!p0 v0  }
0x75: {  	v2 =	vadd.s32 @!p0 $0x2800, v2;
	v0 =	vld @!p0 [tilespmem:$0x100];
	[tilespmem:$0x160] =	vst @!p0 v1  }
0x76: {  	v1 =	vadd.s32 @!p0 $0x2800, v3;
	[tilespmem:$0x150] =	vst @!p0 v2  }
0x77: {  	v2 =	vadd.s32 @!p0 $0x2800, v4;
	[tilespmem:$0x140] =	vst @!p0 v1  }
0x78: {  	v1 =	vadd.s32 @!p0 $0x2800, v5;
	[tilespmem:$0x130] =	vst @!p0 v2  }
0x79: {  	v2 =	vadd.s32 @!p0 $0x2800, v6;
	[tilespmem:$0x120] =	vst @!p0 v1  }
0x7a: {  	[tilespmem:$0x110] =	vst @!p0 v2;
	v0 =	vadd.s32 @!p0 $0x2800, v0  }
0x7b: {  	[tilespmem:$0x100] =	vst @!p0 v0  }
0x7c: {  	[tilespmem:s14], [sflag:$0x2] =	stream.indirect.gather [hbm4b:s4+s12], $0x80, s13, s12, $0xb8;
	[tilespmem:$0x1C200] =	vst v63  }
0x7d: {  	_ =	swait.ge [sflag:s15], $0x4000  }
0x7e: {  	[sflag:s15] =	ssyncset.done $0x0  }
0x7f: {  	[sflag:s15] =	ssyncadd.s32 $0xFFFFC000  }
0x80: {  	[spmem:s2] =	stream.indirect.scatter.add.f32 [tilespmem:s16], [sflag:$0x3], $0x80, s12, s12, $0xb8;
	[tilespmem:$0x1C200] =	vst v63  }
0x81: {  	_ =	swait.ge [sflag:s11], $0x4000  }
0x82: {  	[sflag:s11] =	ssyncset.done $0x0  }
0x83: {  	[sflag:s11] =	ssyncadd.s32 $0xFFFFC000  }
0x84: {  	_ =	swait.ge [sflag:s17], $0x4000  }
0x85: {  	[sflag:s17] =	ssyncset.done $0x0  }
0x86: {  	[sflag:s17] =	ssyncadd.s32 $0xFFFFC000  }
0x87: {  	[spmem:s2] =	stream.indirect.scatter.add.f32 [tilespmem:s14], [sflag:$0x3], $0x80, s18, s12, $0xb8;
	[tilespmem:$0x1C200] =	vst v63  }
0x88: {  	_ =	swait.ge [sflag:s11], $0x4000  }
0x89: {  	s19 =	sadd.s32 $0x1, s19;
	[sflag:s11] =	ssyncset.done $0x0  }
0x8a: {  	p1 =	sne.s32 s19, s8;
	[sflag:s11] =	ssyncadd.s32 $0xFFFFC000  }
.Ltmp1:
0x8b: {  	[bflag:$0x0] =	sbarrier.arrive $0xFFFF;
	(pc) =	sbr.rel @p1 .LBB2_1-.Ltmp1, $4  }
0x8c: {  	[hbm:s7], [sflag:s6] =	dma.local [spmem:s10], $0x2800  }
0x8d: {  	_ =	swait.ge [sflag:s11], $0x2800  }
0x8e: {  	[sflag:s11] =	ssyncset.done $0x0  }
0x8f: {  	[sflag:s11] =	ssyncadd.s32 $0xFFFFD800  }
0x90: {  	_ =	sfence.sel $0x180000  }
0x91: {  	[bflag:$0x0] =	sbarrier.arrive $0xFFFF  }
0x92: {  	_ =	strace $0x9000004A  }
0x93: {  	s0 =	stileid.u32;
	[bflag:$0x2] =	sbarrier.arrive $0xFFFF  }
0x94: {  	p0 =	sne.s32 s0, $0x0;
	s0 =	rddreg [dreg:$0x3]  }
0x95: {  	s0 =	sadd.s32 @!p0 $0x100000, s0  }
0x96: {  	[sflag:s0] =	ssyncadd.tile.s32 @!p0 $0x1;
	_ =	shalt  }
.Lfunc_end2:
_tile_overlayer_lowered:
.L_overlay_start_2:
0x97: {  	(tag) =	ssettag $0x2  }
0x98: {  	s0 =	rddreg [dreg:$0x0];
	s2 =	stileid.u32  }
0x99: {  	s1 =	rddreg [dreg:$0x1];
	p0 =	sne.s32 s2, $0x0  }
0x9a: {  	s3 =	rddreg [dreg:$0x2];
	[bflag:$0x3] =	sbarrier.arrive $0xFFFF;
	s2 =	simm.s32 @!p0 $0x1C03  }
0x9b: {  	[timem:s3], [sflag:s2] =	dma.local @!p0 [hbm:s0], s1  }
0x9c: {  	s0 =	simm.s32 @!p0 $0x3  }
0x9d: {  	_ =	swait.ge @!p0 [sflag:s0], s1  }
0x9e: {  	s1 =	ssub.s32 @!p0 $0x0, s1;
	[sflag:s0] =	ssyncset.done @!p0 $0x0  }
0x9f: {  	[sflag:s0] =	ssyncadd.s32 @!p0 s1  }
0xa0: {  	[bflag:$0x3] =	sbarrier.arrive $0xFFFF  }
0xa1: {  	_ =	shalt  }

// kernel: kernel.16.cloned.1.call-start
scs
__scs_entry_jumppad:
0x0: {  	(pc) =	sbr.rel $0x88, $3  }
0x1: {  	(tag) =	ssettag $0x0;
	lr =	simm.s32 $0x1  }
0x2: {  	[smem:$0x3F99] =	sst lr;
	_ =	strace $0xD0000000  }
0x3: {  	_ = 	snop  }
0x4: {  	_ = 	snop  }
0x5: {  	_ = 	snop  }
0x6: {  	_ = 	snop  }
0x7: {  	_ = 	snop  }
__scs_overlays_trampoline_lowered:
0x8: {  	[smem:$0x3FA8] =	sst s0  }
0x9: {  	[smem:$0x3FA9] =	sst s1  }
0xa: {  	[smem:$0x3FAA] =	sst s2  }
0xb: {  	[smem:$0x3FAB] =	sst s3  }
0xc: {  	[smem:$0x3FAC] =	sst s4  }
0xd: {  	[smem:$0x3FAD] =	sst s5  }
0xe: {  	[smem:$0x3FAE] =	sst s6  }
0xf: {  	[smem:$0x3FAF] =	sst s7  }
0x10: {  	[smem:$0x3FB0] =	sst s8  }
0x11: {  	[smem:$0x3FB1] =	sst s9;
	s0 =	simm.s32 @!p0 $0x0  }
0x12: {  	s1 =	sld [smem:$0x3F97];
	s0 =	simm.s32 @p0 $0x1  }
0x13: {  	[smem:$0x3FB2] =	sst s0;
	s0 =	simm.s32 @!p1 $0x0  }
0x14: {  	s2 =	sld [smem:$0x3F96];
	s0 =	simm.s32 @p1 $0x1  }
0x15: {  	[smem:$0x3FB3] =	sst s0;
	s0 =	simm.s32 @!p2 $0x0  }
0x16: {  	s3 =	sld [smem:$0x3FDB];
	s0 =	simm.s32 @p2 $0x1  }
0x17: {  	s4 =	simm.s32 $0x1BF5;
	[smem:$0x3FB5] =	sst s0  }
0x18: {  	s0 =	sld [smem:$0x3F98];
	_ =	swait.ge [sflag:s4], $0x0  }
0x19: {  	s7 =	sld [smem:$0x3F99]  }
0x1a: {  	s8 =	sadd.s32 $0xFFFFE003, lr  }
0x1b: {  	s9 =	sadd.s32 $0xFFFFFEF7, lr;
	s5 =	simm.s32 $0xFFFFFFFF;
	p2 =	slt.u32 s8, $0xFFFFF086  }
0x1c: {  	p1 =	slt.u32 s9, $0xF7A;
	s5 =	simm.s32 @!p2 $0x0  }
0x1d: {  	s5 =	simm.s32 @p1 $0x1;
	p0 =	seq.s32 s7, s2  }
0x1e: {  	s7 =	smul.u32 @!p0 $0xF7A, s2;
	p2 =	seq.s32 @!p0 s5, $0x0  }
0x1f: {  	s9 =	smul.u32 $0xF7A, s1;
	s8 =	simm.s32 @!p0 $0x1BF5;
	p2 =	por !p2, p0  }
0x20: {  	[sflag:s8] =	ssyncset.s32 @!p0 $0xFFFFF086;
	s6 =	sadd.s32 @!p0 s3, s7;
	s7 =	simm.s32 @!p0 $0x108  }
0x21: {  	s3 =	sadd.s32 s3, s9;
	s6 =	sadd.s32 @!p0 $0x88, s6;
	s7 =	simm.s32 @p2 $0x1082  }
0x22: {  	[simem:s7], [sflag:s8] =	dma.local @!p0 [hbm:s6], $0xF7A  }
0x23: {  	s9 =	sor.u32 $0xD0000000, s2;
	s6 =	simm.s32 $0x108;
	_ =	swait.ge @!p0 [sflag:s8], $0x0  }
0x24: {  	s3 =	sadd.s32 $0x88, s3;
	s6 =	simm.s32 @!p1 $0x1082;
	[sflag:s4] =	ssyncset.s32 $0xFFFFF086  }
0x25: {  	[simem:s6], [sflag:s4] =	dma.local [hbm:s3], $0xF7A  }
0x26: {  	[smem:$0x3F99] =	sst s1;
	(tag) =	ssettag s2;
	_ =	strace s9  }
0x27: {  	s1 =	sld [smem:$0x3FA9]  }
0x28: {  	s2 =	sld [smem:$0x3FAA]  }
0x29: {  	s4 =	sld [smem:$0x3FAC]  }
0x2a: {  	p0 =	seq.s32 s5, $0x0;
	s5 =	sld [smem:$0x3FAD]  }
0x2b: {  	s6 =	sld [smem:$0x3FAE]  }
0x2c: {  	s7 =	sld [smem:$0x3FAF]  }
0x2d: {  	s3 =	simm.s32 $0x108;
	s8 =	sld [smem:$0x3FB0]  }
0x2e: {  	s3 =	simm.s32 @!p0 $0x1082;
	s9 =	sld [smem:$0x3FB1]  }
0x2f: {  	lr =	sadd.s32 s0, s3;
	s0 =	sld [smem:$0x3FA8]  }
0x30: {  	s3 =	sld [smem:$0x3FAB]  }
0x31: {  	[smem:$0x3FB4] =	sst s10  }
0x32: {  	s10 =	sld [smem:$0x3FB2];
	_ =	sdelay $0x3  }
0x33: {  	p0 =	seq.s32 s10, $0x1;
	s10 =	sld [smem:$0x3FB4];
	_ =	sdelay $0x3  }
0x34: {  	[smem:$0x3FB4] =	sst s10  }
0x35: {  	s10 =	sld [smem:$0x3FB3];
	_ =	sdelay $0x3  }
0x36: {  	p1 =	seq.s32 s10, $0x1;
	s10 =	sld [smem:$0x3FB4];
	_ =	sdelay $0x3  }
0x37: {  	[smem:$0x3FB4] =	sst s10  }
0x38: {  	s10 =	sld [smem:$0x3FB5]  }
0x39: {  	_ = 	snop;
	(pc) =	sbr.ind lr, $3  }
0x3a: {  	_ = 	snop  }
0x3b: {  	_ = 	snop  }
0x3c: {  	p2 =	seq.s32 s10, $0x1;
	s10 =	sld [smem:$0x3FB4]  }
0x3d: {  	_ =	shalt  }
0x3e: {  	_ =	shalt  }
0x3f: {  	_ =	shalt  }
0x40: {  	_ =	shalt  }
0x41: {  	_ =	shalt  }
0x42: {  	_ =	shalt  }
0x43: {  	_ =	shalt  }
0x44: {  	_ =	shalt  }
0x45: {  	_ =	shalt  }
0x46: {  	_ =	shalt  }
0x47: {  	_ =	shalt  }
0x48: {  	_ =	shalt  }
0x49: {  	_ =	shalt  }
0x4a: {  	_ =	shalt  }
0x4b: {  	_ =	shalt  }
0x4c: {  	_ =	shalt  }
0x4d: {  	_ =	shalt  }
0x4e: {  	_ =	shalt  }
0x4f: {  	_ =	shalt  }
0x50: {  	_ =	shalt  }
0x51: {  	_ =	shalt  }
0x52: {  	_ =	shalt  }
0x53: {  	_ =	shalt  }
0x54: {  	_ =	shalt  }
0x55: {  	_ =	shalt  }
0x56: {  	_ =	shalt  }
0x57: {  	_ =	shalt  }
0x58: {  	_ =	shalt  }
0x59: {  	_ =	shalt  }
0x5a: {  	_ =	shalt  }
0x5b: {  	_ =	shalt  }
0x5c: {  	_ =	shalt  }
0x5d: {  	_ =	shalt  }
0x5e: {  	_ =	shalt  }
0x5f: {  	_ =	shalt  }
0x60: {  	_ =	shalt  }
0x61: {  	_ =	shalt  }
0x62: {  	_ =	shalt  }
0x63: {  	_ =	shalt  }
0x64: {  	_ =	shalt  }
0x65: {  	_ =	shalt  }
0x66: {  	_ =	shalt  }
0x67: {  	_ =	shalt  }
0x68: {  	_ =	shalt  }
0x69: {  	_ =	shalt  }
0x6a: {  	_ =	shalt  }
0x6b: {  	_ =	shalt  }
0x6c: {  	_ =	shalt  }
0x6d: {  	_ =	shalt  }
0x6e: {  	_ =	shalt  }
0x6f: {  	_ =	shalt  }
0x70: {  	_ =	shalt  }
0x71: {  	_ =	shalt  }
0x72: {  	_ =	shalt  }
0x73: {  	_ =	shalt  }
0x74: {  	_ =	shalt  }
0x75: {  	_ =	shalt  }
0x76: {  	_ =	shalt  }
0x77: {  	_ =	shalt  }
0x78: {  	_ =	shalt  }
0x79: {  	_ =	shalt  }
0x7a: {  	_ =	shalt  }
0x7b: {  	_ =	shalt  }
0x7c: {  	_ =	shalt  }
0x7d: {  	_ =	shalt  }
0x7e: {  	_ =	shalt  }
0x7f: {  	_ =	shalt  }
0x80: {  	_ =	shalt  }
0x81: {  	_ =	shalt  }
0x82: {  	_ =	shalt  }
0x83: {  	_ =	shalt  }
0x84: {  	_ =	shalt  }
0x85: {  	_ =	shalt  }
0x86: {  	_ =	shalt  }
0x87: {  	_ =	shalt  }
.Lfunc_end0:
.L_simem_size_0:
called_computation.2_lowered:
.L_overlay_start_0:
0x88: {  	s2 =	sld [smem:$0x3FD9]  }
0x89: {  	s3 =	sld [smem:$0x3FFE];
	_ =	sdelay $0x1  }
0x8a: {  	s1 =	srdreg.scid  }
0x8b: {  	s0 =	sand.u32 $0x1, s1  }
0x8c: {  	s17 =	sshll.u32 s0, $0xA;
	s2 =	sadd.s32 s3, s2  }
0x8d: {  	s2 =	sadd.s32 s2, s17  }
0x8e: {  	[smem:$0x3FC0] =	sst s2  }
0x8f: {  	_ = 	snop  }
0x90: {  	s2 =	sld [smem:$0x3FD0];
	(tm) =	ssettm $0x1  }
0x91: {  	s18 =	sld [smem:$0x3FFB];
	_ =	sdelay $0x3  }
0x92: {  	_ =	strace s18  }
0x93: {  	s3 =	sld [smem:$0x3FFC];
	_ =	sdelay $0x3  }
0x94: {  	_ =	strace s3  }
0x95: {  	s3 =	sld [smem:$0x3FFD];
	_ =	sdelay $0x3  }
0x96: {  	_ =	strace s3  }
0x97: {  	_ =	strace $0x8FFFFFFF  }
0x98: {  	s19 =	sld [smem:$0x3FDB];
	_ =	sdelay $0x1  }
0x99: {  	s4 =	simm.s32 $_scs_section_size  }
0x9a: {  	s5 =	simm.s32 $_size__tile_overlayer_lowered;
	s6 =	simm.s32 $_tile_overlayer_lowered  }
0x9b: {  	s22 =	simm.s32 $0x1BFF;
	s21 =	sshll.u32 s6, $0x1;
	s3 =	sadd.s32 s4, s19  }
0x9c: {  	s7 =	simm.s32 $0x0;
	s20 =	sshll.u32 s5, $0x1;
	s5 =	sadd.s32 s21, s3  }
0x9d: {  	[timem:s7], [sflag:s22] =	dma.local [hbm:s5], s20  }
0x9e: {  	_ =	swait.ge [sflag:s22], s20  }
0x9f: {  	s4 =	ssub.s32 $0x0, s20;
	[sflag:s22] =	ssyncset.done $0x0  }
0xa0: {  	[sflag:s22] =	ssyncadd.s32 s4;
	_ =	sdelay $0x1  }
0xa1: {  	s23 =	simm.s32 $0x1B8B  }
0xa2: {  	_ =	swait.ge [sflag:s23], $0x1  }
0xa3: {  	[sflag:s23] =	ssyncset.done $0x0  }
0xa4: {  	s25 =	simm.s32 $0x1B8E;
	s24 =	sld [smem:$0x3FFE];
	[sflag:s23] =	ssyncadd.s32 $0xFFFFFFFF  }
0xa5: {  	s26 =	simm.s32 $execute0_lowered;
	[smem:$0x3FD2] =	sst s25  }
0xa6: {  	s5 =	sshll.u32 s26, $0x1;
	_ =	strace $0x8000004C;
	[dreg:$0x1] =	wrdreg $0xFFFFFFFF  }
0xa7: {  	s28 =	simm.s32 $_size_execute0_lowered;
	s3 =	sadd.s32 s3, s5;
	[dreg:$0x0] =	wrdreg $0x0  }
0xa8: {  	s5 =	sshll.u32 s28, $0x1;
	[dreg:$0x2] =	wrdreg s3  }
0xa9: {  	[dreg:$0x3] =	wrdreg s5  }
0xaa: {  	[dreg:$0x4] =	wrdreg $0xC0  }
0xab: {  	_ =	task [dreg:s7], $0x5FFFF  }
0xac: {  	[dreg:$0x1] =	wrdreg $0xFFFFFFFF  }
0xad: {  	[dreg:$0x0] =	wrdreg $0x60  }
0xae: {  	[dreg:$0x2] =	wrdreg s24  }
0xaf: {  	[dreg:$0x3] =	wrdreg s2  }
0xb0: {  	[dreg:$0x4] =	wrdreg $0x82000  }
0xb1: {  	[dreg:$0x5] =	wrdreg $0x9  }
0xb2: {  	_ =	task.clear_ibuf [dreg:s7], $0x6FFFF;
	_ =	strace $0x9000004C  }
0xb3: {  	s29 =	simm.s32 $0x9;
	_ =	strace $0x8000004E  }
0xb4: {  	_ =	swait.ge [sflag:s29], $0x1  }
0xb5: {  	[sflag:s29] =	ssyncadd.s32 $0xFFFFFFFF  }
0xb6: {  	_ =	strace $0x9000004E  }
0xb7: {  	_ =	sfence  }
0xb8: {  	s30 =	sld [smem:$0x0];
	_ =	sdelay $0x2  }
0xb9: {  	s31 =	sshll.u32 s1, $0xD;
	s1 =	sshrl.u32 s1, $0x2  }
0xba: {  	s3 =	sand.u32 $0x4000, s31;
	s1 =	sadd.s32 s1, s30  }
0xbb: {  	s0 =	sor.u32 s3, s0;
	s1 =	sshll.u32 s1, $0x11  }
0xbc: {  	s0 =	sor.u32 s1, s0  }
0xbd: {  	s0 =	sadd.s32 $0x8F2B, s0  }
0xbe: {  	[sflag:s0] =	ssyncadd.remote.s32 $0x1  }
0xbf: {  	_ =	sfence.sel $0xFFFF  }
0xc0: {  	[dreg:$0x0] =	wrdreg $0xFFFFFFFF;
	(pc) =	sbr.abs _section_cstart, $3  }
0xc1: {  	[dreg:$0x1] =	wrdreg $0xFFFFFFFF  }
0xc2: {  	_ =	task.clear_ibuf [dreg:s7], $0x2FFFF;
	_ =	strace $0x9FFFFFFF  }
0xc3: {  	(tm) =	ssettm $0x7FFFFFFF  }
tec
execute0_lowered:
.L_overlay_start_1:
0x0: {  	(tag) =	ssettag $0x1  }
0x1: {  	s0 =	rddreg [dreg:$0x0]  }
0x2: {  	s9 =	rddreg [dreg:$0x1];
	s1 =	srdreg.scid  }
0x3: {  	s2 =	rddreg [dreg:$0x2];
	s29 =	stileid.u32;
	s3 =	simm.s32 $0x0  }
0x4: {  	s13 =	simm.s32 $0x100;
	s14 =	simm.s32 $0x4200;
	s15 =	simm.s32 $0x1  }
0x5: {  	s16 =	simm.s32 $0x200;
	s17 =	simm.s32 $0x2;
	s18 =	simm.s32 $0x180  }
0x6: {  	s19 =	simm.s32 $0x0;
	s12 =	sand.u32 $0x1, s1;
	s5 =	smul.u32 $0x14000, s29  }
0x7: {  	[smem:$0x7FF] =	sst s3;
	s7 =	smul.u32 $0x50000, s29;
	s10 =	sshll.u32 s29, $0x6  }
0x8: {  	s31 =	sshll.u32 s29, $0x5;
	s4 =	smul.u32 $0x140000, s12;
	_ =	strace $0x8000004D  }
0x9: {  	s30 =	ssub.s32 $0x2, s12;
	s9 =	sadd.s32 s31, s9;
	p0 =	seq.s32 s12, $0x0  }
0xa: {  	s12 =	simm.s32 $0x80;
	s8 =	sshrl.u32 s30, $0x1;
	s7 =	sshrl.u32 s7, $0x2  }
0xb: {  	s5 =	sadd.s32 s5, s4;
	s4 =	sadd.s32 $0x10200, s0;
	s8 =	ssub.s32 s30, s8  }
0xc: {  	s11 =	sadd.s32 s7, s2;
	s6 =	sshrl.u32 s5, $0x3;
	s5 =	sadd.s32 $0xDA00, s0  }
0xd: {  	s8 =	smax.u32 s8, $0x1;
	s0 =	sadd.s32 s6, s0;
	s6 =	sor.u32 $0x1C03, s10  }
0xe: {  	s10 =	sshrl.u32 s11, $0x3;
	s11 =	simm.s32 $0x3;
	s7 =	sadd.s32 $0x60200, s0  }
.LBB2_1:
0xf: {  	[spmem:s10], [sflag:s6] =	dma.local [hbm:s5], $0x2800  }
0x10: {  	_ =	swait.ge [sflag:s11], $0x2800  }
0x11: {  	[sflag:s11] =	ssyncset.done $0x0  }
0x12: {  	[sflag:s11] =	ssyncadd.s32 $0xFFFFD800  }
0x13: {  	s0 =	sadd.s32 $0x0, s9;
	[bflag:$0x0] =	sbarrier.arrive $0xFFFF  }
0x14: {  	[tilespmem:s3], [sflag:$0x3] =	stream.linear.gather [hbm4b:s0+s3], $0x100, $0x38;
	[tilespmem:$0x1C200] =	vst v63  }
0x15: {  	_ =	swait.ge [sflag:s11], $0x100  }
0x16: {  	s20 =	simm.s32 @p0 $0x200;
	s21 =	simm.s32 @p0 $0x80;
	[sflag:s11] =	ssyncset.done $0x0  }
0x17: {  	s22 =	simm.s32 @p0 $0x0;
	s0 =	sadd.s32 @p0 $0x0, s9;
	[sflag:s11] =	ssyncadd.s32 $0xFFFFFF00  }
0x18: {  	[tilespmem:s20], [sflag:$0x1] =	stream.indirect.gather @p0 [hbm4b:s4+s21], $0x80, s22, s21, $0xb8;
	[tilespmem:$0x1C200] =	vst v63  }
0x19: {  	s23 =	simm.s32 @p0 $0x100;
	s24 =	simm.s32 @p0 $0x3;
	s0 =	sadd.s32 @p0 $0x200, s0  }
0x1a: {  	[tilespmem:s23], [sflag:$0x3] =	stream.linear.gather @p0 [hbm4b:s0+s22], $0x100, $0x38;
	[tilespmem:$0x1C200] =	vst v63  }
0x1b: {  	_ =	swait.ge @p0 [sflag:s24], $0x100  }
0x1c: {  	[sflag:s24] =	ssyncset.done @p0 $0x0  }
0x1d: {  	[sflag:s24] =	ssyncadd.s32 @p0 $0xFFFFFF00  }
0x1e: {  	v0 =	vld @!p0 [tilespmem:$0x20]  }
0x1f: {  	v1 =	vld @!p0 [tilespmem:$0x10]  }
0x20: {  	v2 =	vld @!p0 [tilespmem:$0x60]  }
0x21: {  	v3 =	vld @!p0 [tilespmem:$0x70]  }
0x22: {  	v4 =	vld @!p0 [tilespmem:$0x40]  }
0x23: {  	v5 =	vld @!p0 [tilespmem:$0x0];
	v0 =	vadd.s32 @!p0 $0x2800, v0  }
0x24: {  	v6 =	vld @!p0 [tilespmem:$0x50];
	v1 =	vadd.s32 @!p0 $0x2800, v1;
	[tilespmem:$0x20] =	vst @!p0 v0  }
0x25: {  	v0 =	vld @!p0 [tilespmem:$0x30];
	[tilespmem:$0x10] =	vst @!p0 v1;
	v1 =	vadd.s32 @!p0 $0x2800, v2  }
0x26: {  	v2 =	vadd.s32 @!p0 $0x2800, v3;
	[tilespmem:$0x60] =	vst @!p0 v1  }
0x27: {  	v1 =	vadd.s32 @!p0 $0x2800, v4;
	[tilespmem:$0x70] =	vst @!p0 v2  }
0x28: {  	v2 =	vadd.s32 @!p0 $0x2800, v5;
	[tilespmem:$0x40] =	vst @!p0 v1  }
0x29: {  	[tilespmem:$0x0] =	vst @!p0 v2;
	v1 =	vadd.s32 @!p0 $0x2800, v6  }
0x2a: {  	s25 =	simm.s32 @!p0 $0x80;
	[tilespmem:$0x50] =	vst @!p0 v1;
	v0 =	vadd.s32 @!p0 $0x2800, v0  }
0x2b: {  	s26 =	simm.s32 @!p0 $0x0;
	s28 =	simm.s32 @!p0 $0x200;
	s0 =	sadd.s32 @!p0 $0x0, s9;
	[tilespmem:$0x30] =	vst @!p0 v0  }
0x2c: {  	[tilespmem:s28], [sflag:$0x1] =	stream.indirect.gather @!p0 [hbm4b:s4+s25], $0x80, s26, s25, $0xb8;
	[tilespmem:$0x1C200] =	vst v63  }
0x2d: {  	s29 =	simm.s32 @!p0 $0x100;
	s30 =	simm.s32 @!p0 $0x3;
	s0 =	sadd.s32 @!p0 $0x200, s0  }
0x2e: {  	[tilespmem:s29], [sflag:$0x3] =	stream.linear.gather @!p0 [hbm4b:s0+s26], $0x100, $0x38;
	[tilespmem:$0x1C200] =	vst v63  }
0x2f: {  	_ =	swait.ge @!p0 [sflag:s30], $0x100  }
0x30: {  	[sflag:s30] =	ssyncset.done @!p0 $0x0  }
0x31: {  	s31 =	simm.s32 $0x400;
	[sflag:s30] =	ssyncadd.s32 @!p0 $0xFFFFFF00  }
.LBB2_2:
0x32: {  	v0 =	vld @!p0 [tilespmem:$0x170];
	s0 =	smov.u32 s31;
	s31 =	sadd.s32 $0x400, s31  }
0x33: {  	p1 =	sne.s32 s31, $0xA000;
	v1 =	vld @!p0 [tilespmem:$0x160]  }
0x34: {  	v2 =	vld @!p0 [tilespmem:$0x150]  }
0x35: {  	v3 =	vld @!p0 [tilespmem:$0x140]  }
0x36: {  	v4 =	vld @!p0 [tilespmem:$0x130]  }
0x37: {  	v5 =	vld @!p0 [tilespmem:$0x120];
	v0 =	vadd.s32 @!p0 $0x2800, v0  }
0x38: {  	v6 =	vld @!p0 [tilespmem:$0x110];
	v1 =	vadd.s32 @!p0 $0x2800, v1;
	[tilespmem:$0x170] =	vst @!p0 v0  }
0x39: {  	v0 =	vld @!p0 [tilespmem:$0x100];
	v2 =	vadd.s32 @!p0 $0x2800, v2;
	[tilespmem:$0x160] =	vst @!p0 v1  }
0x3a: {  	v1 =	vadd.s32 @!p0 $0x2800, v3;
	[tilespmem:$0x150] =	vst @!p0 v2  }
0x3b: {  	v2 =	vadd.s32 @!p0 $0x2800, v4;
	[tilespmem:$0x140] =	vst @!p0 v1  }
0x3c: {  	v1 =	vadd.s32 @!p0 $0x2800, v5;
	[tilespmem:$0x130] =	vst @!p0 v2  }
0x3d: {  	v2 =	vadd.s32 @!p0 $0x2800, v6;
	[tilespmem:$0x120] =	vst @!p0 v1  }
0x3e: {  	v0 =	vadd.s32 @!p0 $0x2800, v0;
	[tilespmem:$0x110] =	vst @!p0 v2  }
0x3f: {  	[tilespmem:$0x100] =	vst @!p0 v0  }
0x40: {  	[tilespmem:s14], [sflag:$0x2] =	stream.indirect.gather [hbm4b:s4+s12], $0x80, s13, s12, $0xb8;
	[tilespmem:$0x1C200] =	vst v63  }
0x41: {  	_ =	swait.ge [sflag:s15], $0x4000  }
0x42: {  	[sflag:s15] =	ssyncset.done $0x0  }
0x43: {  	[sflag:s15] =	ssyncadd.s32 $0xFFFFC000  }
0x44: {  	[spmem:s2] =	stream.indirect.scatter.add.f32 [tilespmem:s16], [sflag:$0x3], $0x80, s12, s12, $0xb8;
	[tilespmem:$0x1C200] =	vst v63  }
0x45: {  	_ =	swait.ge [sflag:s11], $0x4000  }
0x46: {  	[sflag:s11] =	ssyncset.done $0x0  }
0x47: {  	[sflag:s11] =	ssyncadd.s32 $0xFFFFC000  }
0x48: {  	_ =	swait.ge [sflag:s17], $0x4000  }
0x49: {  	[sflag:s17] =	ssyncset.done $0x0  }
0x4a: {  	[sflag:s17] =	ssyncadd.s32 $0xFFFFC000  }
0x4b: {  	[spmem:s2] =	stream.indirect.scatter.add.f32 [tilespmem:s14], [sflag:$0x3], $0x80, s18, s12, $0xb8;
	[tilespmem:$0x1C200] =	vst v63  }
0x4c: {  	_ =	swait.ge [sflag:s11], $0x4000  }
0x4d: {  	[sflag:s11] =	ssyncset.done $0x0  }
0x4e: {  	s1 =	sadd.s32 s0, s9;
	[sflag:s11] =	ssyncadd.s32 $0xFFFFC000  }
0x4f: {  	[tilespmem:s3], [sflag:$0x3] =	stream.linear.gather [hbm4b:s1+s3], $0x100, $0x38;
	[tilespmem:$0x1C200] =	vst v63  }
0x50: {  	_ =	swait.ge [sflag:s11], $0x100  }
0x51: {  	s1 =	sadd.s32 @p0 s0, s9;
	[sflag:s11] =	ssyncset.done $0x0  }
0x52: {  	[sflag:s11] =	ssyncadd.s32 $0xFFFFFF00  }
0x53: {  	[tilespmem:s20], [sflag:$0x1] =	stream.indirect.gather @p0 [hbm4b:s4+s21], $0x80, s22, s21, $0xb8;
	[tilespmem:$0x1C200] =	vst v63  }
0x54: {  	s1 =	sadd.s32 @p0 $0x200, s1  }
0x55: {  	[tilespmem:s23], [sflag:$0x3] =	stream.linear.gather @p0 [hbm4b:s1+s22], $0x100, $0x38;
	[tilespmem:$0x1C200] =	vst v63  }
0x56: {  	_ =	swait.ge @p0 [sflag:s24], $0x100  }
0x57: {  	[sflag:s24] =	ssyncset.done @p0 $0x0  }
0x58: {  	[sflag:s24] =	ssyncadd.s32 @p0 $0xFFFFFF00  }
0x59: {  	v0 =	vld @!p0 [tilespmem:$0x70]  }
0x5a: {  	v1 =	vld @!p0 [tilespmem:$0x20]  }
0x5b: {  	v2 =	vld @!p0 [tilespmem:$0x10]  }
0x5c: {  	v3 =	vld @!p0 [tilespmem:$0x60]  }
0x5d: {  	v4 =	vld @!p0 [tilespmem:$0x50]  }
0x5e: {  	v5 =	vld @!p0 [tilespmem:$0x40]  }
0x5f: {  	v6 =	vld @!p0 [tilespmem:$0x0];
	v1 =	vadd.s32 @!p0 $0x2800, v1  }
0x60: {  	v2 =	vadd.s32 @!p0 $0x2800, v2;
	[tilespmem:$0x20] =	vst @!p0 v1;
	v1 =	vld @!p0 [tilespmem:$0x30]  }
0x61: {  	v0 =	vadd.s32 @!p0 $0x2800, v0;
	[tilespmem:$0x10] =	vst @!p0 v2;
	v2 =	vadd.s32 @!p0 $0x2800, v3  }
0x62: {  	v3 =	vadd.s32 @!p0 $0x2800, v4;
	[tilespmem:$0x60] =	vst @!p0 v2  }
0x63: {  	v2 =	vadd.s32 @!p0 $0x2800, v5;
	[tilespmem:$0x70] =	vst @!p0 v0  }
0x64: {  	v0 =	vadd.s32 @!p0 $0x2800, v6;
	[tilespmem:$0x40] =	vst @!p0 v2  }
0x65: {  	[tilespmem:$0x0] =	vst @!p0 v0;
	v0 =	vadd.s32 @!p0 $0x2800, v1  }
0x66: {  	s0 =	sadd.s32 @!p0 s0, s9;
	[tilespmem:$0x30] =	vst @!p0 v0  }
0x67: {  	[tilespmem:$0x50] =	vst @!p0 v3  }
0x68: {  	[tilespmem:s28], [sflag:$0x1] =	stream.indirect.gather @!p0 [hbm4b:s4+s25], $0x80, s26, s25, $0xb8;
	[tilespmem:$0x1C200] =	vst v63  }
.Ltmp0:
0x69: {  	s0 =	sadd.s32 @!p0 $0x200, s0;
	(pc) =	sbr.rel @p1 .LBB2_2-.Ltmp0, $4  }
0x6a: {  	[tilespmem:s29], [sflag:$0x3] =	stream.linear.gather @!p0 [hbm4b:s0+s26], $0x100, $0x38;
	[tilespmem:$0x1C200] =	vst v63  }
0x6b: {  	_ =	swait.ge @!p0 [sflag:s30], $0x100  }
0x6c: {  	[sflag:s30] =	ssyncset.done @!p0 $0x0  }
0x6d: {  	[sflag:s30] =	ssyncadd.s32 @!p0 $0xFFFFFF00  }
0x6e: {  	v0 =	vld @!p0 [tilespmem:$0x170]  }
0x6f: {  	v1 =	vld @!p0 [tilespmem:$0x160]  }
0x70: {  	v2 =	vld @!p0 [tilespmem:$0x150]  }
0x71: {  	v3 =	vld @!p0 [tilespmem:$0x140]  }
0x72: {  	v4 =	vld @!p0 [tilespmem:$0x130]  }
0x73: {  	v5 =	vld @!p0 [tilespmem:$0x120];
	v0 =	vadd.s32 @!p0 $0x2800, v0  }
0x74: {  	v6 =	vld @!p0 [tilespmem:$0x110];
	v1 =	vadd.s32 @!p0 $0x2800, v1;
	[tilespmem:$0x170] =	vst @!p0 v0  }
0x75: {  	v2 =	vadd.s32 @!p0 $0x2800, v2;
	v0 =	vld @!p0 [tilespmem:$0x100];
	[tilespmem:$0x160] =	vst @!p0 v1  }
0x76: {  	v1 =	vadd.s32 @!p0 $0x2800, v3;
	[tilespmem:$0x150] =	vst @!p0 v2  }
0x77: {  	v2 =	vadd.s32 @!p0 $0x2800, v4;
	[tilespmem:$0x140] =	vst @!p0 v1  }
0x78: {  	v1 =	vadd.s32 @!p0 $0x2800, v5;
	[tilespmem:$0x130] =	vst @!p0 v2  }
0x79: {  	v2 =	vadd.s32 @!p0 $0x2800, v6;
	[tilespmem:$0x120] =	vst @!p0 v1  }
0x7a: {  	[tilespmem:$0x110] =	vst @!p0 v2;
	v0 =	vadd.s32 @!p0 $0x2800, v0  }
0x7b: {  	[tilespmem:$0x100] =	vst @!p0 v0  }
0x7c: {  	[tilespmem:s14], [sflag:$0x2] =	stream.indirect.gather [hbm4b:s4+s12], $0x80, s13, s12, $0xb8;
	[tilespmem:$0x1C200] =	vst v63  }
0x7d: {  	_ =	swait.ge [sflag:s15], $0x4000  }
0x7e: {  	[sflag:s15] =	ssyncset.done $0x0  }
0x7f: {  	[sflag:s15] =	ssyncadd.s32 $0xFFFFC000  }
0x80: {  	[spmem:s2] =	stream.indirect.scatter.add.f32 [tilespmem:s16], [sflag:$0x3], $0x80, s12, s12, $0xb8;
	[tilespmem:$0x1C200] =	vst v63  }
0x81: {  	_ =	swait.ge [sflag:s11], $0x4000  }
0x82: {  	[sflag:s11] =	ssyncset.done $0x0  }
0x83: {  	[sflag:s11] =	ssyncadd.s32 $0xFFFFC000  }
0x84: {  	_ =	swait.ge [sflag:s17], $0x4000  }
0x85: {  	[sflag:s17] =	ssyncset.done $0x0  }
0x86: {  	[sflag:s17] =	ssyncadd.s32 $0xFFFFC000  }
0x87: {  	[spmem:s2] =	stream.indirect.scatter.add.f32 [tilespmem:s14], [sflag:$0x3], $0x80, s18, s12, $0xb8;
	[tilespmem:$0x1C200] =	vst v63  }
0x88: {  	_ =	swait.ge [sflag:s11], $0x4000  }
0x89: {  	s19 =	sadd.s32 $0x1, s19;
	[sflag:s11] =	ssyncset.done $0x0  }
0x8a: {  	p1 =	sne.s32 s19, s8;
	[sflag:s11] =	ssyncadd.s32 $0xFFFFC000  }
.Ltmp1:
0x8b: {  	[bflag:$0x0] =	sbarrier.arrive $0xFFFF;
	(pc) =	sbr.rel @p1 .LBB2_1-.Ltmp1, $4  }
0x8c: {  	[hbm:s7], [sflag:s6] =	dma.local [spmem:s10], $0x2800  }
0x8d: {  	_ =	swait.ge [sflag:s11], $0x2800  }
0x8e: {  	[sflag:s11] =	ssyncset.done $0x0  }
0x8f: {  	[sflag:s11] =	ssyncadd.s32 $0xFFFFD800  }
0x90: {  	_ =	sfence.sel $0x180000  }
0x91: {  	[bflag:$0x0] =	sbarrier.arrive $0xFFFF  }
0x92: {  	_ =	strace $0x9000004D  }
0x93: {  	s0 =	stileid.u32;
	[bflag:$0x2] =	sbarrier.arrive $0xFFFF  }
0x94: {  	p0 =	sne.s32 s0, $0x0;
	s0 =	rddreg [dreg:$0x3]  }
0x95: {  	s0 =	sadd.s32 @!p0 $0x100000, s0  }
0x96: {  	[sflag:s0] =	ssyncadd.tile.s32 @!p0 $0x1;
	_ =	shalt  }
.Lfunc_end2:
_tile_overlayer_lowered:
.L_overlay_start_2:
0x97: {  	(tag) =	ssettag $0x2  }
0x98: {  	s0 =	rddreg [dreg:$0x0];
	s2 =	stileid.u32  }
0x99: {  	s1 =	rddreg [dreg:$0x1];
	p0 =	sne.s32 s2, $0x0  }
0x9a: {  	s3 =	rddreg [dreg:$0x2];
	[bflag:$0x3] =	sbarrier.arrive $0xFFFF;
	s2 =	simm.s32 @!p0 $0x1C03  }
0x9b: {  	[timem:s3], [sflag:s2] =	dma.local @!p0 [hbm:s0], s1  }
0x9c: {  	s0 =	simm.s32 @!p0 $0x3  }
0x9d: {  	_ =	swait.ge @!p0 [sflag:s0], s1  }
0x9e: {  	s1 =	ssub.s32 @!p0 $0x0, s1;
	[sflag:s0] =	ssyncset.done @!p0 $0x0  }
0x9f: {  	[sflag:s0] =	ssyncadd.s32 @!p0 s1  }
0xa0: {  	[bflag:$0x3] =	sbarrier.arrive $0xFFFF  }
0xa1: {  	_ =	shalt  }

// kernel: kernel.19.cloned.1.call-start
scs
__scs_entry_jumppad:
0x0: {  	(pc) =	sbr.rel $0x88, $3  }
0x1: {  	(tag) =	ssettag $0x0;
	lr =	simm.s32 $0x1  }
0x2: {  	[smem:$0x3F99] =	sst lr;
	_ =	strace $0xD0000000  }
0x3: {  	_ = 	snop  }
0x4: {  	_ = 	snop  }
0x5: {  	_ = 	snop  }
0x6: {  	_ = 	snop  }
0x7: {  	_ = 	snop  }
__scs_overlays_trampoline_lowered:
0x8: {  	[smem:$0x3FA8] =	sst s0  }
0x9: {  	[smem:$0x3FA9] =	sst s1  }
0xa: {  	[smem:$0x3FAA] =	sst s2  }
0xb: {  	[smem:$0x3FAB] =	sst s3  }
0xc: {  	[smem:$0x3FAC] =	sst s4  }
0xd: {  	[smem:$0x3FAD] =	sst s5  }
0xe: {  	[smem:$0x3FAE] =	sst s6  }
0xf: {  	[smem:$0x3FAF] =	sst s7  }
0x10: {  	[smem:$0x3FB0] =	sst s8  }
0x11: {  	[smem:$0x3FB1] =	sst s9;
	s0 =	simm.s32 @!p0 $0x0  }
0x12: {  	s1 =	sld [smem:$0x3F97];
	s0 =	simm.s32 @p0 $0x1  }
0x13: {  	[smem:$0x3FB2] =	sst s0;
	s0 =	simm.s32 @!p1 $0x0  }
0x14: {  	s2 =	sld [smem:$0x3F96];
	s0 =	simm.s32 @p1 $0x1  }
0x15: {  	[smem:$0x3FB3] =	sst s0;
	s0 =	simm.s32 @!p2 $0x0  }
0x16: {  	s3 =	sld [smem:$0x3FDB];
	s0 =	simm.s32 @p2 $0x1  }
0x17: {  	s4 =	simm.s32 $0x1BF5;
	[smem:$0x3FB5] =	sst s0  }
0x18: {  	s0 =	sld [smem:$0x3F98];
	_ =	swait.ge [sflag:s4], $0x0  }
0x19: {  	s7 =	sld [smem:$0x3F99]  }
0x1a: {  	s8 =	sadd.s32 $0xFFFFE003, lr  }
0x1b: {  	s9 =	sadd.s32 $0xFFFFFEF7, lr;
	s5 =	simm.s32 $0xFFFFFFFF;
	p2 =	slt.u32 s8, $0xFFFFF086  }
0x1c: {  	p1 =	slt.u32 s9, $0xF7A;
	s5 =	simm.s32 @!p2 $0x0  }
0x1d: {  	s5 =	simm.s32 @p1 $0x1;
	p0 =	seq.s32 s7, s2  }
0x1e: {  	s7 =	smul.u32 @!p0 $0xF7A, s2;
	p2 =	seq.s32 @!p0 s5, $0x0  }
0x1f: {  	s9 =	smul.u32 $0xF7A, s1;
	s8 =	simm.s32 @!p0 $0x1BF5;
	p2 =	por !p2, p0  }
0x20: {  	[sflag:s8] =	ssyncset.s32 @!p0 $0xFFFFF086;
	s6 =	sadd.s32 @!p0 s3, s7;
	s7 =	simm.s32 @!p0 $0x108  }
0x21: {  	s3 =	sadd.s32 s3, s9;
	s6 =	sadd.s32 @!p0 $0x88, s6;
	s7 =	simm.s32 @p2 $0x1082  }
0x22: {  	[simem:s7], [sflag:s8] =	dma.local @!p0 [hbm:s6], $0xF7A  }
0x23: {  	s9 =	sor.u32 $0xD0000000, s2;
	s6 =	simm.s32 $0x108;
	_ =	swait.ge @!p0 [sflag:s8], $0x0  }
0x24: {  	s3 =	sadd.s32 $0x88, s3;
	s6 =	simm.s32 @!p1 $0x1082;
	[sflag:s4] =	ssyncset.s32 $0xFFFFF086  }
0x25: {  	[simem:s6], [sflag:s4] =	dma.local [hbm:s3], $0xF7A  }
0x26: {  	[smem:$0x3F99] =	sst s1;
	(tag) =	ssettag s2;
	_ =	strace s9  }
0x27: {  	s1 =	sld [smem:$0x3FA9]  }
0x28: {  	s2 =	sld [smem:$0x3FAA]  }
0x29: {  	s4 =	sld [smem:$0x3FAC]  }
0x2a: {  	p0 =	seq.s32 s5, $0x0;
	s5 =	sld [smem:$0x3FAD]  }
0x2b: {  	s6 =	sld [smem:$0x3FAE]  }
0x2c: {  	s7 =	sld [smem:$0x3FAF]  }
0x2d: {  	s3 =	simm.s32 $0x108;
	s8 =	sld [smem:$0x3FB0]  }
0x2e: {  	s3 =	simm.s32 @!p0 $0x1082;
	s9 =	sld [smem:$0x3FB1]  }
0x2f: {  	lr =	sadd.s32 s0, s3;
	s0 =	sld [smem:$0x3FA8]  }
0x30: {  	s3 =	sld [smem:$0x3FAB]  }
0x31: {  	[smem:$0x3FB4] =	sst s10  }
0x32: {  	s10 =	sld [smem:$0x3FB2];
	_ =	sdelay $0x3  }
0x33: {  	p0 =	seq.s32 s10, $0x1;
	s10 =	sld [smem:$0x3FB4];
	_ =	sdelay $0x3  }
0x34: {  	[smem:$0x3FB4] =	sst s10  }
0x35: {  	s10 =	sld [smem:$0x3FB3];
	_ =	sdelay $0x3  }
0x36: {  	p1 =	seq.s32 s10, $0x1;
	s10 =	sld [smem:$0x3FB4];
	_ =	sdelay $0x3  }
0x37: {  	[smem:$0x3FB4] =	sst s10  }
0x38: {  	s10 =	sld [smem:$0x3FB5]  }
0x39: {  	_ = 	snop;
	(pc) =	sbr.ind lr, $3  }
0x3a: {  	_ = 	snop  }
0x3b: {  	_ = 	snop  }
0x3c: {  	p2 =	seq.s32 s10, $0x1;
	s10 =	sld [smem:$0x3FB4]  }
0x3d: {  	_ =	shalt  }
0x3e: {  	_ =	shalt  }
0x3f: {  	_ =	shalt  }
0x40: {  	_ =	shalt  }
0x41: {  	_ =	shalt  }
0x42: {  	_ =	shalt  }
0x43: {  	_ =	shalt  }
0x44: {  	_ =	shalt  }
0x45: {  	_ =	shalt  }
0x46: {  	_ =	shalt  }
0x47: {  	_ =	shalt  }
0x48: {  	_ =	shalt  }
0x49: {  	_ =	shalt  }
0x4a: {  	_ =	shalt  }
0x4b: {  	_ =	shalt  }
0x4c: {  	_ =	shalt  }
0x4d: {  	_ =	shalt  }
0x4e: {  	_ =	shalt  }
0x4f: {  	_ =	shalt  }
0x50: {  	_ =	shalt  }
0x51: {  	_ =	shalt  }
0x52: {  	_ =	shalt  }
0x53: {  	_ =	shalt  }
0x54: {  	_ =	shalt  }
0x55: {  	_ =	shalt  }
0x56: {  	_ =	shalt  }
0x57: {  	_ =	shalt  }
0x58: {  	_ =	shalt  }
0x59: {  	_ =	shalt  }
0x5a: {  	_ =	shalt  }
0x5b: {  	_ =	shalt  }
0x5c: {  	_ =	shalt  }
0x5d: {  	_ =	shalt  }
0x5e: {  	_ =	shalt  }
0x5f: {  	_ =	shalt  }
0x60: {  	_ =	shalt  }
0x61: {  	_ =	shalt  }
0x62: {  	_ =	shalt  }
0x63: {  	_ =	shalt  }
0x64: {  	_ =	shalt  }
0x65: {  	_ =	shalt  }
0x66: {  	_ =	shalt  }
0x67: {  	_ =	shalt  }
0x68: {  	_ =	shalt  }
0x69: {  	_ =	shalt  }
0x6a: {  	_ =	shalt  }
0x6b: {  	_ =	shalt  }
0x6c: {  	_ =	shalt  }
0x6d: {  	_ =	shalt  }
0x6e: {  	_ =	shalt  }
0x6f: {  	_ =	shalt  }
0x70: {  	_ =	shalt  }
0x71: {  	_ =	shalt  }
0x72: {  	_ =	shalt  }
0x73: {  	_ =	shalt  }
0x74: {  	_ =	shalt  }
0x75: {  	_ =	shalt  }
0x76: {  	_ =	shalt  }
0x77: {  	_ =	shalt  }
0x78: {  	_ =	shalt  }
0x79: {  	_ =	shalt  }
0x7a: {  	_ =	shalt  }
0x7b: {  	_ =	shalt  }
0x7c: {  	_ =	shalt  }
0x7d: {  	_ =	shalt  }
0x7e: {  	_ =	shalt  }
0x7f: {  	_ =	shalt  }
0x80: {  	_ =	shalt  }
0x81: {  	_ =	shalt  }
0x82: {  	_ =	shalt  }
0x83: {  	_ =	shalt  }
0x84: {  	_ =	shalt  }
0x85: {  	_ =	shalt  }
0x86: {  	_ =	shalt  }
0x87: {  	_ =	shalt  }
.Lfunc_end0:
.L_simem_size_0:
called_computation.3_lowered:
.L_overlay_start_0:
0x88: {  	s2 =	sld [smem:$0x3FD9]  }
0x89: {  	s3 =	sld [smem:$0x3FFE];
	_ =	sdelay $0x1  }
0x8a: {  	s1 =	srdreg.scid  }
0x8b: {  	s0 =	sand.u32 $0x1, s1  }
0x8c: {  	s17 =	sshll.u32 s0, $0xA;
	s2 =	sadd.s32 s3, s2  }
0x8d: {  	s2 =	sadd.s32 s2, s17  }
0x8e: {  	[smem:$0x3FC0] =	sst s2  }
0x8f: {  	_ = 	snop  }
0x90: {  	s2 =	sld [smem:$0x3FD0];
	(tm) =	ssettm $0x1  }
0x91: {  	s18 =	sld [smem:$0x3FFB];
	_ =	sdelay $0x3  }
0x92: {  	_ =	strace s18  }
0x93: {  	s3 =	sld [smem:$0x3FFC];
	_ =	sdelay $0x3  }
0x94: {  	_ =	strace s3  }
0x95: {  	s3 =	sld [smem:$0x3FFD];
	_ =	sdelay $0x3  }
0x96: {  	_ =	strace s3  }
0x97: {  	_ =	strace $0x8FFFFFFF  }
0x98: {  	s19 =	sld [smem:$0x3FDB];
	_ =	sdelay $0x1  }
0x99: {  	s4 =	simm.s32 $_scs_section_size  }
0x9a: {  	s5 =	simm.s32 $_size__tile_overlayer_lowered;
	s6 =	simm.s32 $_tile_overlayer_lowered  }
0x9b: {  	s22 =	simm.s32 $0x1BFF;
	s21 =	sshll.u32 s6, $0x1;
	s3 =	sadd.s32 s4, s19  }
0x9c: {  	s7 =	simm.s32 $0x0;
	s20 =	sshll.u32 s5, $0x1;
	s5 =	sadd.s32 s21, s3  }
0x9d: {  	[timem:s7], [sflag:s22] =	dma.local [hbm:s5], s20  }
0x9e: {  	_ =	swait.ge [sflag:s22], s20  }
0x9f: {  	s4 =	ssub.s32 $0x0, s20;
	[sflag:s22] =	ssyncset.done $0x0  }
0xa0: {  	[sflag:s22] =	ssyncadd.s32 s4;
	_ =	sdelay $0x1  }
0xa1: {  	s23 =	simm.s32 $0x1B8B  }
0xa2: {  	_ =	swait.ge [sflag:s23], $0x1  }
0xa3: {  	[sflag:s23] =	ssyncset.done $0x0  }
0xa4: {  	s25 =	simm.s32 $0x1B8E;
	s24 =	sld [smem:$0x3FFE];
	[sflag:s23] =	ssyncadd.s32 $0xFFFFFFFF  }
0xa5: {  	s26 =	simm.s32 $execute0_lowered;
	[smem:$0x3FD2] =	sst s25  }
0xa6: {  	s5 =	sshll.u32 s26, $0x1;
	_ =	strace $0x8000004F;
	[dreg:$0x1] =	wrdreg $0xFFFFFFFF  }
0xa7: {  	s28 =	simm.s32 $_size_execute0_lowered;
	s3 =	sadd.s32 s3, s5;
	[dreg:$0x0] =	wrdreg $0x0  }
0xa8: {  	s5 =	sshll.u32 s28, $0x1;
	[dreg:$0x2] =	wrdreg s3  }
0xa9: {  	[dreg:$0x3] =	wrdreg s5  }
0xaa: {  	[dreg:$0x4] =	wrdreg $0xC0  }
0xab: {  	_ =	task [dreg:s7], $0x5FFFF  }
0xac: {  	[dreg:$0x1] =	wrdreg $0xFFFFFFFF  }
0xad: {  	[dreg:$0x0] =	wrdreg $0x60  }
0xae: {  	[dreg:$0x2] =	wrdreg s24  }
0xaf: {  	[dreg:$0x3] =	wrdreg s2  }
0xb0: {  	[dreg:$0x4] =	wrdreg $0x82000  }
0xb1: {  	[dreg:$0x5] =	wrdreg $0x9  }
0xb2: {  	_ =	task.clear_ibuf [dreg:s7], $0x6FFFF;
	_ =	strace $0x9000004F  }
0xb3: {  	s29 =	simm.s32 $0x9;
	_ =	strace $0x80000051  }
0xb4: {  	_ =	swait.ge [sflag:s29], $0x1  }
0xb5: {  	[sflag:s29] =	ssyncadd.s32 $0xFFFFFFFF  }
0xb6: {  	_ =	strace $0x90000051  }
0xb7: {  	_ =	sfence  }
0xb8: {  	s30 =	sld [smem:$0x0];
	_ =	sdelay $0x2  }
0xb9: {  	s31 =	sshll.u32 s1, $0xD;
	s1 =	sshrl.u32 s1, $0x2  }
0xba: {  	s3 =	sand.u32 $0x4000, s31;
	s1 =	sadd.s32 s1, s30  }
0xbb: {  	s0 =	sor.u32 s3, s0;
	s1 =	sshll.u32 s1, $0x11  }
0xbc: {  	s0 =	sor.u32 s1, s0  }
0xbd: {  	s0 =	sadd.s32 $0x8F2B, s0  }
0xbe: {  	[sflag:s0] =	ssyncadd.remote.s32 $0x1  }
0xbf: {  	_ =	sfence.sel $0xFFFF  }
0xc0: {  	[dreg:$0x0] =	wrdreg $0xFFFFFFFF;
	(pc) =	sbr.abs _section_cstart, $3  }
0xc1: {  	[dreg:$0x1] =	wrdreg $0xFFFFFFFF  }
0xc2: {  	_ =	task.clear_ibuf [dreg:s7], $0x2FFFF;
	_ =	strace $0x9FFFFFFF  }
0xc3: {  	(tm) =	ssettm $0x7FFFFFFF  }
tec
execute0_lowered:
.L_overlay_start_1:
0x0: {  	(tag) =	ssettag $0x1  }
0x1: {  	s0 =	rddreg [dreg:$0x0]  }
0x2: {  	s9 =	rddreg [dreg:$0x1];
	s1 =	srdreg.scid  }
0x3: {  	s2 =	rddreg [dreg:$0x2];
	s29 =	stileid.u32;
	s3 =	simm.s32 $0x0  }
0x4: {  	s13 =	simm.s32 $0x100;
	s14 =	simm.s32 $0x4200;
	s15 =	simm.s32 $0x1  }
0x5: {  	s16 =	simm.s32 $0x200;
	s17 =	simm.s32 $0x2;
	s18 =	simm.s32 $0x180  }
0x6: {  	s19 =	simm.s32 $0x0;
	s12 =	sand.u32 $0x1, s1;
	s5 =	smul.u32 $0x14000, s29  }
0x7: {  	[smem:$0x7FF] =	sst s3;
	s7 =	smul.u32 $0x50000, s29;
	s10 =	sshll.u32 s29, $0x6  }
0x8: {  	s31 =	sshll.u32 s29, $0x5;
	s4 =	smul.u32 $0x140000, s12;
	_ =	strace $0x80000050  }
0x9: {  	s30 =	ssub.s32 $0x2, s12;
	s9 =	sadd.s32 s31, s9;
	p0 =	seq.s32 s12, $0x0  }
0xa: {  	s12 =	simm.s32 $0x80;
	s8 =	sshrl.u32 s30, $0x1;
	s7 =	sshrl.u32 s7, $0x2  }
0xb: {  	s5 =	sadd.s32 s5, s4;
	s4 =	sadd.s32 $0x10200, s0;
	s8 =	ssub.s32 s30, s8  }
0xc: {  	s11 =	sadd.s32 s7, s2;
	s6 =	sshrl.u32 s5, $0x3;
	s5 =	sadd.s32 $0xDA00, s0  }
0xd: {  	s8 =	smax.u32 s8, $0x1;
	s0 =	sadd.s32 s6, s0;
	s6 =	sor.u32 $0x1C03, s10  }
0xe: {  	s10 =	sshrl.u32 s11, $0x3;
	s11 =	simm.s32 $0x3;
	s7 =	sadd.s32 $0x60200, s0  }
.LBB2_1:
0xf: {  	[spmem:s10], [sflag:s6] =	dma.local [hbm:s5], $0x2800  }
0x10: {  	_ =	swait.ge [sflag:s11], $0x2800  }
0x11: {  	[sflag:s11] =	ssyncset.done $0x0  }
0x12: {  	[sflag:s11] =	ssyncadd.s32 $0xFFFFD800  }
0x13: {  	s0 =	sadd.s32 $0x0, s9;
	[bflag:$0x0] =	sbarrier.arrive $0xFFFF  }
0x14: {  	[tilespmem:s3], [sflag:$0x3] =	stream.linear.gather [hbm4b:s0+s3], $0x100, $0x38;
	[tilespmem:$0x1C200] =	vst v63  }
0x15: {  	_ =	swait.ge [sflag:s11], $0x100  }
0x16: {  	s20 =	simm.s32 @p0 $0x200;
	s21 =	simm.s32 @p0 $0x80;
	[sflag:s11] =	ssyncset.done $0x0  }
0x17: {  	s22 =	simm.s32 @p0 $0x0;
	s0 =	sadd.s32 @p0 $0x0, s9;
	[sflag:s11] =	ssyncadd.s32 $0xFFFFFF00  }
0x18: {  	[tilespmem:s20], [sflag:$0x1] =	stream.indirect.gather @p0 [hbm4b:s4+s21], $0x80, s22, s21, $0xb8;
	[tilespmem:$0x1C200] =	vst v63  }
0x19: {  	s23 =	simm.s32 @p0 $0x100;
	s24 =	simm.s32 @p0 $0x3;
	s0 =	sadd.s32 @p0 $0x200, s0  }
0x1a: {  	[tilespmem:s23], [sflag:$0x3] =	stream.linear.gather @p0 [hbm4b:s0+s22], $0x100, $0x38;
	[tilespmem:$0x1C200] =	vst v63  }
0x1b: {  	_ =	swait.ge @p0 [sflag:s24], $0x100  }
0x1c: {  	[sflag:s24] =	ssyncset.done @p0 $0x0  }
0x1d: {  	[sflag:s24] =	ssyncadd.s32 @p0 $0xFFFFFF00  }
0x1e: {  	v0 =	vld @!p0 [tilespmem:$0x20]  }
0x1f: {  	v1 =	vld @!p0 [tilespmem:$0x10]  }
0x20: {  	v2 =	vld @!p0 [tilespmem:$0x60]  }
0x21: {  	v3 =	vld @!p0 [tilespmem:$0x70]  }
0x22: {  	v4 =	vld @!p0 [tilespmem:$0x40]  }
0x23: {  	v5 =	vld @!p0 [tilespmem:$0x0];
	v0 =	vadd.s32 @!p0 $0x2800, v0  }
0x24: {  	v6 =	vld @!p0 [tilespmem:$0x50];
	v1 =	vadd.s32 @!p0 $0x2800, v1;
	[tilespmem:$0x20] =	vst @!p0 v0  }
0x25: {  	v0 =	vld @!p0 [tilespmem:$0x30];
	[tilespmem:$0x10] =	vst @!p0 v1;
	v1 =	vadd.s32 @!p0 $0x2800, v2  }
0x26: {  	v2 =	vadd.s32 @!p0 $0x2800, v3;
	[tilespmem:$0x60] =	vst @!p0 v1  }
0x27: {  	v1 =	vadd.s32 @!p0 $0x2800, v4;
	[tilespmem:$0x70] =	vst @!p0 v2  }
0x28: {  	v2 =	vadd.s32 @!p0 $0x2800, v5;
	[tilespmem:$0x40] =	vst @!p0 v1  }
0x29: {  	[tilespmem:$0x0] =	vst @!p0 v2;
	v1 =	vadd.s32 @!p0 $0x2800, v6  }
0x2a: {  	s25 =	simm.s32 @!p0 $0x80;
	[tilespmem:$0x50] =	vst @!p0 v1;
	v0 =	vadd.s32 @!p0 $0x2800, v0  }
0x2b: {  	s26 =	simm.s32 @!p0 $0x0;
	s28 =	simm.s32 @!p0 $0x200;
	s0 =	sadd.s32 @!p0 $0x0, s9;
	[tilespmem:$0x30] =	vst @!p0 v0  }
0x2c: {  	[tilespmem:s28], [sflag:$0x1] =	stream.indirect.gather @!p0 [hbm4b:s4+s25], $0x80, s26, s25, $0xb8;
	[tilespmem:$0x1C200] =	vst v63  }
0x2d: {  	s29 =	simm.s32 @!p0 $0x100;
	s30 =	simm.s32 @!p0 $0x3;
	s0 =	sadd.s32 @!p0 $0x200, s0  }
0x2e: {  	[tilespmem:s29], [sflag:$0x3] =	stream.linear.gather @!p0 [hbm4b:s0+s26], $0x100, $0x38;
	[tilespmem:$0x1C200] =	vst v63  }
0x2f: {  	_ =	swait.ge @!p0 [sflag:s30], $0x100  }
0x30: {  	[sflag:s30] =	ssyncset.done @!p0 $0x0  }
0x31: {  	s31 =	simm.s32 $0x400;
	[sflag:s30] =	ssyncadd.s32 @!p0 $0xFFFFFF00  }
.LBB2_2:
0x32: {  	v0 =	vld @!p0 [tilespmem:$0x170];
	s0 =	smov.u32 s31;
	s31 =	sadd.s32 $0x400, s31  }
0x33: {  	p1 =	sne.s32 s31, $0xA000;
	v1 =	vld @!p0 [tilespmem:$0x160]  }
0x34: {  	v2 =	vld @!p0 [tilespmem:$0x150]  }
0x35: {  	v3 =	vld @!p0 [tilespmem:$0x140]  }
0x36: {  	v4 =	vld @!p0 [tilespmem:$0x130]  }
0x37: {  	v5 =	vld @!p0 [tilespmem:$0x120];
	v0 =	vadd.s32 @!p0 $0x2800, v0  }
0x38: {  	v6 =	vld @!p0 [tilespmem:$0x110];
	v1 =	vadd.s32 @!p0 $0x2800, v1;
	[tilespmem:$0x170] =	vst @!p0 v0  }
0x39: {  	v0 =	vld @!p0 [tilespmem:$0x100];
	v2 =	vadd.s32 @!p0 $0x2800, v2;
	[tilespmem:$0x160] =	vst @!p0 v1  }
0x3a: {  	v1 =	vadd.s32 @!p0 $0x2800, v3;
	[tilespmem:$0x150] =	vst @!p0 v2  }
0x3b: {  	v2 =	vadd.s32 @!p0 $0x2800, v4;
	[tilespmem:$0x140] =	vst @!p0 v1  }
0x3c: {  	v1 =	vadd.s32 @!p0 $0x2800, v5;
	[tilespmem:$0x130] =	vst @!p0 v2  }
0x3d: {  	v2 =	vadd.s32 @!p0 $0x2800, v6;
	[tilespmem:$0x120] =	vst @!p0 v1  }
0x3e: {  	v0 =	vadd.s32 @!p0 $0x2800, v0;
	[tilespmem:$0x110] =	vst @!p0 v2  }
0x3f: {  	[tilespmem:$0x100] =	vst @!p0 v0  }
0x40: {  	[tilespmem:s14], [sflag:$0x2] =	stream.indirect.gather [hbm4b:s4+s12], $0x80, s13, s12, $0xb8;
	[tilespmem:$0x1C200] =	vst v63  }
0x41: {  	_ =	swait.ge [sflag:s15], $0x4000  }
0x42: {  	[sflag:s15] =	ssyncset.done $0x0  }
0x43: {  	[sflag:s15] =	ssyncadd.s32 $0xFFFFC000  }
0x44: {  	[spmem:s2] =	stream.indirect.scatter.add.f32 [tilespmem:s16], [sflag:$0x3], $0x80, s12, s12, $0xb8;
	[tilespmem:$0x1C200] =	vst v63  }
0x45: {  	_ =	swait.ge [sflag:s11], $0x4000  }
0x46: {  	[sflag:s11] =	ssyncset.done $0x0  }
0x47: {  	[sflag:s11] =	ssyncadd.s32 $0xFFFFC000  }
0x48: {  	_ =	swait.ge [sflag:s17], $0x4000  }
0x49: {  	[sflag:s17] =	ssyncset.done $0x0  }
0x4a: {  	[sflag:s17] =	ssyncadd.s32 $0xFFFFC000  }
0x4b: {  	[spmem:s2] =	stream.indirect.scatter.add.f32 [tilespmem:s14], [sflag:$0x3], $0x80, s18, s12, $0xb8;
	[tilespmem:$0x1C200] =	vst v63  }
0x4c: {  	_ =	swait.ge [sflag:s11], $0x4000  }
0x4d: {  	[sflag:s11] =	ssyncset.done $0x0  }
0x4e: {  	s1 =	sadd.s32 s0, s9;
	[sflag:s11] =	ssyncadd.s32 $0xFFFFC000  }
0x4f: {  	[tilespmem:s3], [sflag:$0x3] =	stream.linear.gather [hbm4b:s1+s3], $0x100, $0x38;
	[tilespmem:$0x1C200] =	vst v63  }
0x50: {  	_ =	swait.ge [sflag:s11], $0x100  }
0x51: {  	s1 =	sadd.s32 @p0 s0, s9;
	[sflag:s11] =	ssyncset.done $0x0  }
0x52: {  	[sflag:s11] =	ssyncadd.s32 $0xFFFFFF00  }
0x53: {  	[tilespmem:s20], [sflag:$0x1] =	stream.indirect.gather @p0 [hbm4b:s4+s21], $0x80, s22, s21, $0xb8;
	[tilespmem:$0x1C200] =	vst v63  }
0x54: {  	s1 =	sadd.s32 @p0 $0x200, s1  }
0x55: {  	[tilespmem:s23], [sflag:$0x3] =	stream.linear.gather @p0 [hbm4b:s1+s22], $0x100, $0x38;
	[tilespmem:$0x1C200] =	vst v63  }
0x56: {  	_ =	swait.ge @p0 [sflag:s24], $0x100  }
0x57: {  	[sflag:s24] =	ssyncset.done @p0 $0x0  }
0x58: {  	[sflag:s24] =	ssyncadd.s32 @p0 $0xFFFFFF00  }
0x59: {  	v0 =	vld @!p0 [tilespmem:$0x70]  }
0x5a: {  	v1 =	vld @!p0 [tilespmem:$0x20]  }
0x5b: {  	v2 =	vld @!p0 [tilespmem:$0x10]  }
0x5c: {  	v3 =	vld @!p0 [tilespmem:$0x60]  }
0x5d: {  	v4 =	vld @!p0 [tilespmem:$0x50]  }
0x5e: {  	v5 =	vld @!p0 [tilespmem:$0x40]  }
0x5f: {  	v6 =	vld @!p0 [tilespmem:$0x0];
	v1 =	vadd.s32 @!p0 $0x2800, v1  }
0x60: {  	v2 =	vadd.s32 @!p0 $0x2800, v2;
	[tilespmem:$0x20] =	vst @!p0 v1;
	v1 =	vld @!p0 [tilespmem:$0x30]  }
0x61: {  	v0 =	vadd.s32 @!p0 $0x2800, v0;
	[tilespmem:$0x10] =	vst @!p0 v2;
	v2 =	vadd.s32 @!p0 $0x2800, v3  }
0x62: {  	v3 =	vadd.s32 @!p0 $0x2800, v4;
	[tilespmem:$0x60] =	vst @!p0 v2  }
0x63: {  	v2 =	vadd.s32 @!p0 $0x2800, v5;
	[tilespmem:$0x70] =	vst @!p0 v0  }
0x64: {  	v0 =	vadd.s32 @!p0 $0x2800, v6;
	[tilespmem:$0x40] =	vst @!p0 v2  }
0x65: {  	[tilespmem:$0x0] =	vst @!p0 v0;
	v0 =	vadd.s32 @!p0 $0x2800, v1  }
0x66: {  	s0 =	sadd.s32 @!p0 s0, s9;
	[tilespmem:$0x30] =	vst @!p0 v0  }
0x67: {  	[tilespmem:$0x50] =	vst @!p0 v3  }
0x68: {  	[tilespmem:s28], [sflag:$0x1] =	stream.indirect.gather @!p0 [hbm4b:s4+s25], $0x80, s26, s25, $0xb8;
	[tilespmem:$0x1C200] =	vst v63  }
.Ltmp0:
0x69: {  	s0 =	sadd.s32 @!p0 $0x200, s0;
	(pc) =	sbr.rel @p1 .LBB2_2-.Ltmp0, $4  }
0x6a: {  	[tilespmem:s29], [sflag:$0x3] =	stream.linear.gather @!p0 [hbm4b:s0+s26], $0x100, $0x38;
	[tilespmem:$0x1C200] =	vst v63  }
0x6b: {  	_ =	swait.ge @!p0 [sflag:s30], $0x100  }
0x6c: {  	[sflag:s30] =	ssyncset.done @!p0 $0x0  }
0x6d: {  	[sflag:s30] =	ssyncadd.s32 @!p0 $0xFFFFFF00  }
0x6e: {  	v0 =	vld @!p0 [tilespmem:$0x170]  }
0x6f: {  	v1 =	vld @!p0 [tilespmem:$0x160]  }
0x70: {  	v2 =	vld @!p0 [tilespmem:$0x150]  }
0x71: {  	v3 =	vld @!p0 [tilespmem:$0x140]  }
0x72: {  	v4 =	vld @!p0 [tilespmem:$0x130]  }
0x73: {  	v5 =	vld @!p0 [tilespmem:$0x120];
	v0 =	vadd.s32 @!p0 $0x2800, v0  }
0x74: {  	v6 =	vld @!p0 [tilespmem:$0x110];
	v1 =	vadd.s32 @!p0 $0x2800, v1;
	[tilespmem:$0x170] =	vst @!p0 v0  }
0x75: {  	v2 =	vadd.s32 @!p0 $0x2800, v2;
	v0 =	vld @!p0 [tilespmem:$0x100];
	[tilespmem:$0x160] =	vst @!p0 v1  }
0x76: {  	v1 =	vadd.s32 @!p0 $0x2800, v3;
	[tilespmem:$0x150] =	vst @!p0 v2  }
0x77: {  	v2 =	vadd.s32 @!p0 $0x2800, v4;
	[tilespmem:$0x140] =	vst @!p0 v1  }
0x78: {  	v1 =	vadd.s32 @!p0 $0x2800, v5;
	[tilespmem:$0x130] =	vst @!p0 v2  }
0x79: {  	v2 =	vadd.s32 @!p0 $0x2800, v6;
	[tilespmem:$0x120] =	vst @!p0 v1  }
0x7a: {  	[tilespmem:$0x110] =	vst @!p0 v2;
	v0 =	vadd.s32 @!p0 $0x2800, v0  }
0x7b: {  	[tilespmem:$0x100] =	vst @!p0 v0  }
0x7c: {  	[tilespmem:s14], [sflag:$0x2] =	stream.indirect.gather [hbm4b:s4+s12], $0x80, s13, s12, $0xb8;
	[tilespmem:$0x1C200] =	vst v63  }
0x7d: {  	_ =	swait.ge [sflag:s15], $0x4000  }
0x7e: {  	[sflag:s15] =	ssyncset.done $0x0  }
0x7f: {  	[sflag:s15] =	ssyncadd.s32 $0xFFFFC000  }
0x80: {  	[spmem:s2] =	stream.indirect.scatter.add.f32 [tilespmem:s16], [sflag:$0x3], $0x80, s12, s12, $0xb8;
	[tilespmem:$0x1C200] =	vst v63  }
0x81: {  	_ =	swait.ge [sflag:s11], $0x4000  }
0x82: {  	[sflag:s11] =	ssyncset.done $0x0  }
0x83: {  	[sflag:s11] =	ssyncadd.s32 $0xFFFFC000  }
0x84: {  	_ =	swait.ge [sflag:s17], $0x4000  }
0x85: {  	[sflag:s17] =	ssyncset.done $0x0  }
0x86: {  	[sflag:s17] =	ssyncadd.s32 $0xFFFFC000  }
0x87: {  	[spmem:s2] =	stream.indirect.scatter.add.f32 [tilespmem:s14], [sflag:$0x3], $0x80, s18, s12, $0xb8;
	[tilespmem:$0x1C200] =	vst v63  }
0x88: {  	_ =	swait.ge [sflag:s11], $0x4000  }
0x89: {  	s19 =	sadd.s32 $0x1, s19;
	[sflag:s11] =	ssyncset.done $0x0  }
0x8a: {  	p1 =	sne.s32 s19, s8;
	[sflag:s11] =	ssyncadd.s32 $0xFFFFC000  }
.Ltmp1:
0x8b: {  	[bflag:$0x0] =	sbarrier.arrive $0xFFFF;
	(pc) =	sbr.rel @p1 .LBB2_1-.Ltmp1, $4  }
0x8c: {  	[hbm:s7], [sflag:s6] =	dma.local [spmem:s10], $0x2800  }
0x8d: {  	_ =	swait.ge [sflag:s11], $0x2800  }
0x8e: {  	[sflag:s11] =	ssyncset.done $0x0  }
0x8f: {  	[sflag:s11] =	ssyncadd.s32 $0xFFFFD800  }
0x90: {  	_ =	sfence.sel $0x180000  }
0x91: {  	[bflag:$0x0] =	sbarrier.arrive $0xFFFF  }
0x92: {  	_ =	strace $0x90000050  }
0x93: {  	s0 =	stileid.u32;
	[bflag:$0x2] =	sbarrier.arrive $0xFFFF  }
0x94: {  	p0 =	sne.s32 s0, $0x0;
	s0 =	rddreg [dreg:$0x3]  }
0x95: {  	s0 =	sadd.s32 @!p0 $0x100000, s0  }
0x96: {  	[sflag:s0] =	ssyncadd.tile.s32 @!p0 $0x1;
	_ =	shalt  }
.Lfunc_end2:
_tile_overlayer_lowered:
.L_overlay_start_2:
0x97: {  	(tag) =	ssettag $0x2  }
0x98: {  	s0 =	rddreg [dreg:$0x0];
	s2 =	stileid.u32  }
0x99: {  	s1 =	rddreg [dreg:$0x1];
	p0 =	sne.s32 s2, $0x0  }
0x9a: {  	s3 =	rddreg [dreg:$0x2];
	[bflag:$0x3] =	sbarrier.arrive $0xFFFF;
	s2 =	simm.s32 @!p0 $0x1C03  }
0x9b: {  	[timem:s3], [sflag:s2] =	dma.local @!p0 [hbm:s0], s1  }
0x9c: {  	s0 =	simm.s32 @!p0 $0x3  }
0x9d: {  	_ =	swait.ge @!p0 [sflag:s0], s1  }
0x9e: {  	s1 =	ssub.s32 @!p0 $0x0, s1;
	[sflag:s0] =	ssyncset.done @!p0 $0x0  }
0x9f: {  	[sflag:s0] =	ssyncadd.s32 @!p0 s1  }
0xa0: {  	[bflag:$0x3] =	sbarrier.arrive $0xFFFF  }
0xa1: {  	_ =	shalt  }

</sc_bundles>
